<compile_context>
chip_gen: v7x
topology: tpu7x:2x2x1
jax: 0.10.2.dev20260603
libtpu: 0.0.44.dev20260713+nightly
codegen_flags: <defaults>
</compile_context>

<pallas_src>
import functools

import jax
import jax.numpy as jnp
from jax import lax
from jax.experimental import pallas as pl
from jax.experimental.pallas import tpu as pltpu
from jax.experimental.pallas import tpu_sc as plsc

_NC = 2
_NS = 16
_NW = _NC * _NS
_CH = 16
_LANES = 16


def kernel(x, pos_table):
    b, s, h = x.shape
    s_per_w = s // _NW
    n_chunks = s_per_w // _CH
    n_steps = n_chunks * b
    groups = h // _LANES

    mesh = plsc.VectorSubcoreMesh(core_axis_name="c", subcore_axis_name="s")

    @functools.partial(
        pl.kernel,
        mesh=mesh,
        out_type=jax.ShapeDtypeStruct((b, s, h), jnp.float32),
        scratch_types=[
            pltpu.VMEM((2, _CH, h), jnp.float32),
            pltpu.VMEM((2, _CH, h), jnp.float32),
            pltpu.SemaphoreType.DMA,
            pltpu.SemaphoreType.DMA,
            pltpu.SemaphoreType.DMA,
            pltpu.SemaphoreType.DMA,
            pltpu.SemaphoreType.DMA,
            pltpu.SemaphoreType.DMA,
        ],
    )
    def sc_add(x_hbm, pos_hbm, out_hbm, xbuf, pbuf,
               xsem0, xsem1, osem0, osem1, psem0, psem1):
        xsems = (xsem0, xsem1)
        osems = (osem0, osem1)
        psems = (psem0, psem1)
        wid = lax.axis_index("s") * _NC + lax.axis_index("c")
        s_base = wid * s_per_w

        def x_copy(t, k):
            c = t // b
            bb = t - c * b
            s0 = s_base + c * _CH
            return pltpu.make_async_copy(
                x_hbm.at[bb, pl.ds(s0, _CH)], xbuf.at[k], xsems[k])

        def out_copy(t, k):
            c = t // b
            bb = t - c * b
            s0 = s_base + c * _CH
            return pltpu.make_async_copy(
                xbuf.at[k], out_hbm.at[bb, pl.ds(s0, _CH)], osems[k])

        def pos_copy(c, k):
            s0 = s_base + c * _CH
            return pltpu.make_async_copy(
                pos_hbm.at[pl.ds(s0, _CH)], pbuf.at[k], psems[k])

        x_copy(0, 0).start()
        pos_copy(0, 0).start()

        def pair_body(it, carry):
            t_base = it * 2 * b
            for j in range(2 * b):
                k = j % 2
                pb = j // b
                t = t_base + j
                c = t // b
                if j % b == 0:
                    @pl.when(c + 1 < n_chunks)
                    def _():
                        pos_copy(c + 1, 1 - pb).start()
                    pos_copy(c, pb).wait()
                x_copy(t, k).wait()
                @pl.when(t >= 1)
                def _():
                    out_copy(t - 1, 1 - k).wait()

                @pl.when(t + 1 < n_steps)
                def _():
                    x_copy(t + 1, 1 - k).start()

                @plsc.parallel_loop(0, _CH * h, _LANES, unroll=8)
                def _(i):
                    r = i // h
                    g = i - r * h
                    plsc.addupdate(
                        xbuf.at[k, r, pl.ds(g, _LANES)],
                        pbuf[pb, r, pl.ds(g, _LANES)],
                    )
                out_copy(t, k).start()
            return carry

        lax.fori_loop(0, n_steps // (2 * b), pair_body, 0)
        out_copy(n_steps - 1, (n_steps - 1) % 2).wait()

    return sc_add(x, pos_table)

# --- scband reference (transcript-rebuilt; emitter-appended) ---
"""Pipeline reference for scband-learned-positional-encoding-1589137900330 (READ-ONLY COPY).

The authoritative reference and input builder live on the scoring server;
editing this copy changes nothing except your own understanding.
"""

import jax, jax.numpy as jnp
import numpy as np

B, S, H = 4, 8192, 1024
MAXLEN = 8192

def setup_inputs(seed: int = 0) -> dict:
    key = jax.random.key(seed)
    k1, k2 = jax.random.split(key)
    x = jax.random.normal(k1, (B, S, H), dtype=jnp.float32)
    # learned positional embedding table (nn.Embedding weight), N(0,1) like torch default
    pos_table = jax.random.normal(k2, (MAXLEN, H), dtype=jnp.float32)
    return {"x": x, "pos_table": pos_table}

def reference(x, pos_table):
    b, s, h = x.shape
    position_ids = jnp.broadcast_to(jnp.arange(s, dtype=jnp.int32)[None, :], (b, s))
    position_embeddings = jnp.take(pos_table, position_ids, axis=0)  # [B, S, H] gather
    # concat=False branch: additive positional encoding
    return x + position_embeddings

if __name__ == "__main__":
    import jax
    _d = setup_inputs()
    print(jax.jit(kernel)(*tuple(_d.values())))

</pallas_src>

<mosaic_0001>
#map = affine_map<(d0, d1) -> (0, 0, 0)>
#map1 = affine_map<(d0, d1) -> (0, 0)>
module attributes {stable_mosaic.version = 14 : i64} {
  func.func @sc_add(%arg0: i32, %arg1: i32, %arg2: memref<4x8192x1024xf32, #tpu.memory_space<hbm>>, %arg3: memref<8192x1024xf32, #tpu.memory_space<hbm>>, %arg4: memref<4x8192x1024xf32, #tpu.memory_space<hbm>>, %arg5: memref<2x16x1024xf32, #tpu.memory_space<vmem>>, %arg6: memref<2x16x1024xf32, #tpu.memory_space<vmem>>, %arg7: memref<!tpu.dma_semaphore, #tpu.memory_space<semaphore_mem>>, %arg8: memref<!tpu.dma_semaphore, #tpu.memory_space<semaphore_mem>>, %arg9: memref<!tpu.dma_semaphore, #tpu.memory_space<semaphore_mem>>, %arg10: memref<!tpu.dma_semaphore, #tpu.memory_space<semaphore_mem>>, %arg11: memref<!tpu.dma_semaphore, #tpu.memory_space<semaphore_mem>>, %arg12: memref<!tpu.dma_semaphore, #tpu.memory_space<semaphore_mem>>) attributes {dimension_semantics = [#tpu.dimension_semantics<core_parallel>, #tpu.dimension_semantics<subcore_parallel>], iteration_bounds = array<i64: 2, 16>, scalar_prefetch = 0 : i64, scratch_operands = 8 : i64, tpu.core_type = #tpu.core_type<sc_vector_subcore>, window_params = [{transform_indices = #map}, {transform_indices = #map1}, {transform_indices = #map}]} {
    %mul3A = arith.constant 2 : i32
    %mul3A_0 = arith.muli %arg1, %mul3A : i32
    %add3A = arith.addi %mul3A_0, %arg0 : i32
    %mul3A_1 = arith.constant 256 : i32
    %mul3A_2 = arith.muli %add3A, %mul3A_1 : i32
    %add3A_3 = arith.constant 0 : i32
    %add3A_4 = arith.addi %mul3A_2, %add3A_3 : i32
    %dma_start3A = arith.constant 0 : i32
    %dma_start3A_5 = arith.constant 0 : i32
    %dma_start3A_6 = arith.constant 0 : i32
    %dma_start3A_7 = arith.constant 0 : i32
    %dma_start3A_8 = tpu.memref_slice %arg5[%dma_start3A_5, %dma_start3A_6, %dma_start3A_7] : memref<2x16x1024xf32, #tpu.memory_space<vmem>> -> memref<1x16x1024xf32, #tpu.memory_space<vmem>>
    %dma_start3A_9 = tpu.memref_squeeze %dma_start3A_8 : memref<1x16x1024xf32, #tpu.memory_space<vmem>> -> memref<16x1024xf32, #tpu.memory_space<vmem>>
    %dma_start3A_10 = arith.constant 0 : i32
    %dma_start3A_11 = tpu.memref_slice %arg2[%dma_start3A, %add3A_4, %dma_start3A_10] : memref<4x8192x1024xf32, #tpu.memory_space<hbm>> -> memref<1x16x1024xf32, #tpu.memory_space<hbm>>
    %dma_start3A_12 = tpu.memref_squeeze %dma_start3A_11 : memref<1x16x1024xf32, #tpu.memory_space<hbm>> -> memref<16x1024xf32, #tpu.memory_space<hbm>>
    %dma_start3A_13 = arith.constant 0 : i32
    %dma_start3A_14 = arith.constant 0 : i32
    %dma_start3A_15 = tpu.memref_slice %arg5[%dma_start3A_5, %dma_start3A_13, %dma_start3A_14] : memref<2x16x1024xf32, #tpu.memory_space<vmem>> -> memref<1x16x1024xf32, #tpu.memory_space<vmem>>
    %dma_start3A_16 = tpu.memref_squeeze %dma_start3A_15 : memref<1x16x1024xf32, #tpu.memory_space<vmem>> -> memref<16x1024xf32, #tpu.memory_space<vmem>>
    %dma_start3A_17 = arith.constant 0 : i32
    %dma_start3A_18 = tpu.memref_slice %arg2[%dma_start3A, %add3A_4, %dma_start3A_17] : memref<4x8192x1024xf32, #tpu.memory_space<hbm>> -> memref<1x16x1024xf32, #tpu.memory_space<hbm>>
    %dma_start3A_19 = tpu.memref_squeeze %dma_start3A_18 : memref<1x16x1024xf32, #tpu.memory_space<hbm>> -> memref<16x1024xf32, #tpu.memory_space<hbm>>
    tpu.enqueue_dma source(%dma_start3A_19 : memref<16x1024xf32, #tpu.memory_space<hbm>>) target(%dma_start3A_16 : memref<16x1024xf32, #tpu.memory_space<vmem>>) target_semaphore(%arg7 : memref<!tpu.dma_semaphore, #tpu.memory_space<semaphore_mem>>)
    %add3A_20 = arith.constant 0 : i32
    %add3A_21 = arith.addi %mul3A_2, %add3A_20 : i32
    %dma_start3A_22 = arith.constant 0 : i32
    %dma_start3A_23 = arith.constant 0 : i32
    %dma_start3A_24 = arith.constant 0 : i32
    %dma_start3A_25 = tpu.memref_slice %arg6[%dma_start3A_22, %dma_start3A_23, %dma_start3A_24] : memref<2x16x1024xf32, #tpu.memory_space<vmem>> -> memref<1x16x1024xf32, #tpu.memory_space<vmem>>
    %dma_start3A_26 = tpu.memref_squeeze %dma_start3A_25 : memref<1x16x1024xf32, #tpu.memory_space<vmem>> -> memref<16x1024xf32, #tpu.memory_space<vmem>>
    %dma_start3A_27 = arith.constant 0 : i32
    %dma_start3A_28 = tpu.memref_slice %arg3[%add3A_21, %dma_start3A_27] : memref<8192x1024xf32, #tpu.memory_space<hbm>> -> memref<16x1024xf32, #tpu.memory_space<hbm>>
    %dma_start3A_29 = arith.constant 0 : i32
    %dma_start3A_30 = arith.constant 0 : i32
    %dma_start3A_31 = tpu.memref_slice %arg6[%dma_start3A_22, %dma_start3A_29, %dma_start3A_30] : memref<2x16x1024xf32, #tpu.memory_space<vmem>> -> memref<1x16x1024xf32, #tpu.memory_space<vmem>>
    %dma_start3A_32 = tpu.memref_squeeze %dma_start3A_31 : memref<1x16x1024xf32, #tpu.memory_space<vmem>> -> memref<16x1024xf32, #tpu.memory_space<vmem>>
    %dma_start3A_33 = arith.constant 0 : i32
    %dma_start3A_34 = tpu.memref_slice %arg3[%add3A_21, %dma_start3A_33] : memref<8192x1024xf32, #tpu.memory_space<hbm>> -> memref<16x1024xf32, #tpu.memory_space<hbm>>
    tpu.enqueue_dma source(%dma_start3A_34 : memref<16x1024xf32, #tpu.memory_space<hbm>>) target(%dma_start3A_32 : memref<16x1024xf32, #tpu.memory_space<vmem>>) target_semaphore(%arg11 : memref<!tpu.dma_semaphore, #tpu.memory_space<semaphore_mem>>)
    %scan3A = arith.constant 0 : i32
    %scan3A_35 = arith.constant 0 : i32
    %scan3A_36 = arith.constant 8 : i32
    %scan3A_37 = arith.addi %scan3A_35, %scan3A_36 : i32
    %scan3A_38 = arith.constant 1 : i32
    scf.for %scan3A_57 = %scan3A_35 to %scan3A_37 step %scan3A_38  : i32 {
      %mul3A_58 = arith.constant 2 : i32
      %mul3A_59 = arith.muli %scan3A_57, %mul3A_58 : i32
      %mul3A_60 = arith.constant 4 : i32
      %mul3A_61 = arith.muli %mul3A_59, %mul3A_60 : i32
      %add3A_62 = arith.constant 0 : i32
      %add3A_63 = arith.addi %mul3A_61, %add3A_62 : i32
      %jit3A = arith.constant 4 : i32
      %div3A = arith.divsi %add3A_63, %jit3A : i32
      %sign3A = arith.constant 0 : i32
      %sign3A_64 = arith.cmpi sgt, %add3A_63, %sign3A : i32
      %sign3A_65 = arith.extui %sign3A_64 : i1 to i32
      %sign3A_66 = arith.constant 0 : i32
      %sign3A_67 = arith.cmpi slt, %add3A_63, %sign3A_66 : i32
      %sign3A_68 = arith.extui %sign3A_67 : i1 to i32
      %sign3A_69 = arith.subi %sign3A_65, %sign3A_68 : i32
      %sign3A_70 = arith.constant 0 : i32
      %sign3A_71 = arith.cmpi sgt, %jit3A, %sign3A_70 : i32
      %sign3A_72 = arith.extui %sign3A_71 : i1 to i32
      %sign3A_73 = arith.constant 0 : i32
      %sign3A_74 = arith.cmpi slt, %jit3A, %sign3A_73 : i32
      %sign3A_75 = arith.extui %sign3A_74 : i1 to i32
      %sign3A_76 = arith.subi %sign3A_72, %sign3A_75 : i32
      %ne3A = arith.cmpi ne, %sign3A_69, %sign3A_76 : i32
      %rem3A = arith.remsi %add3A_63, %jit3A : i32
      %ne3A_77 = arith.constant 0 : i32
      %ne3A_78 = arith.cmpi ne, %rem3A, %ne3A_77 : i32
      %and3A = arith.andi %ne3A, %ne3A_78 : i1
      %sub3A = arith.constant 1 : i32
      %sub3A_79 = arith.subi %div3A, %sub3A : i32
      %select_n3A = arith.select %and3A, %sub3A_79, %div3A : i32
      %add3A_80 = arith.constant 1 : i32
      %add3A_81 = arith.addi %select_n3A, %add3A_80 : i32
      %lt3A = arith.constant 16 : i32
      %lt3A_82 = arith.cmpi slt, %add3A_81, %lt3A : i32
      %convert_element_type3A = arith.extui %lt3A_82 : i1 to i32
      %cond3A = arith.constant 0 : i32
      %cond3A_83 = arith.cmpi ne, %convert_element_type3A, %cond3A : i32
      scf.if %cond3A_83 {
        %add3A_1143 = arith.constant 1 : i32
        %add3A_1144 = arith.addi %select_n3A, %add3A_1143 : i32
        %mul3A_1145 = arith.constant 16 : i32
        %mul3A_1146 = arith.muli %add3A_1144, %mul3A_1145 : i32
        %add3A_1147 = arith.addi %mul3A_2, %mul3A_1146 : i32
        %dma_start3A_1148 = arith.constant 1 : i32
        %dma_start3A_1149 = arith.constant 0 : i32
        %dma_start3A_1150 = arith.constant 0 : i32
        %dma_start3A_1151 = tpu.memref_slice %arg6[%dma_start3A_1148, %dma_start3A_1149, %dma_start3A_1150] : memref<2x16x1024xf32, #tpu.memory_space<vmem>> -> memref<1x16x1024xf32, #tpu.memory_space<vmem>>
        %dma_start3A_1152 = tpu.memref_squeeze %dma_start3A_1151 : memref<1x16x1024xf32, #tpu.memory_space<vmem>> -> memref<16x1024xf32, #tpu.memory_space<vmem>>
        %dma_start3A_1153 = arith.constant 0 : i32
        %dma_start3A_1154 = tpu.memref_slice %arg3[%add3A_1147, %dma_start3A_1153] : memref<8192x1024xf32, #tpu.memory_space<hbm>> -> memref<16x1024xf32, #tpu.memory_space<hbm>>
        %dma_start3A_1155 = arith.constant 0 : i32
        %dma_start3A_1156 = arith.constant 0 : i32
        %dma_start3A_1157 = tpu.memref_slice %arg6[%dma_start3A_1148, %dma_start3A_1155, %dma_start3A_1156] : memref<2x16x1024xf32, #tpu.memory_space<vmem>> -> memref<1x16x1024xf32, #tpu.memory_space<vmem>>
        %dma_start3A_1158 = tpu.memref_squeeze %dma_start3A_1157 : memref<1x16x1024xf32, #tpu.memory_space<vmem>> -> memref<16x1024xf32, #tpu.memory_space<vmem>>
        %dma_start3A_1159 = arith.constant 0 : i32
        %dma_start3A_1160 = tpu.memref_slice %arg3[%add3A_1147, %dma_start3A_1159] : memref<8192x1024xf32, #tpu.memory_space<hbm>> -> memref<16x1024xf32, #tpu.memory_space<hbm>>
        tpu.enqueue_dma source(%dma_start3A_1160 : memref<16x1024xf32, #tpu.memory_space<hbm>>) target(%dma_start3A_1158 : memref<16x1024xf32, #tpu.memory_space<vmem>>) target_semaphore(%arg12 : memref<!tpu.dma_semaphore, #tpu.memory_space<semaphore_mem>>)
      } else {
      }
      %mul3A_84 = arith.constant 16 : i32
      %mul3A_85 = arith.muli %select_n3A, %mul3A_84 : i32
      %add3A_86 = arith.addi %mul3A_2, %mul3A_85 : i32
      %dma_wait3A_87 = arith.constant 0 : i32
      %dma_wait3A_88 = arith.constant 0 : i32
      %dma_wait3A_89 = arith.constant 0 : i32
      %dma_wait3A_90 = tpu.memref_slice %arg6[%dma_wait3A_87, %dma_wait3A_88, %dma_wait3A_89] : memref<2x16x1024xf32, #tpu.memory_space<vmem>> -> memref<1x16x1024xf32, #tpu.memory_space<vmem>>
      %dma_wait3A_91 = tpu.memref_squeeze %dma_wait3A_90 : memref<1x16x1024xf32, #tpu.memory_space<vmem>> -> memref<16x1024xf32, #tpu.memory_space<vmem>>
      %dma_wait3A_92 = arith.constant 0 : i32
      %dma_wait3A_93 = tpu.memref_slice %arg3[%add3A_86, %dma_wait3A_92] : memref<8192x1024xf32, #tpu.memory_space<hbm>> -> memref<16x1024xf32, #tpu.memory_space<hbm>>
      %dma_wait3A_94 = arith.constant 0 : i32
      %dma_wait3A_95 = arith.constant 0 : i32
      %dma_wait3A_96 = tpu.memref_slice %arg6[%dma_wait3A_87, %dma_wait3A_94, %dma_wait3A_95] : memref<2x16x1024xf32, #tpu.memory_space<vmem>> -> memref<1x16x1024xf32, #tpu.memory_space<vmem>>
      %dma_wait3A_97 = tpu.memref_squeeze %dma_wait3A_96 : memref<1x16x1024xf32, #tpu.memory_space<vmem>> -> memref<16x1024xf32, #tpu.memory_space<vmem>>
      %dma_wait3A_98 = arith.constant 0 : i32
      %dma_wait3A_99 = tpu.memref_slice %arg3[%add3A_86, %dma_wait3A_98] : memref<8192x1024xf32, #tpu.memory_space<hbm>> -> memref<16x1024xf32, #tpu.memory_space<hbm>>
      tpu.wait_dma2 semaphore(%arg11 : memref<!tpu.dma_semaphore, #tpu.memory_space<semaphore_mem>>) src(%dma_wait3A_99 : memref<16x1024xf32, #tpu.memory_space<hbm>>) dst(%dma_wait3A_97 : memref<16x1024xf32, #tpu.memory_space<vmem>>)
      %jit3A_100 = arith.constant 4 : i32
      %div3A_101 = arith.divsi %add3A_63, %jit3A_100 : i32
      %sign3A_102 = arith.constant 0 : i32
      %sign3A_103 = arith.cmpi sgt, %add3A_63, %sign3A_102 : i32
      %sign3A_104 = arith.extui %sign3A_103 : i1 to i32
      %sign3A_105 = arith.constant 0 : i32
      %sign3A_106 = arith.cmpi slt, %add3A_63, %sign3A_105 : i32
      %sign3A_107 = arith.extui %sign3A_106 : i1 to i32
      %sign3A_108 = arith.subi %sign3A_104, %sign3A_107 : i32
      %sign3A_109 = arith.constant 0 : i32
      %sign3A_110 = arith.cmpi sgt, %jit3A_100, %sign3A_109 : i32
      %sign3A_111 = arith.extui %sign3A_110 : i1 to i32
      %sign3A_112 = arith.constant 0 : i32
      %sign3A_113 = arith.cmpi slt, %jit3A_100, %sign3A_112 : i32
      %sign3A_114 = arith.extui %sign3A_113 : i1 to i32
      %sign3A_115 = arith.subi %sign3A_111, %sign3A_114 : i32
      %ne3A_116 = arith.cmpi ne, %sign3A_108, %sign3A_115 : i32
      %rem3A_117 = arith.remsi %add3A_63, %jit3A_100 : i32
      %ne3A_118 = arith.constant 0 : i32
      %ne3A_119 = arith.cmpi ne, %rem3A_117, %ne3A_118 : i32
      %and3A_120 = arith.andi %ne3A_116, %ne3A_119 : i1
      %sub3A_121 = arith.constant 1 : i32
      %sub3A_122 = arith.subi %div3A_101, %sub3A_121 : i32
      %select_n3A_123 = arith.select %and3A_120, %sub3A_122, %div3A_101 : i32
      %mul3A_124 = arith.constant 4 : i32
      %mul3A_125 = arith.muli %select_n3A_123, %mul3A_124 : i32
      %sub3A_126 = arith.subi %add3A_63, %mul3A_125 : i32
      %mul3A_127 = arith.constant 16 : i32
      %mul3A_128 = arith.muli %select_n3A_123, %mul3A_127 : i32
      %add3A_129 = arith.addi %mul3A_2, %mul3A_128 : i32
      %dma_wait3A_130 = arith.constant 0 : i32
      %dma_wait3A_131 = arith.constant 0 : i32
      %dma_wait3A_132 = arith.constant 0 : i32
      %dma_wait3A_133 = tpu.memref_slice %arg5[%dma_wait3A_130, %dma_wait3A_131, %dma_wait3A_132] : memref<2x16x1024xf32, #tpu.memory_space<vmem>> -> memref<1x16x1024xf32, #tpu.memory_space<vmem>>
      %dma_wait3A_134 = tpu.memref_squeeze %dma_wait3A_133 : memref<1x16x1024xf32, #tpu.memory_space<vmem>> -> memref<16x1024xf32, #tpu.memory_space<vmem>>
      %dma_wait3A_135 = arith.constant 0 : i32
      %dma_wait3A_136 = tpu.memref_slice %arg2[%sub3A_126, %add3A_129, %dma_wait3A_135] : memref<4x8192x1024xf32, #tpu.memory_space<hbm>> -> memref<1x16x1024xf32, #tpu.memory_space<hbm>>
      %dma_wait3A_137 = tpu.memref_squeeze %dma_wait3A_136 : memref<1x16x1024xf32, #tpu.memory_space<hbm>> -> memref<16x1024xf32, #tpu.memory_space<hbm>>
      %dma_wait3A_138 = arith.constant 0 : i32
      %dma_wait3A_139 = arith.constant 0 : i32
      %dma_wait3A_140 = tpu.memref_slice %arg5[%dma_wait3A_130, %dma_wait3A_138, %dma_wait3A_139] : memref<2x16x1024xf32, #tpu.memory_space<vmem>> -> memref<1x16x1024xf32, #tpu.memory_space<vmem>>
      %dma_wait3A_141 = tpu.memref_squeeze %dma_wait3A_140 : memref<1x16x1024xf32, #tpu.memory_space<vmem>> -> memref<16x1024xf32, #tpu.memory_space<vmem>>
      %dma_wait3A_142 = arith.constant 0 : i32
      %dma_wait3A_143 = tpu.memref_slice %arg2[%sub3A_126, %add3A_129, %dma_wait3A_142] : memref<4x8192x1024xf32, #tpu.memory_space<hbm>> -> memref<1x16x1024xf32, #tpu.memory_space<hbm>>
      %dma_wait3A_144 = tpu.memref_squeeze %dma_wait3A_143 : memref<1x16x1024xf32, #tpu.memory_space<hbm>> -> memref<16x1024xf32, #tpu.memory_space<hbm>>
      tpu.wait_dma2 semaphore(%arg7 : memref<!tpu.dma_semaphore, #tpu.memory_space<semaphore_mem>>) src(%dma_wait3A_144 : memref<16x1024xf32, #tpu.memory_space<hbm>>) dst(%dma_wait3A_141 : memref<16x1024xf32, #tpu.memory_space<vmem>>)
      %ge3A = arith.constant 1 : i32
      %ge3A_145 = arith.cmpi sge, %add3A_63, %ge3A : i32
      %convert_element_type3A_146 = arith.extui %ge3A_145 : i1 to i32
      %cond3A_147 = arith.constant 0 : i32
      %cond3A_148 = arith.cmpi ne, %convert_element_type3A_146, %cond3A_147 : i32
      scf.if %cond3A_148 {
        %sub3A_1143 = arith.constant 1 : i32
        %sub3A_1144 = arith.subi %add3A_63, %sub3A_1143 : i32
        %jit3A_1145 = arith.constant 4 : i32
        %div3A_1146 = arith.divsi %sub3A_1144, %jit3A_1145 : i32
        %sign3A_1147 = arith.constant 0 : i32
        %sign3A_1148 = arith.cmpi sgt, %sub3A_1144, %sign3A_1147 : i32
        %sign3A_1149 = arith.extui %sign3A_1148 : i1 to i32
        %sign3A_1150 = arith.constant 0 : i32
        %sign3A_1151 = arith.cmpi slt, %sub3A_1144, %sign3A_1150 : i32
        %sign3A_1152 = arith.extui %sign3A_1151 : i1 to i32
        %sign3A_1153 = arith.subi %sign3A_1149, %sign3A_1152 : i32
        %sign3A_1154 = arith.constant 0 : i32
        %sign3A_1155 = arith.cmpi sgt, %jit3A_1145, %sign3A_1154 : i32
        %sign3A_1156 = arith.extui %sign3A_1155 : i1 to i32
        %sign3A_1157 = arith.constant 0 : i32
        %sign3A_1158 = arith.cmpi slt, %jit3A_1145, %sign3A_1157 : i32
        %sign3A_1159 = arith.extui %sign3A_1158 : i1 to i32
        %sign3A_1160 = arith.subi %sign3A_1156, %sign3A_1159 : i32
        %ne3A_1161 = arith.cmpi ne, %sign3A_1153, %sign3A_1160 : i32
        %rem3A_1162 = arith.remsi %sub3A_1144, %jit3A_1145 : i32
        %ne3A_1163 = arith.constant 0 : i32
        %ne3A_1164 = arith.cmpi ne, %rem3A_1162, %ne3A_1163 : i32
        %and3A_1165 = arith.andi %ne3A_1161, %ne3A_1164 : i1
        %sub3A_1166 = arith.constant 1 : i32
        %sub3A_1167 = arith.subi %div3A_1146, %sub3A_1166 : i32
        %select_n3A_1168 = arith.select %and3A_1165, %sub3A_1167, %div3A_1146 : i32
        %mul3A_1169 = arith.constant 4 : i32
        %mul3A_1170 = arith.muli %select_n3A_1168, %mul3A_1169 : i32
        %sub3A_1171 = arith.subi %sub3A_1144, %mul3A_1170 : i32
        %mul3A_1172 = arith.constant 16 : i32
        %mul3A_1173 = arith.muli %select_n3A_1168, %mul3A_1172 : i32
        %add3A_1174 = arith.addi %mul3A_2, %mul3A_1173 : i32
        %dma_wait3A_1175 = arith.constant 1 : i32
        %dma_wait3A_1176 = arith.constant 0 : i32
        %dma_wait3A_1177 = arith.constant 0 : i32
        %dma_wait3A_1178 = tpu.memref_slice %arg5[%dma_wait3A_1175, %dma_wait3A_1176, %dma_wait3A_1177] : memref<2x16x1024xf32, #tpu.memory_space<vmem>> -> memref<1x16x1024xf32, #tpu.memory_space<vmem>>
        %dma_wait3A_1179 = tpu.memref_squeeze %dma_wait3A_1178 : memref<1x16x1024xf32, #tpu.memory_space<vmem>> -> memref<16x1024xf32, #tpu.memory_space<vmem>>
        %dma_wait3A_1180 = arith.constant 0 : i32
        %dma_wait3A_1181 = tpu.memref_slice %arg4[%sub3A_1171, %add3A_1174, %dma_wait3A_1180] : memref<4x8192x1024xf32, #tpu.memory_space<hbm>> -> memref<1x16x1024xf32, #tpu.memory_space<hbm>>
        %dma_wait3A_1182 = tpu.memref_squeeze %dma_wait3A_1181 : memref<1x16x1024xf32, #tpu.memory_space<hbm>> -> memref<16x1024xf32, #tpu.memory_space<hbm>>
        %dma_wait3A_1183 = arith.constant 0 : i32
        %dma_wait3A_1184 = tpu.memref_slice %arg4[%sub3A_1171, %add3A_1174, %dma_wait3A_1183] : memref<4x8192x1024xf32, #tpu.memory_space<hbm>> -> memref<1x16x1024xf32, #tpu.memory_space<hbm>>
        %dma_wait3A_1185 = tpu.memref_squeeze %dma_wait3A_1184 : memref<1x16x1024xf32, #tpu.memory_space<hbm>> -> memref<16x1024xf32, #tpu.memory_space<hbm>>
        %dma_wait3A_1186 = arith.constant 0 : i32
        %dma_wait3A_1187 = arith.constant 0 : i32
        %dma_wait3A_1188 = tpu.memref_slice %arg5[%dma_wait3A_1175, %dma_wait3A_1186, %dma_wait3A_1187] : memref<2x16x1024xf32, #tpu.memory_space<vmem>> -> memref<1x16x1024xf32, #tpu.memory_space<vmem>>
        %dma_wait3A_1189 = tpu.memref_squeeze %dma_wait3A_1188 : memref<1x16x1024xf32, #tpu.memory_space<vmem>> -> memref<16x1024xf32, #tpu.memory_space<vmem>>
        tpu.wait_dma2 semaphore(%arg10 : memref<!tpu.dma_semaphore, #tpu.memory_space<semaphore_mem>>) src(%dma_wait3A_1189 : memref<16x1024xf32, #tpu.memory_space<vmem>>) dst(%dma_wait3A_1185 : memref<16x1024xf32, #tpu.memory_space<hbm>>)
      } else {
      }
      %add3A_149 = arith.constant 1 : i32
      %add3A_150 = arith.addi %add3A_63, %add3A_149 : i32
      %lt3A_151 = arith.constant 64 : i32
      %lt3A_152 = arith.cmpi slt, %add3A_150, %lt3A_151 : i32
      %convert_element_type3A_153 = arith.extui %lt3A_152 : i1 to i32
      %cond3A_154 = arith.constant 0 : i32
      %cond3A_155 = arith.cmpi ne, %convert_element_type3A_153, %cond3A_154 : i32
      scf.if %cond3A_155 {
        %add3A_1143 = arith.constant 1 : i32
        %add3A_1144 = arith.addi %add3A_63, %add3A_1143 : i32
        %jit3A_1145 = arith.constant 4 : i32
        %div3A_1146 = arith.divsi %add3A_1144, %jit3A_1145 : i32
        %sign3A_1147 = arith.constant 0 : i32
        %sign3A_1148 = arith.cmpi sgt, %add3A_1144, %sign3A_1147 : i32
        %sign3A_1149 = arith.extui %sign3A_1148 : i1 to i32
        %sign3A_1150 = arith.constant 0 : i32
        %sign3A_1151 = arith.cmpi slt, %add3A_1144, %sign3A_1150 : i32
        %sign3A_1152 = arith.extui %sign3A_1151 : i1 to i32
        %sign3A_1153 = arith.subi %sign3A_1149, %sign3A_1152 : i32
        %sign3A_1154 = arith.constant 0 : i32
        %sign3A_1155 = arith.cmpi sgt, %jit3A_1145, %sign3A_1154 : i32
        %sign3A_1156 = arith.extui %sign3A_1155 : i1 to i32
        %sign3A_1157 = arith.constant 0 : i32
        %sign3A_1158 = arith.cmpi slt, %jit3A_1145, %sign3A_1157 : i32
        %sign3A_1159 = arith.extui %sign3A_1158 : i1 to i32
        %sign3A_1160 = arith.subi %sign3A_1156, %sign3A_1159 : i32
        %ne3A_1161 = arith.cmpi ne, %sign3A_1153, %sign3A_1160 : i32
        %rem3A_1162 = arith.remsi %add3A_1144, %jit3A_1145 : i32
        %ne3A_1163 = arith.constant 0 : i32
        %ne3A_1164 = arith.cmpi ne, %rem3A_1162, %ne3A_1163 : i32
        %and3A_1165 = arith.andi %ne3A_1161, %ne3A_1164 : i1
        %sub3A_1166 = arith.constant 1 : i32
        %sub3A_1167 = arith.subi %div3A_1146, %sub3A_1166 : i32
        %select_n3A_1168 = arith.select %and3A_1165, %sub3A_1167, %div3A_1146 : i32
        %mul3A_1169 = arith.constant 4 : i32
        %mul3A_1170 = arith.muli %select_n3A_1168, %mul3A_1169 : i32
        %sub3A_1171 = arith.subi %add3A_1144, %mul3A_1170 : i32
        %mul3A_1172 = arith.constant 16 : i32
        %mul3A_1173 = arith.muli %select_n3A_1168, %mul3A_1172 : i32
        %add3A_1174 = arith.addi %mul3A_2, %mul3A_1173 : i32
        %dma_start3A_1175 = arith.constant 1 : i32
        %dma_start3A_1176 = arith.constant 0 : i32
        %dma_start3A_1177 = arith.constant 0 : i32
        %dma_start3A_1178 = tpu.memref_slice %arg5[%dma_start3A_1175, %dma_start3A_1176, %dma_start3A_1177] : memref<2x16x1024xf32, #tpu.memory_space<vmem>> -> memref<1x16x1024xf32, #tpu.memory_space<vmem>>
        %dma_start3A_1179 = tpu.memref_squeeze %dma_start3A_1178 : memref<1x16x1024xf32, #tpu.memory_space<vmem>> -> memref<16x1024xf32, #tpu.memory_space<vmem>>
        %dma_start3A_1180 = arith.constant 0 : i32
        %dma_start3A_1181 = tpu.memref_slice %arg2[%sub3A_1171, %add3A_1174, %dma_start3A_1180] : memref<4x8192x1024xf32, #tpu.memory_space<hbm>> -> memref<1x16x1024xf32, #tpu.memory_space<hbm>>
        %dma_start3A_1182 = tpu.memref_squeeze %dma_start3A_1181 : memref<1x16x1024xf32, #tpu.memory_space<hbm>> -> memref<16x1024xf32, #tpu.memory_space<hbm>>
        %dma_start3A_1183 = arith.constant 0 : i32
        %dma_start3A_1184 = arith.constant 0 : i32
        %dma_start3A_1185 = tpu.memref_slice %arg5[%dma_start3A_1175, %dma_start3A_1183, %dma_start3A_1184] : memref<2x16x1024xf32, #tpu.memory_space<vmem>> -> memref<1x16x1024xf32, #tpu.memory_space<vmem>>
        %dma_start3A_1186 = tpu.memref_squeeze %dma_start3A_1185 : memref<1x16x1024xf32, #tpu.memory_space<vmem>> -> memref<16x1024xf32, #tpu.memory_space<vmem>>
        %dma_start3A_1187 = arith.constant 0 : i32
        %dma_start3A_1188 = tpu.memref_slice %arg2[%sub3A_1171, %add3A_1174, %dma_start3A_1187] : memref<4x8192x1024xf32, #tpu.memory_space<hbm>> -> memref<1x16x1024xf32, #tpu.memory_space<hbm>>
        %dma_start3A_1189 = tpu.memref_squeeze %dma_start3A_1188 : memref<1x16x1024xf32, #tpu.memory_space<hbm>> -> memref<16x1024xf32, #tpu.memory_space<hbm>>
        tpu.enqueue_dma source(%dma_start3A_1189 : memref<16x1024xf32, #tpu.memory_space<hbm>>) target(%dma_start3A_1186 : memref<16x1024xf32, #tpu.memory_space<vmem>>) target_semaphore(%arg8 : memref<!tpu.dma_semaphore, #tpu.memory_space<semaphore_mem>>)
      } else {
      }
      %parallel_loop3A = arith.constant 0 : i32
      %parallel_loop3A_156 = arith.constant 16384 : i32
      %parallel_loop3A_157 = arith.constant 16 : i32
      scf.for %parallel_loop3A_1143 = %parallel_loop3A to %parallel_loop3A_156 step %parallel_loop3A_157  : i32 {
        %parallel_loop3A_1144 = arith.constant 1024 : i32
        %parallel_loop3A_1145 = arith.divsi %parallel_loop3A_1143, %parallel_loop3A_1144 : i32
        %parallel_loop3A_1146 = arith.constant 0 : i32
        %parallel_loop3A_1147 = arith.cmpi sgt, %parallel_loop3A_1143, %parallel_loop3A_1146 : i32
        %parallel_loop3A_1148 = arith.extui %parallel_loop3A_1147 : i1 to i32
        %parallel_loop3A_1149 = arith.constant 0 : i32
        %parallel_loop3A_1150 = arith.cmpi slt, %parallel_loop3A_1143, %parallel_loop3A_1149 : i32
        %parallel_loop3A_1151 = arith.extui %parallel_loop3A_1150 : i1 to i32
        %parallel_loop3A_1152 = arith.subi %parallel_loop3A_1148, %parallel_loop3A_1151 : i32
        %parallel_loop3A_1153 = arith.constant 0 : i32
        %parallel_loop3A_1154 = arith.cmpi sgt, %parallel_loop3A_1144, %parallel_loop3A_1153 : i32
        %parallel_loop3A_1155 = arith.extui %parallel_loop3A_1154 : i1 to i32
        %parallel_loop3A_1156 = arith.constant 0 : i32
        %parallel_loop3A_1157 = arith.cmpi slt, %parallel_loop3A_1144, %parallel_loop3A_1156 : i32
        %parallel_loop3A_1158 = arith.extui %parallel_loop3A_1157 : i1 to i32
        %parallel_loop3A_1159 = arith.subi %parallel_loop3A_1155, %parallel_loop3A_1158 : i32
        %parallel_loop3A_1160 = arith.cmpi ne, %parallel_loop3A_1152, %parallel_loop3A_1159 : i32
        %parallel_loop3A_1161 = arith.remsi %parallel_loop3A_1143, %parallel_loop3A_1144 : i32
        %parallel_loop3A_1162 = arith.constant 0 : i32
        %parallel_loop3A_1163 = arith.cmpi ne, %parallel_loop3A_1161, %parallel_loop3A_1162 : i32
        %parallel_loop3A_1164 = arith.andi %parallel_loop3A_1160, %parallel_loop3A_1163 : i1
        %parallel_loop3A_1165 = arith.constant 1 : i32
        %parallel_loop3A_1166 = arith.subi %parallel_loop3A_1145, %parallel_loop3A_1165 : i32
        %parallel_loop3A_1167 = arith.select %parallel_loop3A_1164, %parallel_loop3A_1166, %parallel_loop3A_1145 : i32
        %parallel_loop3A_1168 = arith.constant 1024 : i32
        %parallel_loop3A_1169 = arith.muli %parallel_loop3A_1167, %parallel_loop3A_1168 : i32
        %parallel_loop3A_1170 = arith.subi %parallel_loop3A_1143, %parallel_loop3A_1169 : i32
        %parallel_loop3A_1171 = arith.constant 0 : i32
        %parallel_loop3A_1172 = arith.index_cast %parallel_loop3A_1171 : i32 to index
        %parallel_loop3A_1173 = arith.index_cast %parallel_loop3A_1167 : i32 to index
        %parallel_loop3A_1174 = arith.index_cast %parallel_loop3A_1170 : i32 to index
        %parallel_loop3A_1175 = tpu.vector_load %arg6[%parallel_loop3A_1172, %parallel_loop3A_1173, %parallel_loop3A_1174] {strides = array<i32>} : memref<2x16x1024xf32, #tpu.memory_space<vmem>>, vector<1x1x16xf32>,
        %parallel_loop3A_1176 = vector.shape_cast %parallel_loop3A_1175 : vector<1x1x16xf32> to vector<16xf32>
        %parallel_loop3A_1177 = arith.constant 0 : i32
        %parallel_loop3A_1178 = arith.index_cast %parallel_loop3A_1177 : i32 to index
        %parallel_loop3A_1179 = arith.index_cast %parallel_loop3A_1167 : i32 to index
        %parallel_loop3A_1180 = arith.index_cast %parallel_loop3A_1170 : i32 to index
        %parallel_loop3A_1181 = tpu.vector_load %arg5[%parallel_loop3A_1178, %parallel_loop3A_1179, %parallel_loop3A_1180] {strides = array<i32>} : memref<2x16x1024xf32, #tpu.memory_space<vmem>>, vector<1x1x16xf32>,
        %parallel_loop3A_1182 = vector.shape_cast %parallel_loop3A_1181 : vector<1x1x16xf32> to vector<16xf32>
        %parallel_loop3A_1183 = vector.shape_cast %parallel_loop3A_1176 : vector<16xf32> to vector<1x1x16xf32>
        tpu.vector_store %arg5[%parallel_loop3A_1178, %parallel_loop3A_1179, %parallel_loop3A_1180], %parallel_loop3A_1183 {add = true, strides = array<i32>} : memref<2x16x1024xf32, #tpu.memory_space<vmem>>, vector<1x1x16xf32>,
      } {sc.loop_unroll_factor = 8 : i64, sc.parallel_access}
      %jit3A_158 = arith.constant 4 : i32
      %div3A_159 = arith.divsi %add3A_63, %jit3A_158 : i32
      %sign3A_160 = arith.constant 0 : i32
      %sign3A_161 = arith.cmpi sgt, %add3A_63, %sign3A_160 : i32
      %sign3A_162 = arith.extui %sign3A_161 : i1 to i32
      %sign3A_163 = arith.constant 0 : i32
      %sign3A_164 = arith.cmpi slt, %add3A_63, %sign3A_163 : i32
      %sign3A_165 = arith.extui %sign3A_164 : i1 to i32
      %sign3A_166 = arith.subi %sign3A_162, %sign3A_165 : i32
      %sign3A_167 = arith.constant 0 : i32
      %sign3A_168 = arith.cmpi sgt, %jit3A_158, %sign3A_167 : i32
      %sign3A_169 = arith.extui %sign3A_168 : i1 to i32
      %sign3A_170 = arith.constant 0 : i32
      %sign3A_171 = arith.cmpi slt, %jit3A_158, %sign3A_170 : i32
      %sign3A_172 = arith.extui %sign3A_171 : i1 to i32
      %sign3A_173 = arith.subi %sign3A_169, %sign3A_172 : i32
      %ne3A_174 = arith.cmpi ne, %sign3A_166, %sign3A_173 : i32
      %rem3A_175 = arith.remsi %add3A_63, %jit3A_158 : i32
      %ne3A_176 = arith.constant 0 : i32
      %ne3A_177 = arith.cmpi ne, %rem3A_175, %ne3A_176 : i32
      %and3A_178 = arith.andi %ne3A_174, %ne3A_177 : i1
      %sub3A_179 = arith.constant 1 : i32
      %sub3A_180 = arith.subi %div3A_159, %sub3A_179 : i32
      %select_n3A_181 = arith.select %and3A_178, %sub3A_180, %div3A_159 : i32
      %mul3A_182 = arith.constant 4 : i32
      %mul3A_183 = arith.muli %select_n3A_181, %mul3A_182 : i32
      %sub3A_184 = arith.subi %add3A_63, %mul3A_183 : i32
      %mul3A_185 = arith.constant 16 : i32
      %mul3A_186 = arith.muli %select_n3A_181, %mul3A_185 : i32
      %add3A_187 = arith.addi %mul3A_2, %mul3A_186 : i32
      %dma_start3A_188 = arith.constant 0 : i32
      %dma_start3A_189 = arith.constant 0 : i32
      %dma_start3A_190 = arith.constant 0 : i32
      %dma_start3A_191 = tpu.memref_slice %arg5[%dma_start3A_188, %dma_start3A_189, %dma_start3A_190] : memref<2x16x1024xf32, #tpu.memory_space<vmem>> -> memref<1x16x1024xf32, #tpu.memory_space<vmem>>
      %dma_start3A_192 = tpu.memref_squeeze %dma_start3A_191 : memref<1x16x1024xf32, #tpu.memory_space<vmem>> -> memref<16x1024xf32, #tpu.memory_space<vmem>>
      %dma_start3A_193 = arith.constant 0 : i32
      %dma_start3A_194 = tpu.memref_slice %arg4[%sub3A_184, %add3A_187, %dma_start3A_193] : memref<4x8192x1024xf32, #tpu.memory_space<hbm>> -> memref<1x16x1024xf32, #tpu.memory_space<hbm>>
      %dma_start3A_195 = tpu.memref_squeeze %dma_start3A_194 : memref<1x16x1024xf32, #tpu.memory_space<hbm>> -> memref<16x1024xf32, #tpu.memory_space<hbm>>
      %dma_start3A_196 = arith.constant 0 : i32
      %dma_start3A_197 = tpu.memref_slice %arg4[%sub3A_184, %add3A_187, %dma_start3A_196] : memref<4x8192x1024xf32, #tpu.memory_space<hbm>> -> memref<1x16x1024xf32, #tpu.memory_space<hbm>>
      %dma_start3A_198 = tpu.memref_squeeze %dma_start3A_197 : memref<1x16x1024xf32, #tpu.memory_space<hbm>> -> memref<16x1024xf32, #tpu.memory_space<hbm>>
      %dma_start3A_199 = arith.constant 0 : i32
      %dma_start3A_200 = arith.constant 0 : i32
      %dma_start3A_201 = tpu.memref_slice %arg5[%dma_start3A_188, %dma_start3A_199, %dma_start3A_200] : memref<2x16x1024xf32, #tpu.memory_space<vmem>> -> memref<1x16x1024xf32, #tpu.memory_space<vmem>>
      %dma_start3A_202 = tpu.memref_squeeze %dma_start3A_201 : memref<1x16x1024xf32, #tpu.memory_space<vmem>> -> memref<16x1024xf32, #tpu.memory_space<vmem>>
      tpu.enqueue_dma source(%dma_start3A_202 : memref<16x1024xf32, #tpu.memory_space<vmem>>) target(%dma_start3A_198 : memref<16x1024xf32, #tpu.memory_space<hbm>>) target_semaphore(%arg9 : memref<!tpu.dma_semaphore, #tpu.memory_space<semaphore_mem>>)
      %add3A_203 = arith.constant 1 : i32
      %add3A_204 = arith.addi %mul3A_61, %add3A_203 : i32
      %jit3A_205 = arith.constant 4 : i32
      %div3A_206 = arith.divsi %add3A_204, %jit3A_205 : i32
      %sign3A_207 = arith.constant 0 : i32
      %sign3A_208 = arith.cmpi sgt, %add3A_204, %sign3A_207 : i32
      %sign3A_209 = arith.extui %sign3A_208 : i1 to i32
      %sign3A_210 = arith.constant 0 : i32
      %sign3A_211 = arith.cmpi slt, %add3A_204, %sign3A_210 : i32
      %sign3A_212 = arith.extui %sign3A_211 : i1 to i32
      %sign3A_213 = arith.subi %sign3A_209, %sign3A_212 : i32
      %sign3A_214 = arith.constant 0 : i32
      %sign3A_215 = arith.cmpi sgt, %jit3A_205, %sign3A_214 : i32
      %sign3A_216 = arith.extui %sign3A_215 : i1 to i32
      %sign3A_217 = arith.constant 0 : i32
      %sign3A_218 = arith.cmpi slt, %jit3A_205, %sign3A_217 : i32
      %sign3A_219 = arith.extui %sign3A_218 : i1 to i32
      %sign3A_220 = arith.subi %sign3A_216, %sign3A_219 : i32
      %ne3A_221 = arith.cmpi ne, %sign3A_213, %sign3A_220 : i32
      %rem3A_222 = arith.remsi %add3A_204, %jit3A_205 : i32
      %ne3A_223 = arith.constant 0 : i32
      %ne3A_224 = arith.cmpi ne, %rem3A_222, %ne3A_223 : i32
      %and3A_225 = arith.andi %ne3A_221, %ne3A_224 : i1
      %sub3A_226 = arith.constant 1 : i32
      %sub3A_227 = arith.subi %div3A_206, %sub3A_226 : i32
      %select_n3A_228 = arith.select %and3A_225, %sub3A_227, %div3A_206 : i32
      %jit3A_229 = arith.constant 4 : i32
      %div3A_230 = arith.divsi %add3A_204, %jit3A_229 : i32
      %sign3A_231 = arith.constant 0 : i32
      %sign3A_232 = arith.cmpi sgt, %add3A_204, %sign3A_231 : i32
      %sign3A_233 = arith.extui %sign3A_232 : i1 to i32
      %sign3A_234 = arith.constant 0 : i32
      %sign3A_235 = arith.cmpi slt, %add3A_204, %sign3A_234 : i32
      %sign3A_236 = arith.extui %sign3A_235 : i1 to i32
      %sign3A_237 = arith.subi %sign3A_233, %sign3A_236 : i32
      %sign3A_238 = arith.constant 0 : i32
      %sign3A_239 = arith.cmpi sgt, %jit3A_229, %sign3A_238 : i32
      %sign3A_240 = arith.extui %sign3A_239 : i1 to i32
      %sign3A_241 = arith.constant 0 : i32
      %sign3A_242 = arith.cmpi slt, %jit3A_229, %sign3A_241 : i32
      %sign3A_243 = arith.extui %sign3A_242 : i1 to i32
      %sign3A_244 = arith.subi %sign3A_240, %sign3A_243 : i32
      %ne3A_245 = arith.cmpi ne, %sign3A_237, %sign3A_244 : i32
      %rem3A_246 = arith.remsi %add3A_204, %jit3A_229 : i32
      %ne3A_247 = arith.constant 0 : i32
      %ne3A_248 = arith.cmpi ne, %rem3A_246, %ne3A_247 : i32
      %and3A_249 = arith.andi %ne3A_245, %ne3A_248 : i1
      %sub3A_250 = arith.constant 1 : i32
      %sub3A_251 = arith.subi %div3A_230, %sub3A_250 : i32
      %select_n3A_252 = arith.select %and3A_249, %sub3A_251, %div3A_230 : i32
      %mul3A_253 = arith.constant 4 : i32
      %mul3A_254 = arith.muli %select_n3A_252, %mul3A_253 : i32
      %sub3A_255 = arith.subi %add3A_204, %mul3A_254 : i32
      %mul3A_256 = arith.constant 16 : i32
      %mul3A_257 = arith.muli %select_n3A_252, %mul3A_256 : i32
      %add3A_258 = arith.addi %mul3A_2, %mul3A_257 : i32
      %dma_wait3A_259 = arith.constant 1 : i32
      %dma_wait3A_260 = arith.constant 0 : i32
      %dma_wait3A_261 = arith.constant 0 : i32
      %dma_wait3A_262 = tpu.memref_slice %arg5[%dma_wait3A_259, %dma_wait3A_260, %dma_wait3A_261] : memref<2x16x1024xf32, #tpu.memory_space<vmem>> -> memref<1x16x1024xf32, #tpu.memory_space<vmem>>
      %dma_wait3A_263 = tpu.memref_squeeze %dma_wait3A_262 : memref<1x16x1024xf32, #tpu.memory_space<vmem>> -> memref<16x1024xf32, #tpu.memory_space<vmem>>
      %dma_wait3A_264 = arith.constant 0 : i32
      %dma_wait3A_265 = tpu.memref_slice %arg2[%sub3A_255, %add3A_258, %dma_wait3A_264] : memref<4x8192x1024xf32, #tpu.memory_space<hbm>> -> memref<1x16x1024xf32, #tpu.memory_space<hbm>>
      %dma_wait3A_266 = tpu.memref_squeeze %dma_wait3A_265 : memref<1x16x1024xf32, #tpu.memory_space<hbm>> -> memref<16x1024xf32, #tpu.memory_space<hbm>>
      %dma_wait3A_267 = arith.constant 0 : i32
      %dma_wait3A_268 = arith.constant 0 : i32
      %dma_wait3A_269 = tpu.memref_slice %arg5[%dma_wait3A_259, %dma_wait3A_267, %dma_wait3A_268] : memref<2x16x1024xf32, #tpu.memory_space<vmem>> -> memref<1x16x1024xf32, #tpu.memory_space<vmem>>
      %dma_wait3A_270 = tpu.memref_squeeze %dma_wait3A_269 : memref<1x16x1024xf32, #tpu.memory_space<vmem>> -> memref<16x1024xf32, #tpu.memory_space<vmem>>
      %dma_wait3A_271 = arith.constant 0 : i32
      %dma_wait3A_272 = tpu.memref_slice %arg2[%sub3A_255, %add3A_258, %dma_wait3A_271] : memref<4x8192x1024xf32, #tpu.memory_space<hbm>> -> memref<1x16x1024xf32, #tpu.memory_space<hbm>>
      %dma_wait3A_273 = tpu.memref_squeeze %dma_wait3A_272 : memref<1x16x1024xf32, #tpu.memory_space<hbm>> -> memref<16x1024xf32, #tpu.memory_space<hbm>>
      tpu.wait_dma2 semaphore(%arg8 : memref<!tpu.dma_semaphore, #tpu.memory_space<semaphore_mem>>) src(%dma_wait3A_273 : memref<16x1024xf32, #tpu.memory_space<hbm>>) dst(%dma_wait3A_270 : memref<16x1024xf32, #tpu.memory_space<vmem>>)
      %ge3A_274 = arith.constant 1 : i32
      %ge3A_275 = arith.cmpi sge, %add3A_204, %ge3A_274 : i32
      %convert_element_type3A_276 = arith.extui %ge3A_275 : i1 to i32
      %cond3A_277 = arith.constant 0 : i32
      %cond3A_278 = arith.cmpi ne, %convert_element_type3A_276, %cond3A_277 : i32
      scf.if %cond3A_278 {
        %sub3A_1143 = arith.constant 1 : i32
        %sub3A_1144 = arith.subi %add3A_204, %sub3A_1143 : i32
        %jit3A_1145 = arith.constant 4 : i32
        %div3A_1146 = arith.divsi %sub3A_1144, %jit3A_1145 : i32
        %sign3A_1147 = arith.constant 0 : i32
        %sign3A_1148 = arith.cmpi sgt, %sub3A_1144, %sign3A_1147 : i32
        %sign3A_1149 = arith.extui %sign3A_1148 : i1 to i32
        %sign3A_1150 = arith.constant 0 : i32
        %sign3A_1151 = arith.cmpi slt, %sub3A_1144, %sign3A_1150 : i32
        %sign3A_1152 = arith.extui %sign3A_1151 : i1 to i32
        %sign3A_1153 = arith.subi %sign3A_1149, %sign3A_1152 : i32
        %sign3A_1154 = arith.constant 0 : i32
        %sign3A_1155 = arith.cmpi sgt, %jit3A_1145, %sign3A_1154 : i32
        %sign3A_1156 = arith.extui %sign3A_1155 : i1 to i32
        %sign3A_1157 = arith.constant 0 : i32
        %sign3A_1158 = arith.cmpi slt, %jit3A_1145, %sign3A_1157 : i32
        %sign3A_1159 = arith.extui %sign3A_1158 : i1 to i32
        %sign3A_1160 = arith.subi %sign3A_1156, %sign3A_1159 : i32
        %ne3A_1161 = arith.cmpi ne, %sign3A_1153, %sign3A_1160 : i32
        %rem3A_1162 = arith.remsi %sub3A_1144, %jit3A_1145 : i32
        %ne3A_1163 = arith.constant 0 : i32
        %ne3A_1164 = arith.cmpi ne, %rem3A_1162, %ne3A_1163 : i32
        %and3A_1165 = arith.andi %ne3A_1161, %ne3A_1164 : i1
        %sub3A_1166 = arith.constant 1 : i32
        %sub3A_1167 = arith.subi %div3A_1146, %sub3A_1166 : i32
        %select_n3A_1168 = arith.select %and3A_1165, %sub3A_1167, %div3A_1146 : i32
        %mul3A_1169 = arith.constant 4 : i32
        %mul3A_1170 = arith.muli %select_n3A_1168, %mul3A_1169 : i32
        %sub3A_1171 = arith.subi %sub3A_1144, %mul3A_1170 : i32
        %mul3A_1172 = arith.constant 16 : i32
        %mul3A_1173 = arith.muli %select_n3A_1168, %mul3A_1172 : i32
        %add3A_1174 = arith.addi %mul3A_2, %mul3A_1173 : i32
        %dma_wait3A_1175 = arith.constant 0 : i32
        %dma_wait3A_1176 = arith.constant 0 : i32
        %dma_wait3A_1177 = arith.constant 0 : i32
        %dma_wait3A_1178 = tpu.memref_slice %arg5[%dma_wait3A_1175, %dma_wait3A_1176, %dma_wait3A_1177] : memref<2x16x1024xf32, #tpu.memory_space<vmem>> -> memref<1x16x1024xf32, #tpu.memory_space<vmem>>
        %dma_wait3A_1179 = tpu.memref_squeeze %dma_wait3A_1178 : memref<1x16x1024xf32, #tpu.memory_space<vmem>> -> memref<16x1024xf32, #tpu.memory_space<vmem>>
        %dma_wait3A_1180 = arith.constant 0 : i32
        %dma_wait3A_1181 = tpu.memref_slice %arg4[%sub3A_1171, %add3A_1174, %dma_wait3A_1180] : memref<4x8192x1024xf32, #tpu.memory_space<hbm>> -> memref<1x16x1024xf32, #tpu.memory_space<hbm>>
        %dma_wait3A_1182 = tpu.memref_squeeze %dma_wait3A_1181 : memref<1x16x1024xf32, #tpu.memory_space<hbm>> -> memref<16x1024xf32, #tpu.memory_space<hbm>>
        %dma_wait3A_1183 = arith.constant 0 : i32
        %dma_wait3A_1184 = tpu.memref_slice %arg4[%sub3A_1171, %add3A_1174, %dma_wait3A_1183] : memref<4x8192x1024xf32, #tpu.memory_space<hbm>> -> memref<1x16x1024xf32, #tpu.memory_space<hbm>>
        %dma_wait3A_1185 = tpu.memref_squeeze %dma_wait3A_1184 : memref<1x16x1024xf32, #tpu.memory_space<hbm>> -> memref<16x1024xf32, #tpu.memory_space<hbm>>
        %dma_wait3A_1186 = arith.constant 0 : i32
        %dma_wait3A_1187 = arith.constant 0 : i32
        %dma_wait3A_1188 = tpu.memref_slice %arg5[%dma_wait3A_1175, %dma_wait3A_1186, %dma_wait3A_1187] : memref<2x16x1024xf32, #tpu.memory_space<vmem>> -> memref<1x16x1024xf32, #tpu.memory_space<vmem>>
        %dma_wait3A_1189 = tpu.memref_squeeze %dma_wait3A_1188 : memref<1x16x1024xf32, #tpu.memory_space<vmem>> -> memref<16x1024xf32, #tpu.memory_space<vmem>>
        tpu.wait_dma2 semaphore(%arg9 : memref<!tpu.dma_semaphore, #tpu.memory_space<semaphore_mem>>) src(%dma_wait3A_1189 : memref<16x1024xf32, #tpu.memory_space<vmem>>) dst(%dma_wait3A_1185 : memref<16x1024xf32, #tpu.memory_space<hbm>>)
      } else {
      }
      %add3A_279 = arith.constant 1 : i32
      %add3A_280 = arith.addi %add3A_204, %add3A_279 : i32
      %lt3A_281 = arith.constant 64 : i32
      %lt3A_282 = arith.cmpi slt, %add3A_280, %lt3A_281 : i32
      %convert_element_type3A_283 = arith.extui %lt3A_282 : i1 to i32
      %cond3A_284 = arith.constant 0 : i32
      %cond3A_285 = arith.cmpi ne, %convert_element_type3A_283, %cond3A_284 : i32
      scf.if %cond3A_285 {
        %add3A_1143 = arith.constant 1 : i32
        %add3A_1144 = arith.addi %add3A_204, %add3A_1143 : i32
        %jit3A_1145 = arith.constant 4 : i32
        %div3A_1146 = arith.divsi %add3A_1144, %jit3A_1145 : i32
        %sign3A_1147 = arith.constant 0 : i32
        %sign3A_1148 = arith.cmpi sgt, %add3A_1144, %sign3A_1147 : i32
        %sign3A_1149 = arith.extui %sign3A_1148 : i1 to i32
        %sign3A_1150 = arith.constant 0 : i32
        %sign3A_1151 = arith.cmpi slt, %add3A_1144, %sign3A_1150 : i32
        %sign3A_1152 = arith.extui %sign3A_1151 : i1 to i32
        %sign3A_1153 = arith.subi %sign3A_1149, %sign3A_1152 : i32
        %sign3A_1154 = arith.constant 0 : i32
        %sign3A_1155 = arith.cmpi sgt, %jit3A_1145, %sign3A_1154 : i32
        %sign3A_1156 = arith.extui %sign3A_1155 : i1 to i32
        %sign3A_1157 = arith.constant 0 : i32
        %sign3A_1158 = arith.cmpi slt, %jit3A_1145, %sign3A_1157 : i32
        %sign3A_1159 = arith.extui %sign3A_1158 : i1 to i32
        %sign3A_1160 = arith.subi %sign3A_1156, %sign3A_1159 : i32
        %ne3A_1161 = arith.cmpi ne, %sign3A_1153, %sign3A_1160 : i32
        %rem3A_1162 = arith.remsi %add3A_1144, %jit3A_1145 : i32
        %ne3A_1163 = arith.constant 0 : i32
        %ne3A_1164 = arith.cmpi ne, %rem3A_1162, %ne3A_1163 : i32
        %and3A_1165 = arith.andi %ne3A_1161, %ne3A_1164 : i1
        %sub3A_1166 = arith.constant 1 : i32
        %sub3A_1167 = arith.subi %div3A_1146, %sub3A_1166 : i32
        %select_n3A_1168 = arith.select %and3A_1165, %sub3A_1167, %div3A_1146 : i32
        %mul3A_1169 = arith.constant 4 : i32
        %mul3A_1170 = arith.muli %select_n3A_1168, %mul3A_1169 : i32
        %sub3A_1171 = arith.subi %add3A_1144, %mul3A_1170 : i32
        %mul3A_1172 = arith.constant 16 : i32
        %mul3A_1173 = arith.muli %select_n3A_1168, %mul3A_1172 : i32
        %add3A_1174 = arith.addi %mul3A_2, %mul3A_1173 : i32
        %dma_start3A_1175 = arith.constant 0 : i32
        %dma_start3A_1176 = arith.constant 0 : i32
        %dma_start3A_1177 = arith.constant 0 : i32
        %dma_start3A_1178 = tpu.memref_slice %arg5[%dma_start3A_1175, %dma_start3A_1176, %dma_start3A_1177] : memref<2x16x1024xf32, #tpu.memory_space<vmem>> -> memref<1x16x1024xf32, #tpu.memory_space<vmem>>
        %dma_start3A_1179 = tpu.memref_squeeze %dma_start3A_1178 : memref<1x16x1024xf32, #tpu.memory_space<vmem>> -> memref<16x1024xf32, #tpu.memory_space<vmem>>
        %dma_start3A_1180 = arith.constant 0 : i32
        %dma_start3A_1181 = tpu.memref_slice %arg2[%sub3A_1171, %add3A_1174, %dma_start3A_1180] : memref<4x8192x1024xf32, #tpu.memory_space<hbm>> -> memref<1x16x1024xf32, #tpu.memory_space<hbm>>
        %dma_start3A_1182 = tpu.memref_squeeze %dma_start3A_1181 : memref<1x16x1024xf32, #tpu.memory_space<hbm>> -> memref<16x1024xf32, #tpu.memory_space<hbm>>
        %dma_start3A_1183 = arith.constant 0 : i32
        %dma_start3A_1184 = arith.constant 0 : i32
        %dma_start3A_1185 = tpu.memref_slice %arg5[%dma_start3A_1175, %dma_start3A_1183, %dma_start3A_1184] : memref<2x16x1024xf32, #tpu.memory_space<vmem>> -> memref<1x16x1024xf32, #tpu.memory_space<vmem>>
        %dma_start3A_1186 = tpu.memref_squeeze %dma_start3A_1185 : memref<1x16x1024xf32, #tpu.memory_space<vmem>> -> memref<16x1024xf32, #tpu.memory_space<vmem>>
        %dma_start3A_1187 = arith.constant 0 : i32
        %dma_start3A_1188 = tpu.memref_slice %arg2[%sub3A_1171, %add3A_1174, %dma_start3A_1187] : memref<4x8192x1024xf32, #tpu.memory_space<hbm>> -> memref<1x16x1024xf32, #tpu.memory_space<hbm>>
        %dma_start3A_1189 = tpu.memref_squeeze %dma_start3A_1188 : memref<1x16x1024xf32, #tpu.memory_space<hbm>> -> memref<16x1024xf32, #tpu.memory_space<hbm>>
        tpu.enqueue_dma source(%dma_start3A_1189 : memref<16x1024xf32, #tpu.memory_space<hbm>>) target(%dma_start3A_1186 : memref<16x1024xf32, #tpu.memory_space<vmem>>) target_semaphore(%arg7 : memref<!tpu.dma_semaphore, #tpu.memory_space<semaphore_mem>>)
      } else {
      }
      %parallel_loop3A_286 = arith.constant 0 : i32
      %parallel_loop3A_287 = arith.constant 16384 : i32
      %parallel_loop3A_288 = arith.constant 16 : i32
      scf.for %parallel_loop3A_1143 = %parallel_loop3A_286 to %parallel_loop3A_287 step %parallel_loop3A_288  : i32 {
        %parallel_loop3A_1144 = arith.constant 1024 : i32
        %parallel_loop3A_1145 = arith.divsi %parallel_loop3A_1143, %parallel_loop3A_1144 : i32
        %parallel_loop3A_1146 = arith.constant 0 : i32
        %parallel_loop3A_1147 = arith.cmpi sgt, %parallel_loop3A_1143, %parallel_loop3A_1146 : i32
        %parallel_loop3A_1148 = arith.extui %parallel_loop3A_1147 : i1 to i32
        %parallel_loop3A_1149 = arith.constant 0 : i32
        %parallel_loop3A_1150 = arith.cmpi slt, %parallel_loop3A_1143, %parallel_loop3A_1149 : i32
        %parallel_loop3A_1151 = arith.extui %parallel_loop3A_1150 : i1 to i32
        %parallel_loop3A_1152 = arith.subi %parallel_loop3A_1148, %parallel_loop3A_1151 : i32
        %parallel_loop3A_1153 = arith.constant 0 : i32
        %parallel_loop3A_1154 = arith.cmpi sgt, %parallel_loop3A_1144, %parallel_loop3A_1153 : i32
        %parallel_loop3A_1155 = arith.extui %parallel_loop3A_1154 : i1 to i32
        %parallel_loop3A_1156 = arith.constant 0 : i32
        %parallel_loop3A_1157 = arith.cmpi slt, %parallel_loop3A_1144, %parallel_loop3A_1156 : i32
        %parallel_loop3A_1158 = arith.extui %parallel_loop3A_1157 : i1 to i32
        %parallel_loop3A_1159 = arith.subi %parallel_loop3A_1155, %parallel_loop3A_1158 : i32
        %parallel_loop3A_1160 = arith.cmpi ne, %parallel_loop3A_1152, %parallel_loop3A_1159 : i32
        %parallel_loop3A_1161 = arith.remsi %parallel_loop3A_1143, %parallel_loop3A_1144 : i32
        %parallel_loop3A_1162 = arith.constant 0 : i32
        %parallel_loop3A_1163 = arith.cmpi ne, %parallel_loop3A_1161, %parallel_loop3A_1162 : i32
        %parallel_loop3A_1164 = arith.andi %parallel_loop3A_1160, %parallel_loop3A_1163 : i1
        %parallel_loop3A_1165 = arith.constant 1 : i32
        %parallel_loop3A_1166 = arith.subi %parallel_loop3A_1145, %parallel_loop3A_1165 : i32
        %parallel_loop3A_1167 = arith.select %parallel_loop3A_1164, %parallel_loop3A_1166, %parallel_loop3A_1145 : i32
        %parallel_loop3A_1168 = arith.constant 1024 : i32
        %parallel_loop3A_1169 = arith.muli %parallel_loop3A_1167, %parallel_loop3A_1168 : i32
        %parallel_loop3A_1170 = arith.subi %parallel_loop3A_1143, %parallel_loop3A_1169 : i32
        %parallel_loop3A_1171 = arith.constant 0 : i32
        %parallel_loop3A_1172 = arith.index_cast %parallel_loop3A_1171 : i32 to index
        %parallel_loop3A_1173 = arith.index_cast %parallel_loop3A_1167 : i32 to index
        %parallel_loop3A_1174 = arith.index_cast %parallel_loop3A_1170 : i32 to index
        %parallel_loop3A_1175 = tpu.vector_load %arg6[%parallel_loop3A_1172, %parallel_loop3A_1173, %parallel_loop3A_1174] {strides = array<i32>} : memref<2x16x1024xf32, #tpu.memory_space<vmem>>, vector<1x1x16xf32>,
        %parallel_loop3A_1176 = vector.shape_cast %parallel_loop3A_1175 : vector<1x1x16xf32> to vector<16xf32>
        %parallel_loop3A_1177 = arith.constant 1 : i32
        %parallel_loop3A_1178 = arith.index_cast %parallel_loop3A_1177 : i32 to index
        %parallel_loop3A_1179 = arith.index_cast %parallel_loop3A_1167 : i32 to index
        %parallel_loop3A_1180 = arith.index_cast %parallel_loop3A_1170 : i32 to index
        %parallel_loop3A_1181 = tpu.vector_load %arg5[%parallel_loop3A_1178, %parallel_loop3A_1179, %parallel_loop3A_1180] {strides = array<i32>} : memref<2x16x1024xf32, #tpu.memory_space<vmem>>, vector<1x1x16xf32>,
        %parallel_loop3A_1182 = vector.shape_cast %parallel_loop3A_1181 : vector<1x1x16xf32> to vector<16xf32>
        %parallel_loop3A_1183 = vector.shape_cast %parallel_loop3A_1176 : vector<16xf32> to vector<1x1x16xf32>
        tpu.vector_store %arg5[%parallel_loop3A_1178, %parallel_loop3A_1179, %parallel_loop3A_1180], %parallel_loop3A_1183 {add = true, strides = array<i32>} : memref<2x16x1024xf32, #tpu.memory_space<vmem>>, vector<1x1x16xf32>,
      } {sc.loop_unroll_factor = 8 : i64, sc.parallel_access}
      %jit3A_289 = arith.constant 4 : i32
      %div3A_290 = arith.divsi %add3A_204, %jit3A_289 : i32
      %sign3A_291 = arith.constant 0 : i32
      %sign3A_292 = arith.cmpi sgt, %add3A_204, %sign3A_291 : i32
      %sign3A_293 = arith.extui %sign3A_292 : i1 to i32
      %sign3A_294 = arith.constant 0 : i32
      %sign3A_295 = arith.cmpi slt, %add3A_204, %sign3A_294 : i32
      %sign3A_296 = arith.extui %sign3A_295 : i1 to i32
      %sign3A_297 = arith.subi %sign3A_293, %sign3A_296 : i32
      %sign3A_298 = arith.constant 0 : i32
      %sign3A_299 = arith.cmpi sgt, %jit3A_289, %sign3A_298 : i32
      %sign3A_300 = arith.extui %sign3A_299 : i1 to i32
      %sign3A_301 = arith.constant 0 : i32
      %sign3A_302 = arith.cmpi slt, %jit3A_289, %sign3A_301 : i32
      %sign3A_303 = arith.extui %sign3A_302 : i1 to i32
      %sign3A_304 = arith.subi %sign3A_300, %sign3A_303 : i32
      %ne3A_305 = arith.cmpi ne, %sign3A_297, %sign3A_304 : i32
      %rem3A_306 = arith.remsi %add3A_204, %jit3A_289 : i32
      %ne3A_307 = arith.constant 0 : i32
      %ne3A_308 = arith.cmpi ne, %rem3A_306, %ne3A_307 : i32
      %and3A_309 = arith.andi %ne3A_305, %ne3A_308 : i1
      %sub3A_310 = arith.constant 1 : i32
      %sub3A_311 = arith.subi %div3A_290, %sub3A_310 : i32
      %select_n3A_312 = arith.select %and3A_309, %sub3A_311, %div3A_290 : i32
      %mul3A_313 = arith.constant 4 : i32
      %mul3A_314 = arith.muli %select_n3A_312, %mul3A_313 : i32
      %sub3A_315 = arith.subi %add3A_204, %mul3A_314 : i32
      %mul3A_316 = arith.constant 16 : i32
      %mul3A_317 = arith.muli %select_n3A_312, %mul3A_316 : i32
      %add3A_318 = arith.addi %mul3A_2, %mul3A_317 : i32
      %dma_start3A_319 = arith.constant 1 : i32
      %dma_start3A_320 = arith.constant 0 : i32
      %dma_start3A_321 = arith.constant 0 : i32
      %dma_start3A_322 = tpu.memref_slice %arg5[%dma_start3A_319, %dma_start3A_320, %dma_start3A_321] : memref<2x16x1024xf32, #tpu.memory_space<vmem>> -> memref<1x16x1024xf32, #tpu.memory_space<vmem>>
      %dma_start3A_323 = tpu.memref_squeeze %dma_start3A_322 : memref<1x16x1024xf32, #tpu.memory_space<vmem>> -> memref<16x1024xf32, #tpu.memory_space<vmem>>
      %dma_start3A_324 = arith.constant 0 : i32
      %dma_start3A_325 = tpu.memref_slice %arg4[%sub3A_315, %add3A_318, %dma_start3A_324] : memref<4x8192x1024xf32, #tpu.memory_space<hbm>> -> memref<1x16x1024xf32, #tpu.memory_space<hbm>>
      %dma_start3A_326 = tpu.memref_squeeze %dma_start3A_325 : memref<1x16x1024xf32, #tpu.memory_space<hbm>> -> memref<16x1024xf32, #tpu.memory_space<hbm>>
      %dma_start3A_327 = arith.constant 0 : i32
      %dma_start3A_328 = tpu.memref_slice %arg4[%sub3A_315, %add3A_318, %dma_start3A_327] : memref<4x8192x1024xf32, #tpu.memory_space<hbm>> -> memref<1x16x1024xf32, #tpu.memory_space<hbm>>
      %dma_start3A_329 = tpu.memref_squeeze %dma_start3A_328 : memref<1x16x1024xf32, #tpu.memory_space<hbm>> -> memref<16x1024xf32, #tpu.memory_space<hbm>>
      %dma_start3A_330 = arith.constant 0 : i32
      %dma_start3A_331 = arith.constant 0 : i32
      %dma_start3A_332 = tpu.memref_slice %arg5[%dma_start3A_319, %dma_start3A_330, %dma_start3A_331] : memref<2x16x1024xf32, #tpu.memory_space<vmem>> -> memref<1x16x1024xf32, #tpu.memory_space<vmem>>
      %dma_start3A_333 = tpu.memref_squeeze %dma_start3A_332 : memref<1x16x1024xf32, #tpu.memory_space<vmem>> -> memref<16x1024xf32, #tpu.memory_space<vmem>>
      tpu.enqueue_dma source(%dma_start3A_333 : memref<16x1024xf32, #tpu.memory_space<vmem>>) target(%dma_start3A_329 : memref<16x1024xf32, #tpu.memory_space<hbm>>) target_semaphore(%arg10 : memref<!tpu.dma_semaphore, #tpu.memory_space<semaphore_mem>>)
      %add3A_334 = arith.constant 2 : i32
      %add3A_335 = arith.addi %mul3A_61, %add3A_334 : i32
      %jit3A_336 = arith.constant 4 : i32
      %div3A_337 = arith.divsi %add3A_335, %jit3A_336 : i32
      %sign3A_338 = arith.constant 0 : i32
      %sign3A_339 = arith.cmpi sgt, %add3A_335, %sign3A_338 : i32
      %sign3A_340 = arith.extui %sign3A_339 : i1 to i32
      %sign3A_341 = arith.constant 0 : i32
      %sign3A_342 = arith.cmpi slt, %add3A_335, %sign3A_341 : i32
      %sign3A_343 = arith.extui %sign3A_342 : i1 to i32
      %sign3A_344 = arith.subi %sign3A_340, %sign3A_343 : i32
      %sign3A_345 = arith.constant 0 : i32
      %sign3A_346 = arith.cmpi sgt, %jit3A_336, %sign3A_345 : i32
      %sign3A_347 = arith.extui %sign3A_346 : i1 to i32
      %sign3A_348 = arith.constant 0 : i32
      %sign3A_349 = arith.cmpi slt, %jit3A_336, %sign3A_348 : i32
      %sign3A_350 = arith.extui %sign3A_349 : i1 to i32
      %sign3A_351 = arith.subi %sign3A_347, %sign3A_350 : i32
      %ne3A_352 = arith.cmpi ne, %sign3A_344, %sign3A_351 : i32
      %rem3A_353 = arith.remsi %add3A_335, %jit3A_336 : i32
      %ne3A_354 = arith.constant 0 : i32
      %ne3A_355 = arith.cmpi ne, %rem3A_353, %ne3A_354 : i32
      %and3A_356 = arith.andi %ne3A_352, %ne3A_355 : i1
      %sub3A_357 = arith.constant 1 : i32
      %sub3A_358 = arith.subi %div3A_337, %sub3A_357 : i32
      %select_n3A_359 = arith.select %and3A_356, %sub3A_358, %div3A_337 : i32
      %jit3A_360 = arith.constant 4 : i32
      %div3A_361 = arith.divsi %add3A_335, %jit3A_360 : i32
      %sign3A_362 = arith.constant 0 : i32
      %sign3A_363 = arith.cmpi sgt, %add3A_335, %sign3A_362 : i32
      %sign3A_364 = arith.extui %sign3A_363 : i1 to i32
      %sign3A_365 = arith.constant 0 : i32
      %sign3A_366 = arith.cmpi slt, %add3A_335, %sign3A_365 : i32
      %sign3A_367 = arith.extui %sign3A_366 : i1 to i32
      %sign3A_368 = arith.subi %sign3A_364, %sign3A_367 : i32
      %sign3A_369 = arith.constant 0 : i32
      %sign3A_370 = arith.cmpi sgt, %jit3A_360, %sign3A_369 : i32
      %sign3A_371 = arith.extui %sign3A_370 : i1 to i32
      %sign3A_372 = arith.constant 0 : i32
      %sign3A_373 = arith.cmpi slt, %jit3A_360, %sign3A_372 : i32
      %sign3A_374 = arith.extui %sign3A_373 : i1 to i32
      %sign3A_375 = arith.subi %sign3A_371, %sign3A_374 : i32
      %ne3A_376 = arith.cmpi ne, %sign3A_368, %sign3A_375 : i32
      %rem3A_377 = arith.remsi %add3A_335, %jit3A_360 : i32
      %ne3A_378 = arith.constant 0 : i32
      %ne3A_379 = arith.cmpi ne, %rem3A_377, %ne3A_378 : i32
      %and3A_380 = arith.andi %ne3A_376, %ne3A_379 : i1
      %sub3A_381 = arith.constant 1 : i32
      %sub3A_382 = arith.subi %div3A_361, %sub3A_381 : i32
      %select_n3A_383 = arith.select %and3A_380, %sub3A_382, %div3A_361 : i32
      %mul3A_384 = arith.constant 4 : i32
      %mul3A_385 = arith.muli %select_n3A_383, %mul3A_384 : i32
      %sub3A_386 = arith.subi %add3A_335, %mul3A_385 : i32
      %mul3A_387 = arith.constant 16 : i32
      %mul3A_388 = arith.muli %select_n3A_383, %mul3A_387 : i32
      %add3A_389 = arith.addi %mul3A_2, %mul3A_388 : i32
      %dma_wait3A_390 = arith.constant 0 : i32
      %dma_wait3A_391 = arith.constant 0 : i32
      %dma_wait3A_392 = arith.constant 0 : i32
      %dma_wait3A_393 = tpu.memref_slice %arg5[%dma_wait3A_390, %dma_wait3A_391, %dma_wait3A_392] : memref<2x16x1024xf32, #tpu.memory_space<vmem>> -> memref<1x16x1024xf32, #tpu.memory_space<vmem>>
      %dma_wait3A_394 = tpu.memref_squeeze %dma_wait3A_393 : memref<1x16x1024xf32, #tpu.memory_space<vmem>> -> memref<16x1024xf32, #tpu.memory_space<vmem>>
      %dma_wait3A_395 = arith.constant 0 : i32
      %dma_wait3A_396 = tpu.memref_slice %arg2[%sub3A_386, %add3A_389, %dma_wait3A_395] : memref<4x8192x1024xf32, #tpu.memory_space<hbm>> -> memref<1x16x1024xf32, #tpu.memory_space<hbm>>
      %dma_wait3A_397 = tpu.memref_squeeze %dma_wait3A_396 : memref<1x16x1024xf32, #tpu.memory_space<hbm>> -> memref<16x1024xf32, #tpu.memory_space<hbm>>
      %dma_wait3A_398 = arith.constant 0 : i32
      %dma_wait3A_399 = arith.constant 0 : i32
      %dma_wait3A_400 = tpu.memref_slice %arg5[%dma_wait3A_390, %dma_wait3A_398, %dma_wait3A_399] : memref<2x16x1024xf32, #tpu.memory_space<vmem>> -> memref<1x16x1024xf32, #tpu.memory_space<vmem>>
      %dma_wait3A_401 = tpu.memref_squeeze %dma_wait3A_400 : memref<1x16x1024xf32, #tpu.memory_space<vmem>> -> memref<16x1024xf32, #tpu.memory_space<vmem>>
      %dma_wait3A_402 = arith.constant 0 : i32
      %dma_wait3A_403 = tpu.memref_slice %arg2[%sub3A_386, %add3A_389, %dma_wait3A_402] : memref<4x8192x1024xf32, #tpu.memory_space<hbm>> -> memref<1x16x1024xf32, #tpu.memory_space<hbm>>
      %dma_wait3A_404 = tpu.memref_squeeze %dma_wait3A_403 : memref<1x16x1024xf32, #tpu.memory_space<hbm>> -> memref<16x1024xf32, #tpu.memory_space<hbm>>
      tpu.wait_dma2 semaphore(%arg7 : memref<!tpu.dma_semaphore, #tpu.memory_space<semaphore_mem>>) src(%dma_wait3A_404 : memref<16x1024xf32, #tpu.memory_space<hbm>>) dst(%dma_wait3A_401 : memref<16x1024xf32, #tpu.memory_space<vmem>>)
      %ge3A_405 = arith.constant 1 : i32
      %ge3A_406 = arith.cmpi sge, %add3A_335, %ge3A_405 : i32
      %convert_element_type3A_407 = arith.extui %ge3A_406 : i1 to i32
      %cond3A_408 = arith.constant 0 : i32
      %cond3A_409 = arith.cmpi ne, %convert_element_type3A_407, %cond3A_408 : i32
      scf.if %cond3A_409 {
        %sub3A_1143 = arith.constant 1 : i32
        %sub3A_1144 = arith.subi %add3A_335, %sub3A_1143 : i32
        %jit3A_1145 = arith.constant 4 : i32
        %div3A_1146 = arith.divsi %sub3A_1144, %jit3A_1145 : i32
        %sign3A_1147 = arith.constant 0 : i32
        %sign3A_1148 = arith.cmpi sgt, %sub3A_1144, %sign3A_1147 : i32
        %sign3A_1149 = arith.extui %sign3A_1148 : i1 to i32
        %sign3A_1150 = arith.constant 0 : i32
        %sign3A_1151 = arith.cmpi slt, %sub3A_1144, %sign3A_1150 : i32
        %sign3A_1152 = arith.extui %sign3A_1151 : i1 to i32
        %sign3A_1153 = arith.subi %sign3A_1149, %sign3A_1152 : i32
        %sign3A_1154 = arith.constant 0 : i32
        %sign3A_1155 = arith.cmpi sgt, %jit3A_1145, %sign3A_1154 : i32
        %sign3A_1156 = arith.extui %sign3A_1155 : i1 to i32
        %sign3A_1157 = arith.constant 0 : i32
        %sign3A_1158 = arith.cmpi slt, %jit3A_1145, %sign3A_1157 : i32
        %sign3A_1159 = arith.extui %sign3A_1158 : i1 to i32
        %sign3A_1160 = arith.subi %sign3A_1156, %sign3A_1159 : i32
        %ne3A_1161 = arith.cmpi ne, %sign3A_1153, %sign3A_1160 : i32
        %rem3A_1162 = arith.remsi %sub3A_1144, %jit3A_1145 : i32
        %ne3A_1163 = arith.constant 0 : i32
        %ne3A_1164 = arith.cmpi ne, %rem3A_1162, %ne3A_1163 : i32
        %and3A_1165 = arith.andi %ne3A_1161, %ne3A_1164 : i1
        %sub3A_1166 = arith.constant 1 : i32
        %sub3A_1167 = arith.subi %div3A_1146, %sub3A_1166 : i32
        %select_n3A_1168 = arith.select %and3A_1165, %sub3A_1167, %div3A_1146 : i32
        %mul3A_1169 = arith.constant 4 : i32
        %mul3A_1170 = arith.muli %select_n3A_1168, %mul3A_1169 : i32
        %sub3A_1171 = arith.subi %sub3A_1144, %mul3A_1170 : i32
        %mul3A_1172 = arith.constant 16 : i32
        %mul3A_1173 = arith.muli %select_n3A_1168, %mul3A_1172 : i32
        %add3A_1174 = arith.addi %mul3A_2, %mul3A_1173 : i32
        %dma_wait3A_1175 = arith.constant 1 : i32
        %dma_wait3A_1176 = arith.constant 0 : i32
        %dma_wait3A_1177 = arith.constant 0 : i32
        %dma_wait3A_1178 = tpu.memref_slice %arg5[%dma_wait3A_1175, %dma_wait3A_1176, %dma_wait3A_1177] : memref<2x16x1024xf32, #tpu.memory_space<vmem>> -> memref<1x16x1024xf32, #tpu.memory_space<vmem>>
        %dma_wait3A_1179 = tpu.memref_squeeze %dma_wait3A_1178 : memref<1x16x1024xf32, #tpu.memory_space<vmem>> -> memref<16x1024xf32, #tpu.memory_space<vmem>>
        %dma_wait3A_1180 = arith.constant 0 : i32
        %dma_wait3A_1181 = tpu.memref_slice %arg4[%sub3A_1171, %add3A_1174, %dma_wait3A_1180] : memref<4x8192x1024xf32, #tpu.memory_space<hbm>> -> memref<1x16x1024xf32, #tpu.memory_space<hbm>>
        %dma_wait3A_1182 = tpu.memref_squeeze %dma_wait3A_1181 : memref<1x16x1024xf32, #tpu.memory_space<hbm>> -> memref<16x1024xf32, #tpu.memory_space<hbm>>
        %dma_wait3A_1183 = arith.constant 0 : i32
        %dma_wait3A_1184 = tpu.memref_slice %arg4[%sub3A_1171, %add3A_1174, %dma_wait3A_1183] : memref<4x8192x1024xf32, #tpu.memory_space<hbm>> -> memref<1x16x1024xf32, #tpu.memory_space<hbm>>
        %dma_wait3A_1185 = tpu.memref_squeeze %dma_wait3A_1184 : memref<1x16x1024xf32, #tpu.memory_space<hbm>> -> memref<16x1024xf32, #tpu.memory_space<hbm>>
        %dma_wait3A_1186 = arith.constant 0 : i32
        %dma_wait3A_1187 = arith.constant 0 : i32
        %dma_wait3A_1188 = tpu.memref_slice %arg5[%dma_wait3A_1175, %dma_wait3A_1186, %dma_wait3A_1187] : memref<2x16x1024xf32, #tpu.memory_space<vmem>> -> memref<1x16x1024xf32, #tpu.memory_space<vmem>>
        %dma_wait3A_1189 = tpu.memref_squeeze %dma_wait3A_1188 : memref<1x16x1024xf32, #tpu.memory_space<vmem>> -> memref<16x1024xf32, #tpu.memory_space<vmem>>
        tpu.wait_dma2 semaphore(%arg10 : memref<!tpu.dma_semaphore, #tpu.memory_space<semaphore_mem>>) src(%dma_wait3A_1189 : memref<16x1024xf32, #tpu.memory_space<vmem>>) dst(%dma_wait3A_1185 : memref<16x1024xf32, #tpu.memory_space<hbm>>)
      } else {
      }
      %add3A_410 = arith.constant 1 : i32
      %add3A_411 = arith.addi %add3A_335, %add3A_410 : i32
      %lt3A_412 = arith.constant 64 : i32
      %lt3A_413 = arith.cmpi slt, %add3A_411, %lt3A_412 : i32
      %convert_element_type3A_414 = arith.extui %lt3A_413 : i1 to i32
      %cond3A_415 = arith.constant 0 : i32
      %cond3A_416 = arith.cmpi ne, %convert_element_type3A_414, %cond3A_415 : i32
      scf.if %cond3A_416 {
        %add3A_1143 = arith.constant 1 : i32
        %add3A_1144 = arith.addi %add3A_335, %add3A_1143 : i32
        %jit3A_1145 = arith.constant 4 : i32
        %div3A_1146 = arith.divsi %add3A_1144, %jit3A_1145 : i32
        %sign3A_1147 = arith.constant 0 : i32
        %sign3A_1148 = arith.cmpi sgt, %add3A_1144, %sign3A_1147 : i32
        %sign3A_1149 = arith.extui %sign3A_1148 : i1 to i32
        %sign3A_1150 = arith.constant 0 : i32
        %sign3A_1151 = arith.cmpi slt, %add3A_1144, %sign3A_1150 : i32
        %sign3A_1152 = arith.extui %sign3A_1151 : i1 to i32
        %sign3A_1153 = arith.subi %sign3A_1149, %sign3A_1152 : i32
        %sign3A_1154 = arith.constant 0 : i32
        %sign3A_1155 = arith.cmpi sgt, %jit3A_1145, %sign3A_1154 : i32
        %sign3A_1156 = arith.extui %sign3A_1155 : i1 to i32
        %sign3A_1157 = arith.constant 0 : i32
        %sign3A_1158 = arith.cmpi slt, %jit3A_1145, %sign3A_1157 : i32
        %sign3A_1159 = arith.extui %sign3A_1158 : i1 to i32
        %sign3A_1160 = arith.subi %sign3A_1156, %sign3A_1159 : i32
        %ne3A_1161 = arith.cmpi ne, %sign3A_1153, %sign3A_1160 : i32
        %rem3A_1162 = arith.remsi %add3A_1144, %jit3A_1145 : i32
        %ne3A_1163 = arith.constant 0 : i32
        %ne3A_1164 = arith.cmpi ne, %rem3A_1162, %ne3A_1163 : i32
        %and3A_1165 = arith.andi %ne3A_1161, %ne3A_1164 : i1
        %sub3A_1166 = arith.constant 1 : i32
        %sub3A_1167 = arith.subi %div3A_1146, %sub3A_1166 : i32
        %select_n3A_1168 = arith.select %and3A_1165, %sub3A_1167, %div3A_1146 : i32
        %mul3A_1169 = arith.constant 4 : i32
        %mul3A_1170 = arith.muli %select_n3A_1168, %mul3A_1169 : i32
        %sub3A_1171 = arith.subi %add3A_1144, %mul3A_1170 : i32
        %mul3A_1172 = arith.constant 16 : i32
        %mul3A_1173 = arith.muli %select_n3A_1168, %mul3A_1172 : i32
        %add3A_1174 = arith.addi %mul3A_2, %mul3A_1173 : i32
        %dma_start3A_1175 = arith.constant 1 : i32
        %dma_start3A_1176 = arith.constant 0 : i32
        %dma_start3A_1177 = arith.constant 0 : i32
        %dma_start3A_1178 = tpu.memref_slice %arg5[%dma_start3A_1175, %dma_start3A_1176, %dma_start3A_1177] : memref<2x16x1024xf32, #tpu.memory_space<vmem>> -> memref<1x16x1024xf32, #tpu.memory_space<vmem>>
        %dma_start3A_1179 = tpu.memref_squeeze %dma_start3A_1178 : memref<1x16x1024xf32, #tpu.memory_space<vmem>> -> memref<16x1024xf32, #tpu.memory_space<vmem>>
        %dma_start3A_1180 = arith.constant 0 : i32
        %dma_start3A_1181 = tpu.memref_slice %arg2[%sub3A_1171, %add3A_1174, %dma_start3A_1180] : memref<4x8192x1024xf32, #tpu.memory_space<hbm>> -> memref<1x16x1024xf32, #tpu.memory_space<hbm>>
        %dma_start3A_1182 = tpu.memref_squeeze %dma_start3A_1181 : memref<1x16x1024xf32, #tpu.memory_space<hbm>> -> memref<16x1024xf32, #tpu.memory_space<hbm>>
        %dma_start3A_1183 = arith.constant 0 : i32
        %dma_start3A_1184 = arith.constant 0 : i32
        %dma_start3A_1185 = tpu.memref_slice %arg5[%dma_start3A_1175, %dma_start3A_1183, %dma_start3A_1184] : memref<2x16x1024xf32, #tpu.memory_space<vmem>> -> memref<1x16x1024xf32, #tpu.memory_space<vmem>>
        %dma_start3A_1186 = tpu.memref_squeeze %dma_start3A_1185 : memref<1x16x1024xf32, #tpu.memory_space<vmem>> -> memref<16x1024xf32, #tpu.memory_space<vmem>>
        %dma_start3A_1187 = arith.constant 0 : i32
        %dma_start3A_1188 = tpu.memref_slice %arg2[%sub3A_1171, %add3A_1174, %dma_start3A_1187] : memref<4x8192x1024xf32, #tpu.memory_space<hbm>> -> memref<1x16x1024xf32, #tpu.memory_space<hbm>>
        %dma_start3A_1189 = tpu.memref_squeeze %dma_start3A_1188 : memref<1x16x1024xf32, #tpu.memory_space<hbm>> -> memref<16x1024xf32, #tpu.memory_space<hbm>>
        tpu.enqueue_dma source(%dma_start3A_1189 : memref<16x1024xf32, #tpu.memory_space<hbm>>) target(%dma_start3A_1186 : memref<16x1024xf32, #tpu.memory_space<vmem>>) target_semaphore(%arg8 : memref<!tpu.dma_semaphore, #tpu.memory_space<semaphore_mem>>)
      } else {
      }
      %parallel_loop3A_417 = arith.constant 0 : i32
      %parallel_loop3A_418 = arith.constant 16384 : i32
      %parallel_loop3A_419 = arith.constant 16 : i32
      scf.for %parallel_loop3A_1143 = %parallel_loop3A_417 to %parallel_loop3A_418 step %parallel_loop3A_419  : i32 {
        %parallel_loop3A_1144 = arith.constant 1024 : i32
        %parallel_loop3A_1145 = arith.divsi %parallel_loop3A_1143, %parallel_loop3A_1144 : i32
        %parallel_loop3A_1146 = arith.constant 0 : i32
        %parallel_loop3A_1147 = arith.cmpi sgt, %parallel_loop3A_1143, %parallel_loop3A_1146 : i32
        %parallel_loop3A_1148 = arith.extui %parallel_loop3A_1147 : i1 to i32
        %parallel_loop3A_1149 = arith.constant 0 : i32
        %parallel_loop3A_1150 = arith.cmpi slt, %parallel_loop3A_1143, %parallel_loop3A_1149 : i32
        %parallel_loop3A_1151 = arith.extui %parallel_loop3A_1150 : i1 to i32
        %parallel_loop3A_1152 = arith.subi %parallel_loop3A_1148, %parallel_loop3A_1151 : i32
        %parallel_loop3A_1153 = arith.constant 0 : i32
        %parallel_loop3A_1154 = arith.cmpi sgt, %parallel_loop3A_1144, %parallel_loop3A_1153 : i32
        %parallel_loop3A_1155 = arith.extui %parallel_loop3A_1154 : i1 to i32
        %parallel_loop3A_1156 = arith.constant 0 : i32
        %parallel_loop3A_1157 = arith.cmpi slt, %parallel_loop3A_1144, %parallel_loop3A_1156 : i32
        %parallel_loop3A_1158 = arith.extui %parallel_loop3A_1157 : i1 to i32
        %parallel_loop3A_1159 = arith.subi %parallel_loop3A_1155, %parallel_loop3A_1158 : i32
        %parallel_loop3A_1160 = arith.cmpi ne, %parallel_loop3A_1152, %parallel_loop3A_1159 : i32
        %parallel_loop3A_1161 = arith.remsi %parallel_loop3A_1143, %parallel_loop3A_1144 : i32
        %parallel_loop3A_1162 = arith.constant 0 : i32
        %parallel_loop3A_1163 = arith.cmpi ne, %parallel_loop3A_1161, %parallel_loop3A_1162 : i32
        %parallel_loop3A_1164 = arith.andi %parallel_loop3A_1160, %parallel_loop3A_1163 : i1
        %parallel_loop3A_1165 = arith.constant 1 : i32
        %parallel_loop3A_1166 = arith.subi %parallel_loop3A_1145, %parallel_loop3A_1165 : i32
        %parallel_loop3A_1167 = arith.select %parallel_loop3A_1164, %parallel_loop3A_1166, %parallel_loop3A_1145 : i32
        %parallel_loop3A_1168 = arith.constant 1024 : i32
        %parallel_loop3A_1169 = arith.muli %parallel_loop3A_1167, %parallel_loop3A_1168 : i32
        %parallel_loop3A_1170 = arith.subi %parallel_loop3A_1143, %parallel_loop3A_1169 : i32
        %parallel_loop3A_1171 = arith.constant 0 : i32
        %parallel_loop3A_1172 = arith.index_cast %parallel_loop3A_1171 : i32 to index
        %parallel_loop3A_1173 = arith.index_cast %parallel_loop3A_1167 : i32 to index
        %parallel_loop3A_1174 = arith.index_cast %parallel_loop3A_1170 : i32 to index
        %parallel_loop3A_1175 = tpu.vector_load %arg6[%parallel_loop3A_1172, %parallel_loop3A_1173, %parallel_loop3A_1174] {strides = array<i32>} : memref<2x16x1024xf32, #tpu.memory_space<vmem>>, vector<1x1x16xf32>,
        %parallel_loop3A_1176 = vector.shape_cast %parallel_loop3A_1175 : vector<1x1x16xf32> to vector<16xf32>
        %parallel_loop3A_1177 = arith.constant 0 : i32
        %parallel_loop3A_1178 = arith.index_cast %parallel_loop3A_1177 : i32 to index
        %parallel_loop3A_1179 = arith.index_cast %parallel_loop3A_1167 : i32 to index
        %parallel_loop3A_1180 = arith.index_cast %parallel_loop3A_1170 : i32 to index
        %parallel_loop3A_1181 = tpu.vector_load %arg5[%parallel_loop3A_1178, %parallel_loop3A_1179, %parallel_loop3A_1180] {strides = array<i32>} : memref<2x16x1024xf32, #tpu.memory_space<vmem>>, vector<1x1x16xf32>,
        %parallel_loop3A_1182 = vector.shape_cast %parallel_loop3A_1181 : vector<1x1x16xf32> to vector<16xf32>
        %parallel_loop3A_1183 = vector.shape_cast %parallel_loop3A_1176 : vector<16xf32> to vector<1x1x16xf32>
        tpu.vector_store %arg5[%parallel_loop3A_1178, %parallel_loop3A_1179, %parallel_loop3A_1180], %parallel_loop3A_1183 {add = true, strides = array<i32>} : memref<2x16x1024xf32, #tpu.memory_space<vmem>>, vector<1x1x16xf32>,
      } {sc.loop_unroll_factor = 8 : i64, sc.parallel_access}
      %jit3A_420 = arith.constant 4 : i32
      %div3A_421 = arith.divsi %add3A_335, %jit3A_420 : i32
      %sign3A_422 = arith.constant 0 : i32
      %sign3A_423 = arith.cmpi sgt, %add3A_335, %sign3A_422 : i32
      %sign3A_424 = arith.extui %sign3A_423 : i1 to i32
      %sign3A_425 = arith.constant 0 : i32
      %sign3A_426 = arith.cmpi slt, %add3A_335, %sign3A_425 : i32
      %sign3A_427 = arith.extui %sign3A_426 : i1 to i32
      %sign3A_428 = arith.subi %sign3A_424, %sign3A_427 : i32
      %sign3A_429 = arith.constant 0 : i32
      %sign3A_430 = arith.cmpi sgt, %jit3A_420, %sign3A_429 : i32
      %sign3A_431 = arith.extui %sign3A_430 : i1 to i32
      %sign3A_432 = arith.constant 0 : i32
      %sign3A_433 = arith.cmpi slt, %jit3A_420, %sign3A_432 : i32
      %sign3A_434 = arith.extui %sign3A_433 : i1 to i32
      %sign3A_435 = arith.subi %sign3A_431, %sign3A_434 : i32
      %ne3A_436 = arith.cmpi ne, %sign3A_428, %sign3A_435 : i32
      %rem3A_437 = arith.remsi %add3A_335, %jit3A_420 : i32
      %ne3A_438 = arith.constant 0 : i32
      %ne3A_439 = arith.cmpi ne, %rem3A_437, %ne3A_438 : i32
      %and3A_440 = arith.andi %ne3A_436, %ne3A_439 : i1
      %sub3A_441 = arith.constant 1 : i32
      %sub3A_442 = arith.subi %div3A_421, %sub3A_441 : i32
      %select_n3A_443 = arith.select %and3A_440, %sub3A_442, %div3A_421 : i32
      %mul3A_444 = arith.constant 4 : i32
      %mul3A_445 = arith.muli %select_n3A_443, %mul3A_444 : i32
      %sub3A_446 = arith.subi %add3A_335, %mul3A_445 : i32
      %mul3A_447 = arith.constant 16 : i32
      %mul3A_448 = arith.muli %select_n3A_443, %mul3A_447 : i32
      %add3A_449 = arith.addi %mul3A_2, %mul3A_448 : i32
      %dma_start3A_450 = arith.constant 0 : i32
      %dma_start3A_451 = arith.constant 0 : i32
      %dma_start3A_452 = arith.constant 0 : i32
      %dma_start3A_453 = tpu.memref_slice %arg5[%dma_start3A_450, %dma_start3A_451, %dma_start3A_452] : memref<2x16x1024xf32, #tpu.memory_space<vmem>> -> memref<1x16x1024xf32, #tpu.memory_space<vmem>>
      %dma_start3A_454 = tpu.memref_squeeze %dma_start3A_453 : memref<1x16x1024xf32, #tpu.memory_space<vmem>> -> memref<16x1024xf32, #tpu.memory_space<vmem>>
      %dma_start3A_455 = arith.constant 0 : i32
      %dma_start3A_456 = tpu.memref_slice %arg4[%sub3A_446, %add3A_449, %dma_start3A_455] : memref<4x8192x1024xf32, #tpu.memory_space<hbm>> -> memref<1x16x1024xf32, #tpu.memory_space<hbm>>
      %dma_start3A_457 = tpu.memref_squeeze %dma_start3A_456 : memref<1x16x1024xf32, #tpu.memory_space<hbm>> -> memref<16x1024xf32, #tpu.memory_space<hbm>>
      %dma_start3A_458 = arith.constant 0 : i32
      %dma_start3A_459 = tpu.memref_slice %arg4[%sub3A_446, %add3A_449, %dma_start3A_458] : memref<4x8192x1024xf32, #tpu.memory_space<hbm>> -> memref<1x16x1024xf32, #tpu.memory_space<hbm>>
      %dma_start3A_460 = tpu.memref_squeeze %dma_start3A_459 : memref<1x16x1024xf32, #tpu.memory_space<hbm>> -> memref<16x1024xf32, #tpu.memory_space<hbm>>
      %dma_start3A_461 = arith.constant 0 : i32
      %dma_start3A_462 = arith.constant 0 : i32
      %dma_start3A_463 = tpu.memref_slice %arg5[%dma_start3A_450, %dma_start3A_461, %dma_start3A_462] : memref<2x16x1024xf32, #tpu.memory_space<vmem>> -> memref<1x16x1024xf32, #tpu.memory_space<vmem>>
      %dma_start3A_464 = tpu.memref_squeeze %dma_start3A_463 : memref<1x16x1024xf32, #tpu.memory_space<vmem>> -> memref<16x1024xf32, #tpu.memory_space<vmem>>
      tpu.enqueue_dma source(%dma_start3A_464 : memref<16x1024xf32, #tpu.memory_space<vmem>>) target(%dma_start3A_460 : memref<16x1024xf32, #tpu.memory_space<hbm>>) target_semaphore(%arg9 : memref<!tpu.dma_semaphore, #tpu.memory_space<semaphore_mem>>)
      %add3A_465 = arith.constant 3 : i32
      %add3A_466 = arith.addi %mul3A_61, %add3A_465 : i32
      %jit3A_467 = arith.constant 4 : i32
      %div3A_468 = arith.divsi %add3A_466, %jit3A_467 : i32
      %sign3A_469 = arith.constant 0 : i32
      %sign3A_470 = arith.cmpi sgt, %add3A_466, %sign3A_469 : i32
      %sign3A_471 = arith.extui %sign3A_470 : i1 to i32
      %sign3A_472 = arith.constant 0 : i32
      %sign3A_473 = arith.cmpi slt, %add3A_466, %sign3A_472 : i32
      %sign3A_474 = arith.extui %sign3A_473 : i1 to i32
      %sign3A_475 = arith.subi %sign3A_471, %sign3A_474 : i32
      %sign3A_476 = arith.constant 0 : i32
      %sign3A_477 = arith.cmpi sgt, %jit3A_467, %sign3A_476 : i32
      %sign3A_478 = arith.extui %sign3A_477 : i1 to i32
      %sign3A_479 = arith.constant 0 : i32
      %sign3A_480 = arith.cmpi slt, %jit3A_467, %sign3A_479 : i32
      %sign3A_481 = arith.extui %sign3A_480 : i1 to i32
      %sign3A_482 = arith.subi %sign3A_478, %sign3A_481 : i32
      %ne3A_483 = arith.cmpi ne, %sign3A_475, %sign3A_482 : i32
      %rem3A_484 = arith.remsi %add3A_466, %jit3A_467 : i32
      %ne3A_485 = arith.constant 0 : i32
      %ne3A_486 = arith.cmpi ne, %rem3A_484, %ne3A_485 : i32
      %and3A_487 = arith.andi %ne3A_483, %ne3A_486 : i1
      %sub3A_488 = arith.constant 1 : i32
      %sub3A_489 = arith.subi %div3A_468, %sub3A_488 : i32
      %select_n3A_490 = arith.select %and3A_487, %sub3A_489, %div3A_468 : i32
      %jit3A_491 = arith.constant 4 : i32
      %div3A_492 = arith.divsi %add3A_466, %jit3A_491 : i32
      %sign3A_493 = arith.constant 0 : i32
      %sign3A_494 = arith.cmpi sgt, %add3A_466, %sign3A_493 : i32
      %sign3A_495 = arith.extui %sign3A_494 : i1 to i32
      %sign3A_496 = arith.constant 0 : i32
      %sign3A_497 = arith.cmpi slt, %add3A_466, %sign3A_496 : i32
      %sign3A_498 = arith.extui %sign3A_497 : i1 to i32
      %sign3A_499 = arith.subi %sign3A_495, %sign3A_498 : i32
      %sign3A_500 = arith.constant 0 : i32
      %sign3A_501 = arith.cmpi sgt, %jit3A_491, %sign3A_500 : i32
      %sign3A_502 = arith.extui %sign3A_501 : i1 to i32
      %sign3A_503 = arith.constant 0 : i32
      %sign3A_504 = arith.cmpi slt, %jit3A_491, %sign3A_503 : i32
      %sign3A_505 = arith.extui %sign3A_504 : i1 to i32
      %sign3A_506 = arith.subi %sign3A_502, %sign3A_505 : i32
      %ne3A_507 = arith.cmpi ne, %sign3A_499, %sign3A_506 : i32
      %rem3A_508 = arith.remsi %add3A_466, %jit3A_491 : i32
      %ne3A_509 = arith.constant 0 : i32
      %ne3A_510 = arith.cmpi ne, %rem3A_508, %ne3A_509 : i32
      %and3A_511 = arith.andi %ne3A_507, %ne3A_510 : i1
      %sub3A_512 = arith.constant 1 : i32
      %sub3A_513 = arith.subi %div3A_492, %sub3A_512 : i32
      %select_n3A_514 = arith.select %and3A_511, %sub3A_513, %div3A_492 : i32
      %mul3A_515 = arith.constant 4 : i32
      %mul3A_516 = arith.muli %select_n3A_514, %mul3A_515 : i32
      %sub3A_517 = arith.subi %add3A_466, %mul3A_516 : i32
      %mul3A_518 = arith.constant 16 : i32
      %mul3A_519 = arith.muli %select_n3A_514, %mul3A_518 : i32
      %add3A_520 = arith.addi %mul3A_2, %mul3A_519 : i32
      %dma_wait3A_521 = arith.constant 1 : i32
      %dma_wait3A_522 = arith.constant 0 : i32
      %dma_wait3A_523 = arith.constant 0 : i32
      %dma_wait3A_524 = tpu.memref_slice %arg5[%dma_wait3A_521, %dma_wait3A_522, %dma_wait3A_523] : memref<2x16x1024xf32, #tpu.memory_space<vmem>> -> memref<1x16x1024xf32, #tpu.memory_space<vmem>>
      %dma_wait3A_525 = tpu.memref_squeeze %dma_wait3A_524 : memref<1x16x1024xf32, #tpu.memory_space<vmem>> -> memref<16x1024xf32, #tpu.memory_space<vmem>>
      %dma_wait3A_526 = arith.constant 0 : i32
      %dma_wait3A_527 = tpu.memref_slice %arg2[%sub3A_517, %add3A_520, %dma_wait3A_526] : memref<4x8192x1024xf32, #tpu.memory_space<hbm>> -> memref<1x16x1024xf32, #tpu.memory_space<hbm>>
      %dma_wait3A_528 = tpu.memref_squeeze %dma_wait3A_527 : memref<1x16x1024xf32, #tpu.memory_space<hbm>> -> memref<16x1024xf32, #tpu.memory_space<hbm>>
      %dma_wait3A_529 = arith.constant 0 : i32
      %dma_wait3A_530 = arith.constant 0 : i32
      %dma_wait3A_531 = tpu.memref_slice %arg5[%dma_wait3A_521, %dma_wait3A_529, %dma_wait3A_530] : memref<2x16x1024xf32, #tpu.memory_space<vmem>> -> memref<1x16x1024xf32, #tpu.memory_space<vmem>>
      %dma_wait3A_532 = tpu.memref_squeeze %dma_wait3A_531 : memref<1x16x1024xf32, #tpu.memory_space<vmem>> -> memref<16x1024xf32, #tpu.memory_space<vmem>>
      %dma_wait3A_533 = arith.constant 0 : i32
      %dma_wait3A_534 = tpu.memref_slice %arg2[%sub3A_517, %add3A_520, %dma_wait3A_533] : memref<4x8192x1024xf32, #tpu.memory_space<hbm>> -> memref<1x16x1024xf32, #tpu.memory_space<hbm>>
      %dma_wait3A_535 = tpu.memref_squeeze %dma_wait3A_534 : memref<1x16x1024xf32, #tpu.memory_space<hbm>> -> memref<16x1024xf32, #tpu.memory_space<hbm>>
      tpu.wait_dma2 semaphore(%arg8 : memref<!tpu.dma_semaphore, #tpu.memory_space<semaphore_mem>>) src(%dma_wait3A_535 : memref<16x1024xf32, #tpu.memory_space<hbm>>) dst(%dma_wait3A_532 : memref<16x1024xf32, #tpu.memory_space<vmem>>)
      %ge3A_536 = arith.constant 1 : i32
      %ge3A_537 = arith.cmpi sge, %add3A_466, %ge3A_536 : i32
      %convert_element_type3A_538 = arith.extui %ge3A_537 : i1 to i32
      %cond3A_539 = arith.constant 0 : i32
      %cond3A_540 = arith.cmpi ne, %convert_element_type3A_538, %cond3A_539 : i32
      scf.if %cond3A_540 {
        %sub3A_1143 = arith.constant 1 : i32
        %sub3A_1144 = arith.subi %add3A_466, %sub3A_1143 : i32
        %jit3A_1145 = arith.constant 4 : i32
        %div3A_1146 = arith.divsi %sub3A_1144, %jit3A_1145 : i32
        %sign3A_1147 = arith.constant 0 : i32
        %sign3A_1148 = arith.cmpi sgt, %sub3A_1144, %sign3A_1147 : i32
        %sign3A_1149 = arith.extui %sign3A_1148 : i1 to i32
        %sign3A_1150 = arith.constant 0 : i32
        %sign3A_1151 = arith.cmpi slt, %sub3A_1144, %sign3A_1150 : i32
        %sign3A_1152 = arith.extui %sign3A_1151 : i1 to i32
        %sign3A_1153 = arith.subi %sign3A_1149, %sign3A_1152 : i32
        %sign3A_1154 = arith.constant 0 : i32
        %sign3A_1155 = arith.cmpi sgt, %jit3A_1145, %sign3A_1154 : i32
        %sign3A_1156 = arith.extui %sign3A_1155 : i1 to i32
        %sign3A_1157 = arith.constant 0 : i32
        %sign3A_1158 = arith.cmpi slt, %jit3A_1145, %sign3A_1157 : i32
        %sign3A_1159 = arith.extui %sign3A_1158 : i1 to i32
        %sign3A_1160 = arith.subi %sign3A_1156, %sign3A_1159 : i32
        %ne3A_1161 = arith.cmpi ne, %sign3A_1153, %sign3A_1160 : i32
        %rem3A_1162 = arith.remsi %sub3A_1144, %jit3A_1145 : i32
        %ne3A_1163 = arith.constant 0 : i32
        %ne3A_1164 = arith.cmpi ne, %rem3A_1162, %ne3A_1163 : i32
        %and3A_1165 = arith.andi %ne3A_1161, %ne3A_1164 : i1
        %sub3A_1166 = arith.constant 1 : i32
        %sub3A_1167 = arith.subi %div3A_1146, %sub3A_1166 : i32
        %select_n3A_1168 = arith.select %and3A_1165, %sub3A_1167, %div3A_1146 : i32
        %mul3A_1169 = arith.constant 4 : i32
        %mul3A_1170 = arith.muli %select_n3A_1168, %mul3A_1169 : i32
        %sub3A_1171 = arith.subi %sub3A_1144, %mul3A_1170 : i32
        %mul3A_1172 = arith.constant 16 : i32
        %mul3A_1173 = arith.muli %select_n3A_1168, %mul3A_1172 : i32
        %add3A_1174 = arith.addi %mul3A_2, %mul3A_1173 : i32
        %dma_wait3A_1175 = arith.constant 0 : i32
        %dma_wait3A_1176 = arith.constant 0 : i32
        %dma_wait3A_1177 = arith.constant 0 : i32
        %dma_wait3A_1178 = tpu.memref_slice %arg5[%dma_wait3A_1175, %dma_wait3A_1176, %dma_wait3A_1177] : memref<2x16x1024xf32, #tpu.memory_space<vmem>> -> memref<1x16x1024xf32, #tpu.memory_space<vmem>>
        %dma_wait3A_1179 = tpu.memref_squeeze %dma_wait3A_1178 : memref<1x16x1024xf32, #tpu.memory_space<vmem>> -> memref<16x1024xf32, #tpu.memory_space<vmem>>
        %dma_wait3A_1180 = arith.constant 0 : i32
        %dma_wait3A_1181 = tpu.memref_slice %arg4[%sub3A_1171, %add3A_1174, %dma_wait3A_1180] : memref<4x8192x1024xf32, #tpu.memory_space<hbm>> -> memref<1x16x1024xf32, #tpu.memory_space<hbm>>
        %dma_wait3A_1182 = tpu.memref_squeeze %dma_wait3A_1181 : memref<1x16x1024xf32, #tpu.memory_space<hbm>> -> memref<16x1024xf32, #tpu.memory_space<hbm>>
        %dma_wait3A_1183 = arith.constant 0 : i32
        %dma_wait3A_1184 = tpu.memref_slice %arg4[%sub3A_1171, %add3A_1174, %dma_wait3A_1183] : memref<4x8192x1024xf32, #tpu.memory_space<hbm>> -> memref<1x16x1024xf32, #tpu.memory_space<hbm>>
        %dma_wait3A_1185 = tpu.memref_squeeze %dma_wait3A_1184 : memref<1x16x1024xf32, #tpu.memory_space<hbm>> -> memref<16x1024xf32, #tpu.memory_space<hbm>>
        %dma_wait3A_1186 = arith.constant 0 : i32
        %dma_wait3A_1187 = arith.constant 0 : i32
        %dma_wait3A_1188 = tpu.memref_slice %arg5[%dma_wait3A_1175, %dma_wait3A_1186, %dma_wait3A_1187] : memref<2x16x1024xf32, #tpu.memory_space<vmem>> -> memref<1x16x1024xf32, #tpu.memory_space<vmem>>
        %dma_wait3A_1189 = tpu.memref_squeeze %dma_wait3A_1188 : memref<1x16x1024xf32, #tpu.memory_space<vmem>> -> memref<16x1024xf32, #tpu.memory_space<vmem>>
        tpu.wait_dma2 semaphore(%arg9 : memref<!tpu.dma_semaphore, #tpu.memory_space<semaphore_mem>>) src(%dma_wait3A_1189 : memref<16x1024xf32, #tpu.memory_space<vmem>>) dst(%dma_wait3A_1185 : memref<16x1024xf32, #tpu.memory_space<hbm>>)
      } else {
      }
      %add3A_541 = arith.constant 1 : i32
      %add3A_542 = arith.addi %add3A_466, %add3A_541 : i32
      %lt3A_543 = arith.constant 64 : i32
      %lt3A_544 = arith.cmpi slt, %add3A_542, %lt3A_543 : i32
      %convert_element_type3A_545 = arith.extui %lt3A_544 : i1 to i32
      %cond3A_546 = arith.constant 0 : i32
      %cond3A_547 = arith.cmpi ne, %convert_element_type3A_545, %cond3A_546 : i32
      scf.if %cond3A_547 {
        %add3A_1143 = arith.constant 1 : i32
        %add3A_1144 = arith.addi %add3A_466, %add3A_1143 : i32
        %jit3A_1145 = arith.constant 4 : i32
        %div3A_1146 = arith.divsi %add3A_1144, %jit3A_1145 : i32
        %sign3A_1147 = arith.constant 0 : i32
        %sign3A_1148 = arith.cmpi sgt, %add3A_1144, %sign3A_1147 : i32
        %sign3A_1149 = arith.extui %sign3A_1148 : i1 to i32
        %sign3A_1150 = arith.constant 0 : i32
        %sign3A_1151 = arith.cmpi slt, %add3A_1144, %sign3A_1150 : i32
        %sign3A_1152 = arith.extui %sign3A_1151 : i1 to i32
        %sign3A_1153 = arith.subi %sign3A_1149, %sign3A_1152 : i32
        %sign3A_1154 = arith.constant 0 : i32
        %sign3A_1155 = arith.cmpi sgt, %jit3A_1145, %sign3A_1154 : i32
        %sign3A_1156 = arith.extui %sign3A_1155 : i1 to i32
        %sign3A_1157 = arith.constant 0 : i32
        %sign3A_1158 = arith.cmpi slt, %jit3A_1145, %sign3A_1157 : i32
        %sign3A_1159 = arith.extui %sign3A_1158 : i1 to i32
        %sign3A_1160 = arith.subi %sign3A_1156, %sign3A_1159 : i32
        %ne3A_1161 = arith.cmpi ne, %sign3A_1153, %sign3A_1160 : i32
        %rem3A_1162 = arith.remsi %add3A_1144, %jit3A_1145 : i32
        %ne3A_1163 = arith.constant 0 : i32
        %ne3A_1164 = arith.cmpi ne, %rem3A_1162, %ne3A_1163 : i32
        %and3A_1165 = arith.andi %ne3A_1161, %ne3A_1164 : i1
        %sub3A_1166 = arith.constant 1 : i32
        %sub3A_1167 = arith.subi %div3A_1146, %sub3A_1166 : i32
        %select_n3A_1168 = arith.select %and3A_1165, %sub3A_1167, %div3A_1146 : i32
        %mul3A_1169 = arith.constant 4 : i32
        %mul3A_1170 = arith.muli %select_n3A_1168, %mul3A_1169 : i32
        %sub3A_1171 = arith.subi %add3A_1144, %mul3A_1170 : i32
        %mul3A_1172 = arith.constant 16 : i32
        %mul3A_1173 = arith.muli %select_n3A_1168, %mul3A_1172 : i32
        %add3A_1174 = arith.addi %mul3A_2, %mul3A_1173 : i32
        %dma_start3A_1175 = arith.constant 0 : i32
        %dma_start3A_1176 = arith.constant 0 : i32
        %dma_start3A_1177 = arith.constant 0 : i32
        %dma_start3A_1178 = tpu.memref_slice %arg5[%dma_start3A_1175, %dma_start3A_1176, %dma_start3A_1177] : memref<2x16x1024xf32, #tpu.memory_space<vmem>> -> memref<1x16x1024xf32, #tpu.memory_space<vmem>>
        %dma_start3A_1179 = tpu.memref_squeeze %dma_start3A_1178 : memref<1x16x1024xf32, #tpu.memory_space<vmem>> -> memref<16x1024xf32, #tpu.memory_space<vmem>>
        %dma_start3A_1180 = arith.constant 0 : i32
        %dma_start3A_1181 = tpu.memref_slice %arg2[%sub3A_1171, %add3A_1174, %dma_start3A_1180] : memref<4x8192x1024xf32, #tpu.memory_space<hbm>> -> memref<1x16x1024xf32, #tpu.memory_space<hbm>>
        %dma_start3A_1182 = tpu.memref_squeeze %dma_start3A_1181 : memref<1x16x1024xf32, #tpu.memory_space<hbm>> -> memref<16x1024xf32, #tpu.memory_space<hbm>>
        %dma_start3A_1183 = arith.constant 0 : i32
        %dma_start3A_1184 = arith.constant 0 : i32
        %dma_start3A_1185 = tpu.memref_slice %arg5[%dma_start3A_1175, %dma_start3A_1183, %dma_start3A_1184] : memref<2x16x1024xf32, #tpu.memory_space<vmem>> -> memref<1x16x1024xf32, #tpu.memory_space<vmem>>
        %dma_start3A_1186 = tpu.memref_squeeze %dma_start3A_1185 : memref<1x16x1024xf32, #tpu.memory_space<vmem>> -> memref<16x1024xf32, #tpu.memory_space<vmem>>
        %dma_start3A_1187 = arith.constant 0 : i32
        %dma_start3A_1188 = tpu.memref_slice %arg2[%sub3A_1171, %add3A_1174, %dma_start3A_1187] : memref<4x8192x1024xf32, #tpu.memory_space<hbm>> -> memref<1x16x1024xf32, #tpu.memory_space<hbm>>
        %dma_start3A_1189 = tpu.memref_squeeze %dma_start3A_1188 : memref<1x16x1024xf32, #tpu.memory_space<hbm>> -> memref<16x1024xf32, #tpu.memory_space<hbm>>
        tpu.enqueue_dma source(%dma_start3A_1189 : memref<16x1024xf32, #tpu.memory_space<hbm>>) target(%dma_start3A_1186 : memref<16x1024xf32, #tpu.memory_space<vmem>>) target_semaphore(%arg7 : memref<!tpu.dma_semaphore, #tpu.memory_space<semaphore_mem>>)
      } else {
      }
      %parallel_loop3A_548 = arith.constant 0 : i32
      %parallel_loop3A_549 = arith.constant 16384 : i32
      %parallel_loop3A_550 = arith.constant 16 : i32
      scf.for %parallel_loop3A_1143 = %parallel_loop3A_548 to %parallel_loop3A_549 step %parallel_loop3A_550  : i32 {
        %parallel_loop3A_1144 = arith.constant 1024 : i32
        %parallel_loop3A_1145 = arith.divsi %parallel_loop3A_1143, %parallel_loop3A_1144 : i32
        %parallel_loop3A_1146 = arith.constant 0 : i32
        %parallel_loop3A_1147 = arith.cmpi sgt, %parallel_loop3A_1143, %parallel_loop3A_1146 : i32
        %parallel_loop3A_1148 = arith.extui %parallel_loop3A_1147 : i1 to i32
        %parallel_loop3A_1149 = arith.constant 0 : i32
        %parallel_loop3A_1150 = arith.cmpi slt, %parallel_loop3A_1143, %parallel_loop3A_1149 : i32
        %parallel_loop3A_1151 = arith.extui %parallel_loop3A_1150 : i1 to i32
        %parallel_loop3A_1152 = arith.subi %parallel_loop3A_1148, %parallel_loop3A_1151 : i32
        %parallel_loop3A_1153 = arith.constant 0 : i32
        %parallel_loop3A_1154 = arith.cmpi sgt, %parallel_loop3A_1144, %parallel_loop3A_1153 : i32
        %parallel_loop3A_1155 = arith.extui %parallel_loop3A_1154 : i1 to i32
        %parallel_loop3A_1156 = arith.constant 0 : i32
        %parallel_loop3A_1157 = arith.cmpi slt, %parallel_loop3A_1144, %parallel_loop3A_1156 : i32
        %parallel_loop3A_1158 = arith.extui %parallel_loop3A_1157 : i1 to i32
        %parallel_loop3A_1159 = arith.subi %parallel_loop3A_1155, %parallel_loop3A_1158 : i32
        %parallel_loop3A_1160 = arith.cmpi ne, %parallel_loop3A_1152, %parallel_loop3A_1159 : i32
        %parallel_loop3A_1161 = arith.remsi %parallel_loop3A_1143, %parallel_loop3A_1144 : i32
        %parallel_loop3A_1162 = arith.constant 0 : i32
        %parallel_loop3A_1163 = arith.cmpi ne, %parallel_loop3A_1161, %parallel_loop3A_1162 : i32
        %parallel_loop3A_1164 = arith.andi %parallel_loop3A_1160, %parallel_loop3A_1163 : i1
        %parallel_loop3A_1165 = arith.constant 1 : i32
        %parallel_loop3A_1166 = arith.subi %parallel_loop3A_1145, %parallel_loop3A_1165 : i32
        %parallel_loop3A_1167 = arith.select %parallel_loop3A_1164, %parallel_loop3A_1166, %parallel_loop3A_1145 : i32
        %parallel_loop3A_1168 = arith.constant 1024 : i32
        %parallel_loop3A_1169 = arith.muli %parallel_loop3A_1167, %parallel_loop3A_1168 : i32
        %parallel_loop3A_1170 = arith.subi %parallel_loop3A_1143, %parallel_loop3A_1169 : i32
        %parallel_loop3A_1171 = arith.constant 0 : i32
        %parallel_loop3A_1172 = arith.index_cast %parallel_loop3A_1171 : i32 to index
        %parallel_loop3A_1173 = arith.index_cast %parallel_loop3A_1167 : i32 to index
        %parallel_loop3A_1174 = arith.index_cast %parallel_loop3A_1170 : i32 to index
        %parallel_loop3A_1175 = tpu.vector_load %arg6[%parallel_loop3A_1172, %parallel_loop3A_1173, %parallel_loop3A_1174] {strides = array<i32>} : memref<2x16x1024xf32, #tpu.memory_space<vmem>>, vector<1x1x16xf32>,
        %parallel_loop3A_1176 = vector.shape_cast %parallel_loop3A_1175 : vector<1x1x16xf32> to vector<16xf32>
        %parallel_loop3A_1177 = arith.constant 1 : i32
        %parallel_loop3A_1178 = arith.index_cast %parallel_loop3A_1177 : i32 to index
        %parallel_loop3A_1179 = arith.index_cast %parallel_loop3A_1167 : i32 to index
        %parallel_loop3A_1180 = arith.index_cast %parallel_loop3A_1170 : i32 to index
        %parallel_loop3A_1181 = tpu.vector_load %arg5[%parallel_loop3A_1178, %parallel_loop3A_1179, %parallel_loop3A_1180] {strides = array<i32>} : memref<2x16x1024xf32, #tpu.memory_space<vmem>>, vector<1x1x16xf32>,
        %parallel_loop3A_1182 = vector.shape_cast %parallel_loop3A_1181 : vector<1x1x16xf32> to vector<16xf32>
        %parallel_loop3A_1183 = vector.shape_cast %parallel_loop3A_1176 : vector<16xf32> to vector<1x1x16xf32>
        tpu.vector_store %arg5[%parallel_loop3A_1178, %parallel_loop3A_1179, %parallel_loop3A_1180], %parallel_loop3A_1183 {add = true, strides = array<i32>} : memref<2x16x1024xf32, #tpu.memory_space<vmem>>, vector<1x1x16xf32>,
      } {sc.loop_unroll_factor = 8 : i64, sc.parallel_access}
      %jit3A_551 = arith.constant 4 : i32
      %div3A_552 = arith.divsi %add3A_466, %jit3A_551 : i32
      %sign3A_553 = arith.constant 0 : i32
      %sign3A_554 = arith.cmpi sgt, %add3A_466, %sign3A_553 : i32
      %sign3A_555 = arith.extui %sign3A_554 : i1 to i32
      %sign3A_556 = arith.constant 0 : i32
      %sign3A_557 = arith.cmpi slt, %add3A_466, %sign3A_556 : i32
      %sign3A_558 = arith.extui %sign3A_557 : i1 to i32
      %sign3A_559 = arith.subi %sign3A_555, %sign3A_558 : i32
      %sign3A_560 = arith.constant 0 : i32
      %sign3A_561 = arith.cmpi sgt, %jit3A_551, %sign3A_560 : i32
      %sign3A_562 = arith.extui %sign3A_561 : i1 to i32
      %sign3A_563 = arith.constant 0 : i32
      %sign3A_564 = arith.cmpi slt, %jit3A_551, %sign3A_563 : i32
      %sign3A_565 = arith.extui %sign3A_564 : i1 to i32
      %sign3A_566 = arith.subi %sign3A_562, %sign3A_565 : i32
      %ne3A_567 = arith.cmpi ne, %sign3A_559, %sign3A_566 : i32
      %rem3A_568 = arith.remsi %add3A_466, %jit3A_551 : i32
      %ne3A_569 = arith.constant 0 : i32
      %ne3A_570 = arith.cmpi ne, %rem3A_568, %ne3A_569 : i32
      %and3A_571 = arith.andi %ne3A_567, %ne3A_570 : i1
      %sub3A_572 = arith.constant 1 : i32
      %sub3A_573 = arith.subi %div3A_552, %sub3A_572 : i32
      %select_n3A_574 = arith.select %and3A_571, %sub3A_573, %div3A_552 : i32
      %mul3A_575 = arith.constant 4 : i32
      %mul3A_576 = arith.muli %select_n3A_574, %mul3A_575 : i32
      %sub3A_577 = arith.subi %add3A_466, %mul3A_576 : i32
      %mul3A_578 = arith.constant 16 : i32
      %mul3A_579 = arith.muli %select_n3A_574, %mul3A_578 : i32
      %add3A_580 = arith.addi %mul3A_2, %mul3A_579 : i32
      %dma_start3A_581 = arith.constant 1 : i32
      %dma_start3A_582 = arith.constant 0 : i32
      %dma_start3A_583 = arith.constant 0 : i32
      %dma_start3A_584 = tpu.memref_slice %arg5[%dma_start3A_581, %dma_start3A_582, %dma_start3A_583] : memref<2x16x1024xf32, #tpu.memory_space<vmem>> -> memref<1x16x1024xf32, #tpu.memory_space<vmem>>
      %dma_start3A_585 = tpu.memref_squeeze %dma_start3A_584 : memref<1x16x1024xf32, #tpu.memory_space<vmem>> -> memref<16x1024xf32, #tpu.memory_space<vmem>>
      %dma_start3A_586 = arith.constant 0 : i32
      %dma_start3A_587 = tpu.memref_slice %arg4[%sub3A_577, %add3A_580, %dma_start3A_586] : memref<4x8192x1024xf32, #tpu.memory_space<hbm>> -> memref<1x16x1024xf32, #tpu.memory_space<hbm>>
      %dma_start3A_588 = tpu.memref_squeeze %dma_start3A_587 : memref<1x16x1024xf32, #tpu.memory_space<hbm>> -> memref<16x1024xf32, #tpu.memory_space<hbm>>
      %dma_start3A_589 = arith.constant 0 : i32
      %dma_start3A_590 = tpu.memref_slice %arg4[%sub3A_577, %add3A_580, %dma_start3A_589] : memref<4x8192x1024xf32, #tpu.memory_space<hbm>> -> memref<1x16x1024xf32, #tpu.memory_space<hbm>>
      %dma_start3A_591 = tpu.memref_squeeze %dma_start3A_590 : memref<1x16x1024xf32, #tpu.memory_space<hbm>> -> memref<16x1024xf32, #tpu.memory_space<hbm>>
      %dma_start3A_592 = arith.constant 0 : i32
      %dma_start3A_593 = arith.constant 0 : i32
      %dma_start3A_594 = tpu.memref_slice %arg5[%dma_start3A_581, %dma_start3A_592, %dma_start3A_593] : memref<2x16x1024xf32, #tpu.memory_space<vmem>> -> memref<1x16x1024xf32, #tpu.memory_space<vmem>>
      %dma_start3A_595 = tpu.memref_squeeze %dma_start3A_594 : memref<1x16x1024xf32, #tpu.memory_space<vmem>> -> memref<16x1024xf32, #tpu.memory_space<vmem>>
      tpu.enqueue_dma source(%dma_start3A_595 : memref<16x1024xf32, #tpu.memory_space<vmem>>) target(%dma_start3A_591 : memref<16x1024xf32, #tpu.memory_space<hbm>>) target_semaphore(%arg10 : memref<!tpu.dma_semaphore, #tpu.memory_space<semaphore_mem>>)
      %add3A_596 = arith.constant 4 : i32
      %add3A_597 = arith.addi %mul3A_61, %add3A_596 : i32
      %jit3A_598 = arith.constant 4 : i32
      %div3A_599 = arith.divsi %add3A_597, %jit3A_598 : i32
      %sign3A_600 = arith.constant 0 : i32
      %sign3A_601 = arith.cmpi sgt, %add3A_597, %sign3A_600 : i32
      %sign3A_602 = arith.extui %sign3A_601 : i1 to i32
      %sign3A_603 = arith.constant 0 : i32
      %sign3A_604 = arith.cmpi slt, %add3A_597, %sign3A_603 : i32
      %sign3A_605 = arith.extui %sign3A_604 : i1 to i32
      %sign3A_606 = arith.subi %sign3A_602, %sign3A_605 : i32
      %sign3A_607 = arith.constant 0 : i32
      %sign3A_608 = arith.cmpi sgt, %jit3A_598, %sign3A_607 : i32
      %sign3A_609 = arith.extui %sign3A_608 : i1 to i32
      %sign3A_610 = arith.constant 0 : i32
      %sign3A_611 = arith.cmpi slt, %jit3A_598, %sign3A_610 : i32
      %sign3A_612 = arith.extui %sign3A_611 : i1 to i32
      %sign3A_613 = arith.subi %sign3A_609, %sign3A_612 : i32
      %ne3A_614 = arith.cmpi ne, %sign3A_606, %sign3A_613 : i32
      %rem3A_615 = arith.remsi %add3A_597, %jit3A_598 : i32
      %ne3A_616 = arith.constant 0 : i32
      %ne3A_617 = arith.cmpi ne, %rem3A_615, %ne3A_616 : i32
      %and3A_618 = arith.andi %ne3A_614, %ne3A_617 : i1
      %sub3A_619 = arith.constant 1 : i32
      %sub3A_620 = arith.subi %div3A_599, %sub3A_619 : i32
      %select_n3A_621 = arith.select %and3A_618, %sub3A_620, %div3A_599 : i32
      %add3A_622 = arith.constant 1 : i32
      %add3A_623 = arith.addi %select_n3A_621, %add3A_622 : i32
      %lt3A_624 = arith.constant 16 : i32
      %lt3A_625 = arith.cmpi slt, %add3A_623, %lt3A_624 : i32
      %convert_element_type3A_626 = arith.extui %lt3A_625 : i1 to i32
      %cond3A_627 = arith.constant 0 : i32
      %cond3A_628 = arith.cmpi ne, %convert_element_type3A_626, %cond3A_627 : i32
      scf.if %cond3A_628 {
        %add3A_1143 = arith.constant 1 : i32
        %add3A_1144 = arith.addi %select_n3A_621, %add3A_1143 : i32
        %mul3A_1145 = arith.constant 16 : i32
        %mul3A_1146 = arith.muli %add3A_1144, %mul3A_1145 : i32
        %add3A_1147 = arith.addi %mul3A_2, %mul3A_1146 : i32
        %dma_start3A_1148 = arith.constant 0 : i32
        %dma_start3A_1149 = arith.constant 0 : i32
        %dma_start3A_1150 = arith.constant 0 : i32
        %dma_start3A_1151 = tpu.memref_slice %arg6[%dma_start3A_1148, %dma_start3A_1149, %dma_start3A_1150] : memref<2x16x1024xf32, #tpu.memory_space<vmem>> -> memref<1x16x1024xf32, #tpu.memory_space<vmem>>
        %dma_start3A_1152 = tpu.memref_squeeze %dma_start3A_1151 : memref<1x16x1024xf32, #tpu.memory_space<vmem>> -> memref<16x1024xf32, #tpu.memory_space<vmem>>
        %dma_start3A_1153 = arith.constant 0 : i32
        %dma_start3A_1154 = tpu.memref_slice %arg3[%add3A_1147, %dma_start3A_1153] : memref<8192x1024xf32, #tpu.memory_space<hbm>> -> memref<16x1024xf32, #tpu.memory_space<hbm>>
        %dma_start3A_1155 = arith.constant 0 : i32
        %dma_start3A_1156 = arith.constant 0 : i32
        %dma_start3A_1157 = tpu.memref_slice %arg6[%dma_start3A_1148, %dma_start3A_1155, %dma_start3A_1156] : memref<2x16x1024xf32, #tpu.memory_space<vmem>> -> memref<1x16x1024xf32, #tpu.memory_space<vmem>>
        %dma_start3A_1158 = tpu.memref_squeeze %dma_start3A_1157 : memref<1x16x1024xf32, #tpu.memory_space<vmem>> -> memref<16x1024xf32, #tpu.memory_space<vmem>>
        %dma_start3A_1159 = arith.constant 0 : i32
        %dma_start3A_1160 = tpu.memref_slice %arg3[%add3A_1147, %dma_start3A_1159] : memref<8192x1024xf32, #tpu.memory_space<hbm>> -> memref<16x1024xf32, #tpu.memory_space<hbm>>
        tpu.enqueue_dma source(%dma_start3A_1160 : memref<16x1024xf32, #tpu.memory_space<hbm>>) target(%dma_start3A_1158 : memref<16x1024xf32, #tpu.memory_space<vmem>>) target_semaphore(%arg11 : memref<!tpu.dma_semaphore, #tpu.memory_space<semaphore_mem>>)
      } else {
      }
      %mul3A_629 = arith.constant 16 : i32
      %mul3A_630 = arith.muli %select_n3A_621, %mul3A_629 : i32
      %add3A_631 = arith.addi %mul3A_2, %mul3A_630 : i32
      %dma_wait3A_632 = arith.constant 1 : i32
      %dma_wait3A_633 = arith.constant 0 : i32
      %dma_wait3A_634 = arith.constant 0 : i32
      %dma_wait3A_635 = tpu.memref_slice %arg6[%dma_wait3A_632, %dma_wait3A_633, %dma_wait3A_634] : memref<2x16x1024xf32, #tpu.memory_space<vmem>> -> memref<1x16x1024xf32, #tpu.memory_space<vmem>>
      %dma_wait3A_636 = tpu.memref_squeeze %dma_wait3A_635 : memref<1x16x1024xf32, #tpu.memory_space<vmem>> -> memref<16x1024xf32, #tpu.memory_space<vmem>>
      %dma_wait3A_637 = arith.constant 0 : i32
      %dma_wait3A_638 = tpu.memref_slice %arg3[%add3A_631, %dma_wait3A_637] : memref<8192x1024xf32, #tpu.memory_space<hbm>> -> memref<16x1024xf32, #tpu.memory_space<hbm>>
      %dma_wait3A_639 = arith.constant 0 : i32
      %dma_wait3A_640 = arith.constant 0 : i32
      %dma_wait3A_641 = tpu.memref_slice %arg6[%dma_wait3A_632, %dma_wait3A_639, %dma_wait3A_640] : memref<2x16x1024xf32, #tpu.memory_space<vmem>> -> memref<1x16x1024xf32, #tpu.memory_space<vmem>>
      %dma_wait3A_642 = tpu.memref_squeeze %dma_wait3A_641 : memref<1x16x1024xf32, #tpu.memory_space<vmem>> -> memref<16x1024xf32, #tpu.memory_space<vmem>>
      %dma_wait3A_643 = arith.constant 0 : i32
      %dma_wait3A_644 = tpu.memref_slice %arg3[%add3A_631, %dma_wait3A_643] : memref<8192x1024xf32, #tpu.memory_space<hbm>> -> memref<16x1024xf32, #tpu.memory_space<hbm>>
      tpu.wait_dma2 semaphore(%arg12 : memref<!tpu.dma_semaphore, #tpu.memory_space<semaphore_mem>>) src(%dma_wait3A_644 : memref<16x1024xf32, #tpu.memory_space<hbm>>) dst(%dma_wait3A_642 : memref<16x1024xf32, #tpu.memory_space<vmem>>)
      %jit3A_645 = arith.constant 4 : i32
      %div3A_646 = arith.divsi %add3A_597, %jit3A_645 : i32
      %sign3A_647 = arith.constant 0 : i32
      %sign3A_648 = arith.cmpi sgt, %add3A_597, %sign3A_647 : i32
      %sign3A_649 = arith.extui %sign3A_648 : i1 to i32
      %sign3A_650 = arith.constant 0 : i32
      %sign3A_651 = arith.cmpi slt, %add3A_597, %sign3A_650 : i32
      %sign3A_652 = arith.extui %sign3A_651 : i1 to i32
      %sign3A_653 = arith.subi %sign3A_649, %sign3A_652 : i32
      %sign3A_654 = arith.constant 0 : i32
      %sign3A_655 = arith.cmpi sgt, %jit3A_645, %sign3A_654 : i32
      %sign3A_656 = arith.extui %sign3A_655 : i1 to i32
      %sign3A_657 = arith.constant 0 : i32
      %sign3A_658 = arith.cmpi slt, %jit3A_645, %sign3A_657 : i32
      %sign3A_659 = arith.extui %sign3A_658 : i1 to i32
      %sign3A_660 = arith.subi %sign3A_656, %sign3A_659 : i32
      %ne3A_661 = arith.cmpi ne, %sign3A_653, %sign3A_660 : i32
      %rem3A_662 = arith.remsi %add3A_597, %jit3A_645 : i32
      %ne3A_663 = arith.constant 0 : i32
      %ne3A_664 = arith.cmpi ne, %rem3A_662, %ne3A_663 : i32
      %and3A_665 = arith.andi %ne3A_661, %ne3A_664 : i1
      %sub3A_666 = arith.constant 1 : i32
      %sub3A_667 = arith.subi %div3A_646, %sub3A_666 : i32
      %select_n3A_668 = arith.select %and3A_665, %sub3A_667, %div3A_646 : i32
      %mul3A_669 = arith.constant 4 : i32
      %mul3A_670 = arith.muli %select_n3A_668, %mul3A_669 : i32
      %sub3A_671 = arith.subi %add3A_597, %mul3A_670 : i32
      %mul3A_672 = arith.constant 16 : i32
      %mul3A_673 = arith.muli %select_n3A_668, %mul3A_672 : i32
      %add3A_674 = arith.addi %mul3A_2, %mul3A_673 : i32
      %dma_wait3A_675 = arith.constant 0 : i32
      %dma_wait3A_676 = arith.constant 0 : i32
      %dma_wait3A_677 = arith.constant 0 : i32
      %dma_wait3A_678 = tpu.memref_slice %arg5[%dma_wait3A_675, %dma_wait3A_676, %dma_wait3A_677] : memref<2x16x1024xf32, #tpu.memory_space<vmem>> -> memref<1x16x1024xf32, #tpu.memory_space<vmem>>
      %dma_wait3A_679 = tpu.memref_squeeze %dma_wait3A_678 : memref<1x16x1024xf32, #tpu.memory_space<vmem>> -> memref<16x1024xf32, #tpu.memory_space<vmem>>
      %dma_wait3A_680 = arith.constant 0 : i32
      %dma_wait3A_681 = tpu.memref_slice %arg2[%sub3A_671, %add3A_674, %dma_wait3A_680] : memref<4x8192x1024xf32, #tpu.memory_space<hbm>> -> memref<1x16x1024xf32, #tpu.memory_space<hbm>>
      %dma_wait3A_682 = tpu.memref_squeeze %dma_wait3A_681 : memref<1x16x1024xf32, #tpu.memory_space<hbm>> -> memref<16x1024xf32, #tpu.memory_space<hbm>>
      %dma_wait3A_683 = arith.constant 0 : i32
      %dma_wait3A_684 = arith.constant 0 : i32
      %dma_wait3A_685 = tpu.memref_slice %arg5[%dma_wait3A_675, %dma_wait3A_683, %dma_wait3A_684] : memref<2x16x1024xf32, #tpu.memory_space<vmem>> -> memref<1x16x1024xf32, #tpu.memory_space<vmem>>
      %dma_wait3A_686 = tpu.memref_squeeze %dma_wait3A_685 : memref<1x16x1024xf32, #tpu.memory_space<vmem>> -> memref<16x1024xf32, #tpu.memory_space<vmem>>
      %dma_wait3A_687 = arith.constant 0 : i32
      %dma_wait3A_688 = tpu.memref_slice %arg2[%sub3A_671, %add3A_674, %dma_wait3A_687] : memref<4x8192x1024xf32, #tpu.memory_space<hbm>> -> memref<1x16x1024xf32, #tpu.memory_space<hbm>>
      %dma_wait3A_689 = tpu.memref_squeeze %dma_wait3A_688 : memref<1x16x1024xf32, #tpu.memory_space<hbm>> -> memref<16x1024xf32, #tpu.memory_space<hbm>>
      tpu.wait_dma2 semaphore(%arg7 : memref<!tpu.dma_semaphore, #tpu.memory_space<semaphore_mem>>) src(%dma_wait3A_689 : memref<16x1024xf32, #tpu.memory_space<hbm>>) dst(%dma_wait3A_686 : memref<16x1024xf32, #tpu.memory_space<vmem>>)
      %ge3A_690 = arith.constant 1 : i32
      %ge3A_691 = arith.cmpi sge, %add3A_597, %ge3A_690 : i32
      %convert_element_type3A_692 = arith.extui %ge3A_691 : i1 to i32
      %cond3A_693 = arith.constant 0 : i32
      %cond3A_694 = arith.cmpi ne, %convert_element_type3A_692, %cond3A_693 : i32
      scf.if %cond3A_694 {
        %sub3A_1143 = arith.constant 1 : i32
        %sub3A_1144 = arith.subi %add3A_597, %sub3A_1143 : i32
        %jit3A_1145 = arith.constant 4 : i32
        %div3A_1146 = arith.divsi %sub3A_1144, %jit3A_1145 : i32
        %sign3A_1147 = arith.constant 0 : i32
        %sign3A_1148 = arith.cmpi sgt, %sub3A_1144, %sign3A_1147 : i32
        %sign3A_1149 = arith.extui %sign3A_1148 : i1 to i32
        %sign3A_1150 = arith.constant 0 : i32
        %sign3A_1151 = arith.cmpi slt, %sub3A_1144, %sign3A_1150 : i32
        %sign3A_1152 = arith.extui %sign3A_1151 : i1 to i32
        %sign3A_1153 = arith.subi %sign3A_1149, %sign3A_1152 : i32
        %sign3A_1154 = arith.constant 0 : i32
        %sign3A_1155 = arith.cmpi sgt, %jit3A_1145, %sign3A_1154 : i32
        %sign3A_1156 = arith.extui %sign3A_1155 : i1 to i32
        %sign3A_1157 = arith.constant 0 : i32
        %sign3A_1158 = arith.cmpi slt, %jit3A_1145, %sign3A_1157 : i32
        %sign3A_1159 = arith.extui %sign3A_1158 : i1 to i32
        %sign3A_1160 = arith.subi %sign3A_1156, %sign3A_1159 : i32
        %ne3A_1161 = arith.cmpi ne, %sign3A_1153, %sign3A_1160 : i32
        %rem3A_1162 = arith.remsi %sub3A_1144, %jit3A_1145 : i32
        %ne3A_1163 = arith.constant 0 : i32
        %ne3A_1164 = arith.cmpi ne, %rem3A_1162, %ne3A_1163 : i32
        %and3A_1165 = arith.andi %ne3A_1161, %ne3A_1164 : i1
        %sub3A_1166 = arith.constant 1 : i32
        %sub3A_1167 = arith.subi %div3A_1146, %sub3A_1166 : i32
        %select_n3A_1168 = arith.select %and3A_1165, %sub3A_1167, %div3A_1146 : i32
        %mul3A_1169 = arith.constant 4 : i32
        %mul3A_1170 = arith.muli %select_n3A_1168, %mul3A_1169 : i32
        %sub3A_1171 = arith.subi %sub3A_1144, %mul3A_1170 : i32
        %mul3A_1172 = arith.constant 16 : i32
        %mul3A_1173 = arith.muli %select_n3A_1168, %mul3A_1172 : i32
        %add3A_1174 = arith.addi %mul3A_2, %mul3A_1173 : i32
        %dma_wait3A_1175 = arith.constant 1 : i32
        %dma_wait3A_1176 = arith.constant 0 : i32
        %dma_wait3A_1177 = arith.constant 0 : i32
        %dma_wait3A_1178 = tpu.memref_slice %arg5[%dma_wait3A_1175, %dma_wait3A_1176, %dma_wait3A_1177] : memref<2x16x1024xf32, #tpu.memory_space<vmem>> -> memref<1x16x1024xf32, #tpu.memory_space<vmem>>
        %dma_wait3A_1179 = tpu.memref_squeeze %dma_wait3A_1178 : memref<1x16x1024xf32, #tpu.memory_space<vmem>> -> memref<16x1024xf32, #tpu.memory_space<vmem>>
        %dma_wait3A_1180 = arith.constant 0 : i32
        %dma_wait3A_1181 = tpu.memref_slice %arg4[%sub3A_1171, %add3A_1174, %dma_wait3A_1180] : memref<4x8192x1024xf32, #tpu.memory_space<hbm>> -> memref<1x16x1024xf32, #tpu.memory_space<hbm>>
        %dma_wait3A_1182 = tpu.memref_squeeze %dma_wait3A_1181 : memref<1x16x1024xf32, #tpu.memory_space<hbm>> -> memref<16x1024xf32, #tpu.memory_space<hbm>>
        %dma_wait3A_1183 = arith.constant 0 : i32
        %dma_wait3A_1184 = tpu.memref_slice %arg4[%sub3A_1171, %add3A_1174, %dma_wait3A_1183] : memref<4x8192x1024xf32, #tpu.memory_space<hbm>> -> memref<1x16x1024xf32, #tpu.memory_space<hbm>>
        %dma_wait3A_1185 = tpu.memref_squeeze %dma_wait3A_1184 : memref<1x16x1024xf32, #tpu.memory_space<hbm>> -> memref<16x1024xf32, #tpu.memory_space<hbm>>
        %dma_wait3A_1186 = arith.constant 0 : i32
        %dma_wait3A_1187 = arith.constant 0 : i32
        %dma_wait3A_1188 = tpu.memref_slice %arg5[%dma_wait3A_1175, %dma_wait3A_1186, %dma_wait3A_1187] : memref<2x16x1024xf32, #tpu.memory_space<vmem>> -> memref<1x16x1024xf32, #tpu.memory_space<vmem>>
        %dma_wait3A_1189 = tpu.memref_squeeze %dma_wait3A_1188 : memref<1x16x1024xf32, #tpu.memory_space<vmem>> -> memref<16x1024xf32, #tpu.memory_space<vmem>>
        tpu.wait_dma2 semaphore(%arg10 : memref<!tpu.dma_semaphore, #tpu.memory_space<semaphore_mem>>) src(%dma_wait3A_1189 : memref<16x1024xf32, #tpu.memory_space<vmem>>) dst(%dma_wait3A_1185 : memref<16x1024xf32, #tpu.memory_space<hbm>>)
      } else {
      }
      %add3A_695 = arith.constant 1 : i32
      %add3A_696 = arith.addi %add3A_597, %add3A_695 : i32
      %lt3A_697 = arith.constant 64 : i32
      %lt3A_698 = arith.cmpi slt, %add3A_696, %lt3A_697 : i32
      %convert_element_type3A_699 = arith.extui %lt3A_698 : i1 to i32
      %cond3A_700 = arith.constant 0 : i32
      %cond3A_701 = arith.cmpi ne, %convert_element_type3A_699, %cond3A_700 : i32
      scf.if %cond3A_701 {
        %add3A_1143 = arith.constant 1 : i32
        %add3A_1144 = arith.addi %add3A_597, %add3A_1143 : i32
        %jit3A_1145 = arith.constant 4 : i32
        %div3A_1146 = arith.divsi %add3A_1144, %jit3A_1145 : i32
        %sign3A_1147 = arith.constant 0 : i32
        %sign3A_1148 = arith.cmpi sgt, %add3A_1144, %sign3A_1147 : i32
        %sign3A_1149 = arith.extui %sign3A_1148 : i1 to i32
        %sign3A_1150 = arith.constant 0 : i32
        %sign3A_1151 = arith.cmpi slt, %add3A_1144, %sign3A_1150 : i32
        %sign3A_1152 = arith.extui %sign3A_1151 : i1 to i32
        %sign3A_1153 = arith.subi %sign3A_1149, %sign3A_1152 : i32
        %sign3A_1154 = arith.constant 0 : i32
        %sign3A_1155 = arith.cmpi sgt, %jit3A_1145, %sign3A_1154 : i32
        %sign3A_1156 = arith.extui %sign3A_1155 : i1 to i32
        %sign3A_1157 = arith.constant 0 : i32
        %sign3A_1158 = arith.cmpi slt, %jit3A_1145, %sign3A_1157 : i32
        %sign3A_1159 = arith.extui %sign3A_1158 : i1 to i32
        %sign3A_1160 = arith.subi %sign3A_1156, %sign3A_1159 : i32
        %ne3A_1161 = arith.cmpi ne, %sign3A_1153, %sign3A_1160 : i32
        %rem3A_1162 = arith.remsi %add3A_1144, %jit3A_1145 : i32
        %ne3A_1163 = arith.constant 0 : i32
        %ne3A_1164 = arith.cmpi ne, %rem3A_1162, %ne3A_1163 : i32
        %and3A_1165 = arith.andi %ne3A_1161, %ne3A_1164 : i1
        %sub3A_1166 = arith.constant 1 : i32
        %sub3A_1167 = arith.subi %div3A_1146, %sub3A_1166 : i32
        %select_n3A_1168 = arith.select %and3A_1165, %sub3A_1167, %div3A_1146 : i32
        %mul3A_1169 = arith.constant 4 : i32
        %mul3A_1170 = arith.muli %select_n3A_1168, %mul3A_1169 : i32
        %sub3A_1171 = arith.subi %add3A_1144, %mul3A_1170 : i32
        %mul3A_1172 = arith.constant 16 : i32
        %mul3A_1173 = arith.muli %select_n3A_1168, %mul3A_1172 : i32
        %add3A_1174 = arith.addi %mul3A_2, %mul3A_1173 : i32
        %dma_start3A_1175 = arith.constant 1 : i32
        %dma_start3A_1176 = arith.constant 0 : i32
        %dma_start3A_1177 = arith.constant 0 : i32
        %dma_start3A_1178 = tpu.memref_slice %arg5[%dma_start3A_1175, %dma_start3A_1176, %dma_start3A_1177] : memref<2x16x1024xf32, #tpu.memory_space<vmem>> -> memref<1x16x1024xf32, #tpu.memory_space<vmem>>
        %dma_start3A_1179 = tpu.memref_squeeze %dma_start3A_1178 : memref<1x16x1024xf32, #tpu.memory_space<vmem>> -> memref<16x1024xf32, #tpu.memory_space<vmem>>
        %dma_start3A_1180 = arith.constant 0 : i32
        %dma_start3A_1181 = tpu.memref_slice %arg2[%sub3A_1171, %add3A_1174, %dma_start3A_1180] : memref<4x8192x1024xf32, #tpu.memory_space<hbm>> -> memref<1x16x1024xf32, #tpu.memory_space<hbm>>
        %dma_start3A_1182 = tpu.memref_squeeze %dma_start3A_1181 : memref<1x16x1024xf32, #tpu.memory_space<hbm>> -> memref<16x1024xf32, #tpu.memory_space<hbm>>
        %dma_start3A_1183 = arith.constant 0 : i32
        %dma_start3A_1184 = arith.constant 0 : i32
        %dma_start3A_1185 = tpu.memref_slice %arg5[%dma_start3A_1175, %dma_start3A_1183, %dma_start3A_1184] : memref<2x16x1024xf32, #tpu.memory_space<vmem>> -> memref<1x16x1024xf32, #tpu.memory_space<vmem>>
        %dma_start3A_1186 = tpu.memref_squeeze %dma_start3A_1185 : memref<1x16x1024xf32, #tpu.memory_space<vmem>> -> memref<16x1024xf32, #tpu.memory_space<vmem>>
        %dma_start3A_1187 = arith.constant 0 : i32
        %dma_start3A_1188 = tpu.memref_slice %arg2[%sub3A_1171, %add3A_1174, %dma_start3A_1187] : memref<4x8192x1024xf32, #tpu.memory_space<hbm>> -> memref<1x16x1024xf32, #tpu.memory_space<hbm>>
        %dma_start3A_1189 = tpu.memref_squeeze %dma_start3A_1188 : memref<1x16x1024xf32, #tpu.memory_space<hbm>> -> memref<16x1024xf32, #tpu.memory_space<hbm>>
        tpu.enqueue_dma source(%dma_start3A_1189 : memref<16x1024xf32, #tpu.memory_space<hbm>>) target(%dma_start3A_1186 : memref<16x1024xf32, #tpu.memory_space<vmem>>) target_semaphore(%arg8 : memref<!tpu.dma_semaphore, #tpu.memory_space<semaphore_mem>>)
      } else {
      }
      %parallel_loop3A_702 = arith.constant 0 : i32
      %parallel_loop3A_703 = arith.constant 16384 : i32
      %parallel_loop3A_704 = arith.constant 16 : i32
      scf.for %parallel_loop3A_1143 = %parallel_loop3A_702 to %parallel_loop3A_703 step %parallel_loop3A_704  : i32 {
        %parallel_loop3A_1144 = arith.constant 1024 : i32
        %parallel_loop3A_1145 = arith.divsi %parallel_loop3A_1143, %parallel_loop3A_1144 : i32
        %parallel_loop3A_1146 = arith.constant 0 : i32
        %parallel_loop3A_1147 = arith.cmpi sgt, %parallel_loop3A_1143, %parallel_loop3A_1146 : i32
        %parallel_loop3A_1148 = arith.extui %parallel_loop3A_1147 : i1 to i32
        %parallel_loop3A_1149 = arith.constant 0 : i32
        %parallel_loop3A_1150 = arith.cmpi slt, %parallel_loop3A_1143, %parallel_loop3A_1149 : i32
        %parallel_loop3A_1151 = arith.extui %parallel_loop3A_1150 : i1 to i32
        %parallel_loop3A_1152 = arith.subi %parallel_loop3A_1148, %parallel_loop3A_1151 : i32
        %parallel_loop3A_1153 = arith.constant 0 : i32
        %parallel_loop3A_1154 = arith.cmpi sgt, %parallel_loop3A_1144, %parallel_loop3A_1153 : i32
        %parallel_loop3A_1155 = arith.extui %parallel_loop3A_1154 : i1 to i32
        %parallel_loop3A_1156 = arith.constant 0 : i32
        %parallel_loop3A_1157 = arith.cmpi slt, %parallel_loop3A_1144, %parallel_loop3A_1156 : i32
        %parallel_loop3A_1158 = arith.extui %parallel_loop3A_1157 : i1 to i32
        %parallel_loop3A_1159 = arith.subi %parallel_loop3A_1155, %parallel_loop3A_1158 : i32
        %parallel_loop3A_1160 = arith.cmpi ne, %parallel_loop3A_1152, %parallel_loop3A_1159 : i32
        %parallel_loop3A_1161 = arith.remsi %parallel_loop3A_1143, %parallel_loop3A_1144 : i32
        %parallel_loop3A_1162 = arith.constant 0 : i32
        %parallel_loop3A_1163 = arith.cmpi ne, %parallel_loop3A_1161, %parallel_loop3A_1162 : i32
        %parallel_loop3A_1164 = arith.andi %parallel_loop3A_1160, %parallel_loop3A_1163 : i1
        %parallel_loop3A_1165 = arith.constant 1 : i32
        %parallel_loop3A_1166 = arith.subi %parallel_loop3A_1145, %parallel_loop3A_1165 : i32
        %parallel_loop3A_1167 = arith.select %parallel_loop3A_1164, %parallel_loop3A_1166, %parallel_loop3A_1145 : i32
        %parallel_loop3A_1168 = arith.constant 1024 : i32
        %parallel_loop3A_1169 = arith.muli %parallel_loop3A_1167, %parallel_loop3A_1168 : i32
        %parallel_loop3A_1170 = arith.subi %parallel_loop3A_1143, %parallel_loop3A_1169 : i32
        %parallel_loop3A_1171 = arith.constant 1 : i32
        %parallel_loop3A_1172 = arith.index_cast %parallel_loop3A_1171 : i32 to index
        %parallel_loop3A_1173 = arith.index_cast %parallel_loop3A_1167 : i32 to index
        %parallel_loop3A_1174 = arith.index_cast %parallel_loop3A_1170 : i32 to index
        %parallel_loop3A_1175 = tpu.vector_load %arg6[%parallel_loop3A_1172, %parallel_loop3A_1173, %parallel_loop3A_1174] {strides = array<i32>} : memref<2x16x1024xf32, #tpu.memory_space<vmem>>, vector<1x1x16xf32>,
        %parallel_loop3A_1176 = vector.shape_cast %parallel_loop3A_1175 : vector<1x1x16xf32> to vector<16xf32>
        %parallel_loop3A_1177 = arith.constant 0 : i32
        %parallel_loop3A_1178 = arith.index_cast %parallel_loop3A_1177 : i32 to index
        %parallel_loop3A_1179 = arith.index_cast %parallel_loop3A_1167 : i32 to index
        %parallel_loop3A_1180 = arith.index_cast %parallel_loop3A_1170 : i32 to index
        %parallel_loop3A_1181 = tpu.vector_load %arg5[%parallel_loop3A_1178, %parallel_loop3A_1179, %parallel_loop3A_1180] {strides = array<i32>} : memref<2x16x1024xf32, #tpu.memory_space<vmem>>, vector<1x1x16xf32>,
        %parallel_loop3A_1182 = vector.shape_cast %parallel_loop3A_1181 : vector<1x1x16xf32> to vector<16xf32>
        %parallel_loop3A_1183 = vector.shape_cast %parallel_loop3A_1176 : vector<16xf32> to vector<1x1x16xf32>
        tpu.vector_store %arg5[%parallel_loop3A_1178, %parallel_loop3A_1179, %parallel_loop3A_1180], %parallel_loop3A_1183 {add = true, strides = array<i32>} : memref<2x16x1024xf32, #tpu.memory_space<vmem>>, vector<1x1x16xf32>,
      } {sc.loop_unroll_factor = 8 : i64, sc.parallel_access}
      %jit3A_705 = arith.constant 4 : i32
      %div3A_706 = arith.divsi %add3A_597, %jit3A_705 : i32
      %sign3A_707 = arith.constant 0 : i32
      %sign3A_708 = arith.cmpi sgt, %add3A_597, %sign3A_707 : i32
      %sign3A_709 = arith.extui %sign3A_708 : i1 to i32
      %sign3A_710 = arith.constant 0 : i32
      %sign3A_711 = arith.cmpi slt, %add3A_597, %sign3A_710 : i32
      %sign3A_712 = arith.extui %sign3A_711 : i1 to i32
      %sign3A_713 = arith.subi %sign3A_709, %sign3A_712 : i32
      %sign3A_714 = arith.constant 0 : i32
      %sign3A_715 = arith.cmpi sgt, %jit3A_705, %sign3A_714 : i32
      %sign3A_716 = arith.extui %sign3A_715 : i1 to i32
      %sign3A_717 = arith.constant 0 : i32
      %sign3A_718 = arith.cmpi slt, %jit3A_705, %sign3A_717 : i32
      %sign3A_719 = arith.extui %sign3A_718 : i1 to i32
      %sign3A_720 = arith.subi %sign3A_716, %sign3A_719 : i32
      %ne3A_721 = arith.cmpi ne, %sign3A_713, %sign3A_720 : i32
      %rem3A_722 = arith.remsi %add3A_597, %jit3A_705 : i32
      %ne3A_723 = arith.constant 0 : i32
      %ne3A_724 = arith.cmpi ne, %rem3A_722, %ne3A_723 : i32
      %and3A_725 = arith.andi %ne3A_721, %ne3A_724 : i1
      %sub3A_726 = arith.constant 1 : i32
      %sub3A_727 = arith.subi %div3A_706, %sub3A_726 : i32
      %select_n3A_728 = arith.select %and3A_725, %sub3A_727, %div3A_706 : i32
      %mul3A_729 = arith.constant 4 : i32
      %mul3A_730 = arith.muli %select_n3A_728, %mul3A_729 : i32
      %sub3A_731 = arith.subi %add3A_597, %mul3A_730 : i32
      %mul3A_732 = arith.constant 16 : i32
      %mul3A_733 = arith.muli %select_n3A_728, %mul3A_732 : i32
      %add3A_734 = arith.addi %mul3A_2, %mul3A_733 : i32
      %dma_start3A_735 = arith.constant 0 : i32
      %dma_start3A_736 = arith.constant 0 : i32
      %dma_start3A_737 = arith.constant 0 : i32
      %dma_start3A_738 = tpu.memref_slice %arg5[%dma_start3A_735, %dma_start3A_736, %dma_start3A_737] : memref<2x16x1024xf32, #tpu.memory_space<vmem>> -> memref<1x16x1024xf32, #tpu.memory_space<vmem>>
      %dma_start3A_739 = tpu.memref_squeeze %dma_start3A_738 : memref<1x16x1024xf32, #tpu.memory_space<vmem>> -> memref<16x1024xf32, #tpu.memory_space<vmem>>
      %dma_start3A_740 = arith.constant 0 : i32
      %dma_start3A_741 = tpu.memref_slice %arg4[%sub3A_731, %add3A_734, %dma_start3A_740] : memref<4x8192x1024xf32, #tpu.memory_space<hbm>> -> memref<1x16x1024xf32, #tpu.memory_space<hbm>>
      %dma_start3A_742 = tpu.memref_squeeze %dma_start3A_741 : memref<1x16x1024xf32, #tpu.memory_space<hbm>> -> memref<16x1024xf32, #tpu.memory_space<hbm>>
      %dma_start3A_743 = arith.constant 0 : i32
      %dma_start3A_744 = tpu.memref_slice %arg4[%sub3A_731, %add3A_734, %dma_start3A_743] : memref<4x8192x1024xf32, #tpu.memory_space<hbm>> -> memref<1x16x1024xf32, #tpu.memory_space<hbm>>
      %dma_start3A_745 = tpu.memref_squeeze %dma_start3A_744 : memref<1x16x1024xf32, #tpu.memory_space<hbm>> -> memref<16x1024xf32, #tpu.memory_space<hbm>>
      %dma_start3A_746 = arith.constant 0 : i32
      %dma_start3A_747 = arith.constant 0 : i32
      %dma_start3A_748 = tpu.memref_slice %arg5[%dma_start3A_735, %dma_start3A_746, %dma_start3A_747] : memref<2x16x1024xf32, #tpu.memory_space<vmem>> -> memref<1x16x1024xf32, #tpu.memory_space<vmem>>
      %dma_start3A_749 = tpu.memref_squeeze %dma_start3A_748 : memref<1x16x1024xf32, #tpu.memory_space<vmem>> -> memref<16x1024xf32, #tpu.memory_space<vmem>>
      tpu.enqueue_dma source(%dma_start3A_749 : memref<16x1024xf32, #tpu.memory_space<vmem>>) target(%dma_start3A_745 : memref<16x1024xf32, #tpu.memory_space<hbm>>) target_semaphore(%arg9 : memref<!tpu.dma_semaphore, #tpu.memory_space<semaphore_mem>>)
      %add3A_750 = arith.constant 5 : i32
      %add3A_751 = arith.addi %mul3A_61, %add3A_750 : i32
      %jit3A_752 = arith.constant 4 : i32
      %div3A_753 = arith.divsi %add3A_751, %jit3A_752 : i32
      %sign3A_754 = arith.constant 0 : i32
      %sign3A_755 = arith.cmpi sgt, %add3A_751, %sign3A_754 : i32
      %sign3A_756 = arith.extui %sign3A_755 : i1 to i32
      %sign3A_757 = arith.constant 0 : i32
      %sign3A_758 = arith.cmpi slt, %add3A_751, %sign3A_757 : i32
      %sign3A_759 = arith.extui %sign3A_758 : i1 to i32
      %sign3A_760 = arith.subi %sign3A_756, %sign3A_759 : i32
      %sign3A_761 = arith.constant 0 : i32
      %sign3A_762 = arith.cmpi sgt, %jit3A_752, %sign3A_761 : i32
      %sign3A_763 = arith.extui %sign3A_762 : i1 to i32
      %sign3A_764 = arith.constant 0 : i32
      %sign3A_765 = arith.cmpi slt, %jit3A_752, %sign3A_764 : i32
      %sign3A_766 = arith.extui %sign3A_765 : i1 to i32
      %sign3A_767 = arith.subi %sign3A_763, %sign3A_766 : i32
      %ne3A_768 = arith.cmpi ne, %sign3A_760, %sign3A_767 : i32
      %rem3A_769 = arith.remsi %add3A_751, %jit3A_752 : i32
      %ne3A_770 = arith.constant 0 : i32
      %ne3A_771 = arith.cmpi ne, %rem3A_769, %ne3A_770 : i32
      %and3A_772 = arith.andi %ne3A_768, %ne3A_771 : i1
      %sub3A_773 = arith.constant 1 : i32
      %sub3A_774 = arith.subi %div3A_753, %sub3A_773 : i32
      %select_n3A_775 = arith.select %and3A_772, %sub3A_774, %div3A_753 : i32
      %jit3A_776 = arith.constant 4 : i32
      %div3A_777 = arith.divsi %add3A_751, %jit3A_776 : i32
      %sign3A_778 = arith.constant 0 : i32
      %sign3A_779 = arith.cmpi sgt, %add3A_751, %sign3A_778 : i32
      %sign3A_780 = arith.extui %sign3A_779 : i1 to i32
      %sign3A_781 = arith.constant 0 : i32
      %sign3A_782 = arith.cmpi slt, %add3A_751, %sign3A_781 : i32
      %sign3A_783 = arith.extui %sign3A_782 : i1 to i32
      %sign3A_784 = arith.subi %sign3A_780, %sign3A_783 : i32
      %sign3A_785 = arith.constant 0 : i32
      %sign3A_786 = arith.cmpi sgt, %jit3A_776, %sign3A_785 : i32
      %sign3A_787 = arith.extui %sign3A_786 : i1 to i32
      %sign3A_788 = arith.constant 0 : i32
      %sign3A_789 = arith.cmpi slt, %jit3A_776, %sign3A_788 : i32
      %sign3A_790 = arith.extui %sign3A_789 : i1 to i32
      %sign3A_791 = arith.subi %sign3A_787, %sign3A_790 : i32
      %ne3A_792 = arith.cmpi ne, %sign3A_784, %sign3A_791 : i32
      %rem3A_793 = arith.remsi %add3A_751, %jit3A_776 : i32
      %ne3A_794 = arith.constant 0 : i32
      %ne3A_795 = arith.cmpi ne, %rem3A_793, %ne3A_794 : i32
      %and3A_796 = arith.andi %ne3A_792, %ne3A_795 : i1
      %sub3A_797 = arith.constant 1 : i32
      %sub3A_798 = arith.subi %div3A_777, %sub3A_797 : i32
      %select_n3A_799 = arith.select %and3A_796, %sub3A_798, %div3A_777 : i32
      %mul3A_800 = arith.constant 4 : i32
      %mul3A_801 = arith.muli %select_n3A_799, %mul3A_800 : i32
      %sub3A_802 = arith.subi %add3A_751, %mul3A_801 : i32
      %mul3A_803 = arith.constant 16 : i32
      %mul3A_804 = arith.muli %select_n3A_799, %mul3A_803 : i32
      %add3A_805 = arith.addi %mul3A_2, %mul3A_804 : i32
      %dma_wait3A_806 = arith.constant 1 : i32
      %dma_wait3A_807 = arith.constant 0 : i32
      %dma_wait3A_808 = arith.constant 0 : i32
      %dma_wait3A_809 = tpu.memref_slice %arg5[%dma_wait3A_806, %dma_wait3A_807, %dma_wait3A_808] : memref<2x16x1024xf32, #tpu.memory_space<vmem>> -> memref<1x16x1024xf32, #tpu.memory_space<vmem>>
      %dma_wait3A_810 = tpu.memref_squeeze %dma_wait3A_809 : memref<1x16x1024xf32, #tpu.memory_space<vmem>> -> memref<16x1024xf32, #tpu.memory_space<vmem>>
      %dma_wait3A_811 = arith.constant 0 : i32
      %dma_wait3A_812 = tpu.memref_slice %arg2[%sub3A_802, %add3A_805, %dma_wait3A_811] : memref<4x8192x1024xf32, #tpu.memory_space<hbm>> -> memref<1x16x1024xf32, #tpu.memory_space<hbm>>
      %dma_wait3A_813 = tpu.memref_squeeze %dma_wait3A_812 : memref<1x16x1024xf32, #tpu.memory_space<hbm>> -> memref<16x1024xf32, #tpu.memory_space<hbm>>
      %dma_wait3A_814 = arith.constant 0 : i32
      %dma_wait3A_815 = arith.constant 0 : i32
      %dma_wait3A_816 = tpu.memref_slice %arg5[%dma_wait3A_806, %dma_wait3A_814, %dma_wait3A_815] : memref<2x16x1024xf32, #tpu.memory_space<vmem>> -> memref<1x16x1024xf32, #tpu.memory_space<vmem>>
      %dma_wait3A_817 = tpu.memref_squeeze %dma_wait3A_816 : memref<1x16x1024xf32, #tpu.memory_space<vmem>> -> memref<16x1024xf32, #tpu.memory_space<vmem>>
      %dma_wait3A_818 = arith.constant 0 : i32
      %dma_wait3A_819 = tpu.memref_slice %arg2[%sub3A_802, %add3A_805, %dma_wait3A_818] : memref<4x8192x1024xf32, #tpu.memory_space<hbm>> -> memref<1x16x1024xf32, #tpu.memory_space<hbm>>
      %dma_wait3A_820 = tpu.memref_squeeze %dma_wait3A_819 : memref<1x16x1024xf32, #tpu.memory_space<hbm>> -> memref<16x1024xf32, #tpu.memory_space<hbm>>
      tpu.wait_dma2 semaphore(%arg8 : memref<!tpu.dma_semaphore, #tpu.memory_space<semaphore_mem>>) src(%dma_wait3A_820 : memref<16x1024xf32, #tpu.memory_space<hbm>>) dst(%dma_wait3A_817 : memref<16x1024xf32, #tpu.memory_space<vmem>>)
      %ge3A_821 = arith.constant 1 : i32
      %ge3A_822 = arith.cmpi sge, %add3A_751, %ge3A_821 : i32
      %convert_element_type3A_823 = arith.extui %ge3A_822 : i1 to i32
      %cond3A_824 = arith.constant 0 : i32
      %cond3A_825 = arith.cmpi ne, %convert_element_type3A_823, %cond3A_824 : i32
      scf.if %cond3A_825 {
        %sub3A_1143 = arith.constant 1 : i32
        %sub3A_1144 = arith.subi %add3A_751, %sub3A_1143 : i32
        %jit3A_1145 = arith.constant 4 : i32
        %div3A_1146 = arith.divsi %sub3A_1144, %jit3A_1145 : i32
        %sign3A_1147 = arith.constant 0 : i32
        %sign3A_1148 = arith.cmpi sgt, %sub3A_1144, %sign3A_1147 : i32
        %sign3A_1149 = arith.extui %sign3A_1148 : i1 to i32
        %sign3A_1150 = arith.constant 0 : i32
        %sign3A_1151 = arith.cmpi slt, %sub3A_1144, %sign3A_1150 : i32
        %sign3A_1152 = arith.extui %sign3A_1151 : i1 to i32
        %sign3A_1153 = arith.subi %sign3A_1149, %sign3A_1152 : i32
        %sign3A_1154 = arith.constant 0 : i32
        %sign3A_1155 = arith.cmpi sgt, %jit3A_1145, %sign3A_1154 : i32
        %sign3A_1156 = arith.extui %sign3A_1155 : i1 to i32
        %sign3A_1157 = arith.constant 0 : i32
        %sign3A_1158 = arith.cmpi slt, %jit3A_1145, %sign3A_1157 : i32
        %sign3A_1159 = arith.extui %sign3A_1158 : i1 to i32
        %sign3A_1160 = arith.subi %sign3A_1156, %sign3A_1159 : i32
        %ne3A_1161 = arith.cmpi ne, %sign3A_1153, %sign3A_1160 : i32
        %rem3A_1162 = arith.remsi %sub3A_1144, %jit3A_1145 : i32
        %ne3A_1163 = arith.constant 0 : i32
        %ne3A_1164 = arith.cmpi ne, %rem3A_1162, %ne3A_1163 : i32
        %and3A_1165 = arith.andi %ne3A_1161, %ne3A_1164 : i1
        %sub3A_1166 = arith.constant 1 : i32
        %sub3A_1167 = arith.subi %div3A_1146, %sub3A_1166 : i32
        %select_n3A_1168 = arith.select %and3A_1165, %sub3A_1167, %div3A_1146 : i32
        %mul3A_1169 = arith.constant 4 : i32
        %mul3A_1170 = arith.muli %select_n3A_1168, %mul3A_1169 : i32
        %sub3A_1171 = arith.subi %sub3A_1144, %mul3A_1170 : i32
        %mul3A_1172 = arith.constant 16 : i32
        %mul3A_1173 = arith.muli %select_n3A_1168, %mul3A_1172 : i32
        %add3A_1174 = arith.addi %mul3A_2, %mul3A_1173 : i32
        %dma_wait3A_1175 = arith.constant 0 : i32
        %dma_wait3A_1176 = arith.constant 0 : i32
        %dma_wait3A_1177 = arith.constant 0 : i32
        %dma_wait3A_1178 = tpu.memref_slice %arg5[%dma_wait3A_1175, %dma_wait3A_1176, %dma_wait3A_1177] : memref<2x16x1024xf32, #tpu.memory_space<vmem>> -> memref<1x16x1024xf32, #tpu.memory_space<vmem>>
        %dma_wait3A_1179 = tpu.memref_squeeze %dma_wait3A_1178 : memref<1x16x1024xf32, #tpu.memory_space<vmem>> -> memref<16x1024xf32, #tpu.memory_space<vmem>>
        %dma_wait3A_1180 = arith.constant 0 : i32
        %dma_wait3A_1181 = tpu.memref_slice %arg4[%sub3A_1171, %add3A_1174, %dma_wait3A_1180] : memref<4x8192x1024xf32, #tpu.memory_space<hbm>> -> memref<1x16x1024xf32, #tpu.memory_space<hbm>>
        %dma_wait3A_1182 = tpu.memref_squeeze %dma_wait3A_1181 : memref<1x16x1024xf32, #tpu.memory_space<hbm>> -> memref<16x1024xf32, #tpu.memory_space<hbm>>
        %dma_wait3A_1183 = arith.constant 0 : i32
        %dma_wait3A_1184 = tpu.memref_slice %arg4[%sub3A_1171, %add3A_1174, %dma_wait3A_1183] : memref<4x8192x1024xf32, #tpu.memory_space<hbm>> -> memref<1x16x1024xf32, #tpu.memory_space<hbm>>
        %dma_wait3A_1185 = tpu.memref_squeeze %dma_wait3A_1184 : memref<1x16x1024xf32, #tpu.memory_space<hbm>> -> memref<16x1024xf32, #tpu.memory_space<hbm>>
        %dma_wait3A_1186 = arith.constant 0 : i32
        %dma_wait3A_1187 = arith.constant 0 : i32
        %dma_wait3A_1188 = tpu.memref_slice %arg5[%dma_wait3A_1175, %dma_wait3A_1186, %dma_wait3A_1187] : memref<2x16x1024xf32, #tpu.memory_space<vmem>> -> memref<1x16x1024xf32, #tpu.memory_space<vmem>>
        %dma_wait3A_1189 = tpu.memref_squeeze %dma_wait3A_1188 : memref<1x16x1024xf32, #tpu.memory_space<vmem>> -> memref<16x1024xf32, #tpu.memory_space<vmem>>
        tpu.wait_dma2 semaphore(%arg9 : memref<!tpu.dma_semaphore, #tpu.memory_space<semaphore_mem>>) src(%dma_wait3A_1189 : memref<16x1024xf32, #tpu.memory_space<vmem>>) dst(%dma_wait3A_1185 : memref<16x1024xf32, #tpu.memory_space<hbm>>)
      } else {
      }
      %add3A_826 = arith.constant 1 : i32
      %add3A_827 = arith.addi %add3A_751, %add3A_826 : i32
      %lt3A_828 = arith.constant 64 : i32
      %lt3A_829 = arith.cmpi slt, %add3A_827, %lt3A_828 : i32
      %convert_element_type3A_830 = arith.extui %lt3A_829 : i1 to i32
      %cond3A_831 = arith.constant 0 : i32
      %cond3A_832 = arith.cmpi ne, %convert_element_type3A_830, %cond3A_831 : i32
      scf.if %cond3A_832 {
        %add3A_1143 = arith.constant 1 : i32
        %add3A_1144 = arith.addi %add3A_751, %add3A_1143 : i32
        %jit3A_1145 = arith.constant 4 : i32
        %div3A_1146 = arith.divsi %add3A_1144, %jit3A_1145 : i32
        %sign3A_1147 = arith.constant 0 : i32
        %sign3A_1148 = arith.cmpi sgt, %add3A_1144, %sign3A_1147 : i32
        %sign3A_1149 = arith.extui %sign3A_1148 : i1 to i32
        %sign3A_1150 = arith.constant 0 : i32
        %sign3A_1151 = arith.cmpi slt, %add3A_1144, %sign3A_1150 : i32
        %sign3A_1152 = arith.extui %sign3A_1151 : i1 to i32
        %sign3A_1153 = arith.subi %sign3A_1149, %sign3A_1152 : i32
        %sign3A_1154 = arith.constant 0 : i32
        %sign3A_1155 = arith.cmpi sgt, %jit3A_1145, %sign3A_1154 : i32
        %sign3A_1156 = arith.extui %sign3A_1155 : i1 to i32
        %sign3A_1157 = arith.constant 0 : i32
        %sign3A_1158 = arith.cmpi slt, %jit3A_1145, %sign3A_1157 : i32
        %sign3A_1159 = arith.extui %sign3A_1158 : i1 to i32
        %sign3A_1160 = arith.subi %sign3A_1156, %sign3A_1159 : i32
        %ne3A_1161 = arith.cmpi ne, %sign3A_1153, %sign3A_1160 : i32
        %rem3A_1162 = arith.remsi %add3A_1144, %jit3A_1145 : i32
        %ne3A_1163 = arith.constant 0 : i32
        %ne3A_1164 = arith.cmpi ne, %rem3A_1162, %ne3A_1163 : i32
        %and3A_1165 = arith.andi %ne3A_1161, %ne3A_1164 : i1
        %sub3A_1166 = arith.constant 1 : i32
        %sub3A_1167 = arith.subi %div3A_1146, %sub3A_1166 : i32
        %select_n3A_1168 = arith.select %and3A_1165, %sub3A_1167, %div3A_1146 : i32
        %mul3A_1169 = arith.constant 4 : i32
        %mul3A_1170 = arith.muli %select_n3A_1168, %mul3A_1169 : i32
        %sub3A_1171 = arith.subi %add3A_1144, %mul3A_1170 : i32
        %mul3A_1172 = arith.constant 16 : i32
        %mul3A_1173 = arith.muli %select_n3A_1168, %mul3A_1172 : i32
        %add3A_1174 = arith.addi %mul3A_2, %mul3A_1173 : i32
        %dma_start3A_1175 = arith.constant 0 : i32
        %dma_start3A_1176 = arith.constant 0 : i32
        %dma_start3A_1177 = arith.constant 0 : i32
        %dma_start3A_1178 = tpu.memref_slice %arg5[%dma_start3A_1175, %dma_start3A_1176, %dma_start3A_1177] : memref<2x16x1024xf32, #tpu.memory_space<vmem>> -> memref<1x16x1024xf32, #tpu.memory_space<vmem>>
        %dma_start3A_1179 = tpu.memref_squeeze %dma_start3A_1178 : memref<1x16x1024xf32, #tpu.memory_space<vmem>> -> memref<16x1024xf32, #tpu.memory_space<vmem>>
        %dma_start3A_1180 = arith.constant 0 : i32
        %dma_start3A_1181 = tpu.memref_slice %arg2[%sub3A_1171, %add3A_1174, %dma_start3A_1180] : memref<4x8192x1024xf32, #tpu.memory_space<hbm>> -> memref<1x16x1024xf32, #tpu.memory_space<hbm>>
        %dma_start3A_1182 = tpu.memref_squeeze %dma_start3A_1181 : memref<1x16x1024xf32, #tpu.memory_space<hbm>> -> memref<16x1024xf32, #tpu.memory_space<hbm>>
        %dma_start3A_1183 = arith.constant 0 : i32
        %dma_start3A_1184 = arith.constant 0 : i32
        %dma_start3A_1185 = tpu.memref_slice %arg5[%dma_start3A_1175, %dma_start3A_1183, %dma_start3A_1184] : memref<2x16x1024xf32, #tpu.memory_space<vmem>> -> memref<1x16x1024xf32, #tpu.memory_space<vmem>>
        %dma_start3A_1186 = tpu.memref_squeeze %dma_start3A_1185 : memref<1x16x1024xf32, #tpu.memory_space<vmem>> -> memref<16x1024xf32, #tpu.memory_space<vmem>>
        %dma_start3A_1187 = arith.constant 0 : i32
        %dma_start3A_1188 = tpu.memref_slice %arg2[%sub3A_1171, %add3A_1174, %dma_start3A_1187] : memref<4x8192x1024xf32, #tpu.memory_space<hbm>> -> memref<1x16x1024xf32, #tpu.memory_space<hbm>>
        %dma_start3A_1189 = tpu.memref_squeeze %dma_start3A_1188 : memref<1x16x1024xf32, #tpu.memory_space<hbm>> -> memref<16x1024xf32, #tpu.memory_space<hbm>>
        tpu.enqueue_dma source(%dma_start3A_1189 : memref<16x1024xf32, #tpu.memory_space<hbm>>) target(%dma_start3A_1186 : memref<16x1024xf32, #tpu.memory_space<vmem>>) target_semaphore(%arg7 : memref<!tpu.dma_semaphore, #tpu.memory_space<semaphore_mem>>)
      } else {
      }
      %parallel_loop3A_833 = arith.constant 0 : i32
      %parallel_loop3A_834 = arith.constant 16384 : i32
      %parallel_loop3A_835 = arith.constant 16 : i32
      scf.for %parallel_loop3A_1143 = %parallel_loop3A_833 to %parallel_loop3A_834 step %parallel_loop3A_835  : i32 {
        %parallel_loop3A_1144 = arith.constant 1024 : i32
        %parallel_loop3A_1145 = arith.divsi %parallel_loop3A_1143, %parallel_loop3A_1144 : i32
        %parallel_loop3A_1146 = arith.constant 0 : i32
        %parallel_loop3A_1147 = arith.cmpi sgt, %parallel_loop3A_1143, %parallel_loop3A_1146 : i32
        %parallel_loop3A_1148 = arith.extui %parallel_loop3A_1147 : i1 to i32
        %parallel_loop3A_1149 = arith.constant 0 : i32
        %parallel_loop3A_1150 = arith.cmpi slt, %parallel_loop3A_1143, %parallel_loop3A_1149 : i32
        %parallel_loop3A_1151 = arith.extui %parallel_loop3A_1150 : i1 to i32
        %parallel_loop3A_1152 = arith.subi %parallel_loop3A_1148, %parallel_loop3A_1151 : i32
        %parallel_loop3A_1153 = arith.constant 0 : i32
        %parallel_loop3A_1154 = arith.cmpi sgt, %parallel_loop3A_1144, %parallel_loop3A_1153 : i32
        %parallel_loop3A_1155 = arith.extui %parallel_loop3A_1154 : i1 to i32
        %parallel_loop3A_1156 = arith.constant 0 : i32
        %parallel_loop3A_1157 = arith.cmpi slt, %parallel_loop3A_1144, %parallel_loop3A_1156 : i32
        %parallel_loop3A_1158 = arith.extui %parallel_loop3A_1157 : i1 to i32
        %parallel_loop3A_1159 = arith.subi %parallel_loop3A_1155, %parallel_loop3A_1158 : i32
        %parallel_loop3A_1160 = arith.cmpi ne, %parallel_loop3A_1152, %parallel_loop3A_1159 : i32
        %parallel_loop3A_1161 = arith.remsi %parallel_loop3A_1143, %parallel_loop3A_1144 : i32
        %parallel_loop3A_1162 = arith.constant 0 : i32
        %parallel_loop3A_1163 = arith.cmpi ne, %parallel_loop3A_1161, %parallel_loop3A_1162 : i32
        %parallel_loop3A_1164 = arith.andi %parallel_loop3A_1160, %parallel_loop3A_1163 : i1
        %parallel_loop3A_1165 = arith.constant 1 : i32
        %parallel_loop3A_1166 = arith.subi %parallel_loop3A_1145, %parallel_loop3A_1165 : i32
        %parallel_loop3A_1167 = arith.select %parallel_loop3A_1164, %parallel_loop3A_1166, %parallel_loop3A_1145 : i32
        %parallel_loop3A_1168 = arith.constant 1024 : i32
        %parallel_loop3A_1169 = arith.muli %parallel_loop3A_1167, %parallel_loop3A_1168 : i32
        %parallel_loop3A_1170 = arith.subi %parallel_loop3A_1143, %parallel_loop3A_1169 : i32
        %parallel_loop3A_1171 = arith.constant 1 : i32
        %parallel_loop3A_1172 = arith.index_cast %parallel_loop3A_1171 : i32 to index
        %parallel_loop3A_1173 = arith.index_cast %parallel_loop3A_1167 : i32 to index
        %parallel_loop3A_1174 = arith.index_cast %parallel_loop3A_1170 : i32 to index
        %parallel_loop3A_1175 = tpu.vector_load %arg6[%parallel_loop3A_1172, %parallel_loop3A_1173, %parallel_loop3A_1174] {strides = array<i32>} : memref<2x16x1024xf32, #tpu.memory_space<vmem>>, vector<1x1x16xf32>,
        %parallel_loop3A_1176 = vector.shape_cast %parallel_loop3A_1175 : vector<1x1x16xf32> to vector<16xf32>
        %parallel_loop3A_1177 = arith.constant 1 : i32
        %parallel_loop3A_1178 = arith.index_cast %parallel_loop3A_1177 : i32 to index
        %parallel_loop3A_1179 = arith.index_cast %parallel_loop3A_1167 : i32 to index
        %parallel_loop3A_1180 = arith.index_cast %parallel_loop3A_1170 : i32 to index
        %parallel_loop3A_1181 = tpu.vector_load %arg5[%parallel_loop3A_1178, %parallel_loop3A_1179, %parallel_loop3A_1180] {strides = array<i32>} : memref<2x16x1024xf32, #tpu.memory_space<vmem>>, vector<1x1x16xf32>,
        %parallel_loop3A_1182 = vector.shape_cast %parallel_loop3A_1181 : vector<1x1x16xf32> to vector<16xf32>
        %parallel_loop3A_1183 = vector.shape_cast %parallel_loop3A_1176 : vector<16xf32> to vector<1x1x16xf32>
        tpu.vector_store %arg5[%parallel_loop3A_1178, %parallel_loop3A_1179, %parallel_loop3A_1180], %parallel_loop3A_1183 {add = true, strides = array<i32>} : memref<2x16x1024xf32, #tpu.memory_space<vmem>>, vector<1x1x16xf32>,
      } {sc.loop_unroll_factor = 8 : i64, sc.parallel_access}
      %jit3A_836 = arith.constant 4 : i32
      %div3A_837 = arith.divsi %add3A_751, %jit3A_836 : i32
      %sign3A_838 = arith.constant 0 : i32
      %sign3A_839 = arith.cmpi sgt, %add3A_751, %sign3A_838 : i32
      %sign3A_840 = arith.extui %sign3A_839 : i1 to i32
      %sign3A_841 = arith.constant 0 : i32
      %sign3A_842 = arith.cmpi slt, %add3A_751, %sign3A_841 : i32
      %sign3A_843 = arith.extui %sign3A_842 : i1 to i32
      %sign3A_844 = arith.subi %sign3A_840, %sign3A_843 : i32
      %sign3A_845 = arith.constant 0 : i32
      %sign3A_846 = arith.cmpi sgt, %jit3A_836, %sign3A_845 : i32
      %sign3A_847 = arith.extui %sign3A_846 : i1 to i32
      %sign3A_848 = arith.constant 0 : i32
      %sign3A_849 = arith.cmpi slt, %jit3A_836, %sign3A_848 : i32
      %sign3A_850 = arith.extui %sign3A_849 : i1 to i32
      %sign3A_851 = arith.subi %sign3A_847, %sign3A_850 : i32
      %ne3A_852 = arith.cmpi ne, %sign3A_844, %sign3A_851 : i32
      %rem3A_853 = arith.remsi %add3A_751, %jit3A_836 : i32
      %ne3A_854 = arith.constant 0 : i32
      %ne3A_855 = arith.cmpi ne, %rem3A_853, %ne3A_854 : i32
      %and3A_856 = arith.andi %ne3A_852, %ne3A_855 : i1
      %sub3A_857 = arith.constant 1 : i32
      %sub3A_858 = arith.subi %div3A_837, %sub3A_857 : i32
      %select_n3A_859 = arith.select %and3A_856, %sub3A_858, %div3A_837 : i32
      %mul3A_860 = arith.constant 4 : i32
      %mul3A_861 = arith.muli %select_n3A_859, %mul3A_860 : i32
      %sub3A_862 = arith.subi %add3A_751, %mul3A_861 : i32
      %mul3A_863 = arith.constant 16 : i32
      %mul3A_864 = arith.muli %select_n3A_859, %mul3A_863 : i32
      %add3A_865 = arith.addi %mul3A_2, %mul3A_864 : i32
      %dma_start3A_866 = arith.constant 1 : i32
      %dma_start3A_867 = arith.constant 0 : i32
      %dma_start3A_868 = arith.constant 0 : i32
      %dma_start3A_869 = tpu.memref_slice %arg5[%dma_start3A_866, %dma_start3A_867, %dma_start3A_868] : memref<2x16x1024xf32, #tpu.memory_space<vmem>> -> memref<1x16x1024xf32, #tpu.memory_space<vmem>>
      %dma_start3A_870 = tpu.memref_squeeze %dma_start3A_869 : memref<1x16x1024xf32, #tpu.memory_space<vmem>> -> memref<16x1024xf32, #tpu.memory_space<vmem>>
      %dma_start3A_871 = arith.constant 0 : i32
      %dma_start3A_872 = tpu.memref_slice %arg4[%sub3A_862, %add3A_865, %dma_start3A_871] : memref<4x8192x1024xf32, #tpu.memory_space<hbm>> -> memref<1x16x1024xf32, #tpu.memory_space<hbm>>
      %dma_start3A_873 = tpu.memref_squeeze %dma_start3A_872 : memref<1x16x1024xf32, #tpu.memory_space<hbm>> -> memref<16x1024xf32, #tpu.memory_space<hbm>>
      %dma_start3A_874 = arith.constant 0 : i32
      %dma_start3A_875 = tpu.memref_slice %arg4[%sub3A_862, %add3A_865, %dma_start3A_874] : memref<4x8192x1024xf32, #tpu.memory_space<hbm>> -> memref<1x16x1024xf32, #tpu.memory_space<hbm>>
      %dma_start3A_876 = tpu.memref_squeeze %dma_start3A_875 : memref<1x16x1024xf32, #tpu.memory_space<hbm>> -> memref<16x1024xf32, #tpu.memory_space<hbm>>
      %dma_start3A_877 = arith.constant 0 : i32
      %dma_start3A_878 = arith.constant 0 : i32
      %dma_start3A_879 = tpu.memref_slice %arg5[%dma_start3A_866, %dma_start3A_877, %dma_start3A_878] : memref<2x16x1024xf32, #tpu.memory_space<vmem>> -> memref<1x16x1024xf32, #tpu.memory_space<vmem>>
      %dma_start3A_880 = tpu.memref_squeeze %dma_start3A_879 : memref<1x16x1024xf32, #tpu.memory_space<vmem>> -> memref<16x1024xf32, #tpu.memory_space<vmem>>
      tpu.enqueue_dma source(%dma_start3A_880 : memref<16x1024xf32, #tpu.memory_space<vmem>>) target(%dma_start3A_876 : memref<16x1024xf32, #tpu.memory_space<hbm>>) target_semaphore(%arg10 : memref<!tpu.dma_semaphore, #tpu.memory_space<semaphore_mem>>)
      %add3A_881 = arith.constant 6 : i32
      %add3A_882 = arith.addi %mul3A_61, %add3A_881 : i32
      %jit3A_883 = arith.constant 4 : i32
      %div3A_884 = arith.divsi %add3A_882, %jit3A_883 : i32
      %sign3A_885 = arith.constant 0 : i32
      %sign3A_886 = arith.cmpi sgt, %add3A_882, %sign3A_885 : i32
      %sign3A_887 = arith.extui %sign3A_886 : i1 to i32
      %sign3A_888 = arith.constant 0 : i32
      %sign3A_889 = arith.cmpi slt, %add3A_882, %sign3A_888 : i32
      %sign3A_890 = arith.extui %sign3A_889 : i1 to i32
      %sign3A_891 = arith.subi %sign3A_887, %sign3A_890 : i32
      %sign3A_892 = arith.constant 0 : i32
      %sign3A_893 = arith.cmpi sgt, %jit3A_883, %sign3A_892 : i32
      %sign3A_894 = arith.extui %sign3A_893 : i1 to i32
      %sign3A_895 = arith.constant 0 : i32
      %sign3A_896 = arith.cmpi slt, %jit3A_883, %sign3A_895 : i32
      %sign3A_897 = arith.extui %sign3A_896 : i1 to i32
      %sign3A_898 = arith.subi %sign3A_894, %sign3A_897 : i32
      %ne3A_899 = arith.cmpi ne, %sign3A_891, %sign3A_898 : i32
      %rem3A_900 = arith.remsi %add3A_882, %jit3A_883 : i32
      %ne3A_901 = arith.constant 0 : i32
      %ne3A_902 = arith.cmpi ne, %rem3A_900, %ne3A_901 : i32
      %and3A_903 = arith.andi %ne3A_899, %ne3A_902 : i1
      %sub3A_904 = arith.constant 1 : i32
      %sub3A_905 = arith.subi %div3A_884, %sub3A_904 : i32
      %select_n3A_906 = arith.select %and3A_903, %sub3A_905, %div3A_884 : i32
      %jit3A_907 = arith.constant 4 : i32
      %div3A_908 = arith.divsi %add3A_882, %jit3A_907 : i32
      %sign3A_909 = arith.constant 0 : i32
      %sign3A_910 = arith.cmpi sgt, %add3A_882, %sign3A_909 : i32
      %sign3A_911 = arith.extui %sign3A_910 : i1 to i32
      %sign3A_912 = arith.constant 0 : i32
      %sign3A_913 = arith.cmpi slt, %add3A_882, %sign3A_912 : i32
      %sign3A_914 = arith.extui %sign3A_913 : i1 to i32
      %sign3A_915 = arith.subi %sign3A_911, %sign3A_914 : i32
      %sign3A_916 = arith.constant 0 : i32
      %sign3A_917 = arith.cmpi sgt, %jit3A_907, %sign3A_916 : i32
      %sign3A_918 = arith.extui %sign3A_917 : i1 to i32
      %sign3A_919 = arith.constant 0 : i32
      %sign3A_920 = arith.cmpi slt, %jit3A_907, %sign3A_919 : i32
      %sign3A_921 = arith.extui %sign3A_920 : i1 to i32
      %sign3A_922 = arith.subi %sign3A_918, %sign3A_921 : i32
      %ne3A_923 = arith.cmpi ne, %sign3A_915, %sign3A_922 : i32
      %rem3A_924 = arith.remsi %add3A_882, %jit3A_907 : i32
      %ne3A_925 = arith.constant 0 : i32
      %ne3A_926 = arith.cmpi ne, %rem3A_924, %ne3A_925 : i32
      %and3A_927 = arith.andi %ne3A_923, %ne3A_926 : i1
      %sub3A_928 = arith.constant 1 : i32
      %sub3A_929 = arith.subi %div3A_908, %sub3A_928 : i32
      %select_n3A_930 = arith.select %and3A_927, %sub3A_929, %div3A_908 : i32
      %mul3A_931 = arith.constant 4 : i32
      %mul3A_932 = arith.muli %select_n3A_930, %mul3A_931 : i32
      %sub3A_933 = arith.subi %add3A_882, %mul3A_932 : i32
      %mul3A_934 = arith.constant 16 : i32
      %mul3A_935 = arith.muli %select_n3A_930, %mul3A_934 : i32
      %add3A_936 = arith.addi %mul3A_2, %mul3A_935 : i32
      %dma_wait3A_937 = arith.constant 0 : i32
      %dma_wait3A_938 = arith.constant 0 : i32
      %dma_wait3A_939 = arith.constant 0 : i32
      %dma_wait3A_940 = tpu.memref_slice %arg5[%dma_wait3A_937, %dma_wait3A_938, %dma_wait3A_939] : memref<2x16x1024xf32, #tpu.memory_space<vmem>> -> memref<1x16x1024xf32, #tpu.memory_space<vmem>>
      %dma_wait3A_941 = tpu.memref_squeeze %dma_wait3A_940 : memref<1x16x1024xf32, #tpu.memory_space<vmem>> -> memref<16x1024xf32, #tpu.memory_space<vmem>>
      %dma_wait3A_942 = arith.constant 0 : i32
      %dma_wait3A_943 = tpu.memref_slice %arg2[%sub3A_933, %add3A_936, %dma_wait3A_942] : memref<4x8192x1024xf32, #tpu.memory_space<hbm>> -> memref<1x16x1024xf32, #tpu.memory_space<hbm>>
      %dma_wait3A_944 = tpu.memref_squeeze %dma_wait3A_943 : memref<1x16x1024xf32, #tpu.memory_space<hbm>> -> memref<16x1024xf32, #tpu.memory_space<hbm>>
      %dma_wait3A_945 = arith.constant 0 : i32
      %dma_wait3A_946 = arith.constant 0 : i32
      %dma_wait3A_947 = tpu.memref_slice %arg5[%dma_wait3A_937, %dma_wait3A_945, %dma_wait3A_946] : memref<2x16x1024xf32, #tpu.memory_space<vmem>> -> memref<1x16x1024xf32, #tpu.memory_space<vmem>>
      %dma_wait3A_948 = tpu.memref_squeeze %dma_wait3A_947 : memref<1x16x1024xf32, #tpu.memory_space<vmem>> -> memref<16x1024xf32, #tpu.memory_space<vmem>>
      %dma_wait3A_949 = arith.constant 0 : i32
      %dma_wait3A_950 = tpu.memref_slice %arg2[%sub3A_933, %add3A_936, %dma_wait3A_949] : memref<4x8192x1024xf32, #tpu.memory_space<hbm>> -> memref<1x16x1024xf32, #tpu.memory_space<hbm>>
      %dma_wait3A_951 = tpu.memref_squeeze %dma_wait3A_950 : memref<1x16x1024xf32, #tpu.memory_space<hbm>> -> memref<16x1024xf32, #tpu.memory_space<hbm>>
      tpu.wait_dma2 semaphore(%arg7 : memref<!tpu.dma_semaphore, #tpu.memory_space<semaphore_mem>>) src(%dma_wait3A_951 : memref<16x1024xf32, #tpu.memory_space<hbm>>) dst(%dma_wait3A_948 : memref<16x1024xf32, #tpu.memory_space<vmem>>)
      %ge3A_952 = arith.constant 1 : i32
      %ge3A_953 = arith.cmpi sge, %add3A_882, %ge3A_952 : i32
      %convert_element_type3A_954 = arith.extui %ge3A_953 : i1 to i32
      %cond3A_955 = arith.constant 0 : i32
      %cond3A_956 = arith.cmpi ne, %convert_element_type3A_954, %cond3A_955 : i32
      scf.if %cond3A_956 {
        %sub3A_1143 = arith.constant 1 : i32
        %sub3A_1144 = arith.subi %add3A_882, %sub3A_1143 : i32
        %jit3A_1145 = arith.constant 4 : i32
        %div3A_1146 = arith.divsi %sub3A_1144, %jit3A_1145 : i32
        %sign3A_1147 = arith.constant 0 : i32
        %sign3A_1148 = arith.cmpi sgt, %sub3A_1144, %sign3A_1147 : i32
        %sign3A_1149 = arith.extui %sign3A_1148 : i1 to i32
        %sign3A_1150 = arith.constant 0 : i32
        %sign3A_1151 = arith.cmpi slt, %sub3A_1144, %sign3A_1150 : i32
        %sign3A_1152 = arith.extui %sign3A_1151 : i1 to i32
        %sign3A_1153 = arith.subi %sign3A_1149, %sign3A_1152 : i32
        %sign3A_1154 = arith.constant 0 : i32
        %sign3A_1155 = arith.cmpi sgt, %jit3A_1145, %sign3A_1154 : i32
        %sign3A_1156 = arith.extui %sign3A_1155 : i1 to i32
        %sign3A_1157 = arith.constant 0 : i32
        %sign3A_1158 = arith.cmpi slt, %jit3A_1145, %sign3A_1157 : i32
        %sign3A_1159 = arith.extui %sign3A_1158 : i1 to i32
        %sign3A_1160 = arith.subi %sign3A_1156, %sign3A_1159 : i32
        %ne3A_1161 = arith.cmpi ne, %sign3A_1153, %sign3A_1160 : i32
        %rem3A_1162 = arith.remsi %sub3A_1144, %jit3A_1145 : i32
        %ne3A_1163 = arith.constant 0 : i32
        %ne3A_1164 = arith.cmpi ne, %rem3A_1162, %ne3A_1163 : i32
        %and3A_1165 = arith.andi %ne3A_1161, %ne3A_1164 : i1
        %sub3A_1166 = arith.constant 1 : i32
        %sub3A_1167 = arith.subi %div3A_1146, %sub3A_1166 : i32
        %select_n3A_1168 = arith.select %and3A_1165, %sub3A_1167, %div3A_1146 : i32
        %mul3A_1169 = arith.constant 4 : i32
        %mul3A_1170 = arith.muli %select_n3A_1168, %mul3A_1169 : i32
        %sub3A_1171 = arith.subi %sub3A_1144, %mul3A_1170 : i32
        %mul3A_1172 = arith.constant 16 : i32
        %mul3A_1173 = arith.muli %select_n3A_1168, %mul3A_1172 : i32
        %add3A_1174 = arith.addi %mul3A_2, %mul3A_1173 : i32
        %dma_wait3A_1175 = arith.constant 1 : i32
        %dma_wait3A_1176 = arith.constant 0 : i32
        %dma_wait3A_1177 = arith.constant 0 : i32
        %dma_wait3A_1178 = tpu.memref_slice %arg5[%dma_wait3A_1175, %dma_wait3A_1176, %dma_wait3A_1177] : memref<2x16x1024xf32, #tpu.memory_space<vmem>> -> memref<1x16x1024xf32, #tpu.memory_space<vmem>>
        %dma_wait3A_1179 = tpu.memref_squeeze %dma_wait3A_1178 : memref<1x16x1024xf32, #tpu.memory_space<vmem>> -> memref<16x1024xf32, #tpu.memory_space<vmem>>
        %dma_wait3A_1180 = arith.constant 0 : i32
        %dma_wait3A_1181 = tpu.memref_slice %arg4[%sub3A_1171, %add3A_1174, %dma_wait3A_1180] : memref<4x8192x1024xf32, #tpu.memory_space<hbm>> -> memref<1x16x1024xf32, #tpu.memory_space<hbm>>
        %dma_wait3A_1182 = tpu.memref_squeeze %dma_wait3A_1181 : memref<1x16x1024xf32, #tpu.memory_space<hbm>> -> memref<16x1024xf32, #tpu.memory_space<hbm>>
        %dma_wait3A_1183 = arith.constant 0 : i32
        %dma_wait3A_1184 = tpu.memref_slice %arg4[%sub3A_1171, %add3A_1174, %dma_wait3A_1183] : memref<4x8192x1024xf32, #tpu.memory_space<hbm>> -> memref<1x16x1024xf32, #tpu.memory_space<hbm>>
        %dma_wait3A_1185 = tpu.memref_squeeze %dma_wait3A_1184 : memref<1x16x1024xf32, #tpu.memory_space<hbm>> -> memref<16x1024xf32, #tpu.memory_space<hbm>>
        %dma_wait3A_1186 = arith.constant 0 : i32
        %dma_wait3A_1187 = arith.constant 0 : i32
        %dma_wait3A_1188 = tpu.memref_slice %arg5[%dma_wait3A_1175, %dma_wait3A_1186, %dma_wait3A_1187] : memref<2x16x1024xf32, #tpu.memory_space<vmem>> -> memref<1x16x1024xf32, #tpu.memory_space<vmem>>
        %dma_wait3A_1189 = tpu.memref_squeeze %dma_wait3A_1188 : memref<1x16x1024xf32, #tpu.memory_space<vmem>> -> memref<16x1024xf32, #tpu.memory_space<vmem>>
        tpu.wait_dma2 semaphore(%arg10 : memref<!tpu.dma_semaphore, #tpu.memory_space<semaphore_mem>>) src(%dma_wait3A_1189 : memref<16x1024xf32, #tpu.memory_space<vmem>>) dst(%dma_wait3A_1185 : memref<16x1024xf32, #tpu.memory_space<hbm>>)
      } else {
      }
      %add3A_957 = arith.constant 1 : i32
      %add3A_958 = arith.addi %add3A_882, %add3A_957 : i32
      %lt3A_959 = arith.constant 64 : i32
      %lt3A_960 = arith.cmpi slt, %add3A_958, %lt3A_959 : i32
      %convert_element_type3A_961 = arith.extui %lt3A_960 : i1 to i32
      %cond3A_962 = arith.constant 0 : i32
      %cond3A_963 = arith.cmpi ne, %convert_element_type3A_961, %cond3A_962 : i32
      scf.if %cond3A_963 {
        %add3A_1143 = arith.constant 1 : i32
        %add3A_1144 = arith.addi %add3A_882, %add3A_1143 : i32
        %jit3A_1145 = arith.constant 4 : i32
        %div3A_1146 = arith.divsi %add3A_1144, %jit3A_1145 : i32
        %sign3A_1147 = arith.constant 0 : i32
        %sign3A_1148 = arith.cmpi sgt, %add3A_1144, %sign3A_1147 : i32
        %sign3A_1149 = arith.extui %sign3A_1148 : i1 to i32
        %sign3A_1150 = arith.constant 0 : i32
        %sign3A_1151 = arith.cmpi slt, %add3A_1144, %sign3A_1150 : i32
        %sign3A_1152 = arith.extui %sign3A_1151 : i1 to i32
        %sign3A_1153 = arith.subi %sign3A_1149, %sign3A_1152 : i32
        %sign3A_1154 = arith.constant 0 : i32
        %sign3A_1155 = arith.cmpi sgt, %jit3A_1145, %sign3A_1154 : i32
        %sign3A_1156 = arith.extui %sign3A_1155 : i1 to i32
        %sign3A_1157 = arith.constant 0 : i32
        %sign3A_1158 = arith.cmpi slt, %jit3A_1145, %sign3A_1157 : i32
        %sign3A_1159 = arith.extui %sign3A_1158 : i1 to i32
        %sign3A_1160 = arith.subi %sign3A_1156, %sign3A_1159 : i32
        %ne3A_1161 = arith.cmpi ne, %sign3A_1153, %sign3A_1160 : i32
        %rem3A_1162 = arith.remsi %add3A_1144, %jit3A_1145 : i32
        %ne3A_1163 = arith.constant 0 : i32
        %ne3A_1164 = arith.cmpi ne, %rem3A_1162, %ne3A_1163 : i32
        %and3A_1165 = arith.andi %ne3A_1161, %ne3A_1164 : i1
        %sub3A_1166 = arith.constant 1 : i32
        %sub3A_1167 = arith.subi %div3A_1146, %sub3A_1166 : i32
        %select_n3A_1168 = arith.select %and3A_1165, %sub3A_1167, %div3A_1146 : i32
        %mul3A_1169 = arith.constant 4 : i32
        %mul3A_1170 = arith.muli %select_n3A_1168, %mul3A_1169 : i32
        %sub3A_1171 = arith.subi %add3A_1144, %mul3A_1170 : i32
        %mul3A_1172 = arith.constant 16 : i32
        %mul3A_1173 = arith.muli %select_n3A_1168, %mul3A_1172 : i32
        %add3A_1174 = arith.addi %mul3A_2, %mul3A_1173 : i32
        %dma_start3A_1175 = arith.constant 1 : i32
        %dma_start3A_1176 = arith.constant 0 : i32
        %dma_start3A_1177 = arith.constant 0 : i32
        %dma_start3A_1178 = tpu.memref_slice %arg5[%dma_start3A_1175, %dma_start3A_1176, %dma_start3A_1177] : memref<2x16x1024xf32, #tpu.memory_space<vmem>> -> memref<1x16x1024xf32, #tpu.memory_space<vmem>>
        %dma_start3A_1179 = tpu.memref_squeeze %dma_start3A_1178 : memref<1x16x1024xf32, #tpu.memory_space<vmem>> -> memref<16x1024xf32, #tpu.memory_space<vmem>>
        %dma_start3A_1180 = arith.constant 0 : i32
        %dma_start3A_1181 = tpu.memref_slice %arg2[%sub3A_1171, %add3A_1174, %dma_start3A_1180] : memref<4x8192x1024xf32, #tpu.memory_space<hbm>> -> memref<1x16x1024xf32, #tpu.memory_space<hbm>>
        %dma_start3A_1182 = tpu.memref_squeeze %dma_start3A_1181 : memref<1x16x1024xf32, #tpu.memory_space<hbm>> -> memref<16x1024xf32, #tpu.memory_space<hbm>>
        %dma_start3A_1183 = arith.constant 0 : i32
        %dma_start3A_1184 = arith.constant 0 : i32
        %dma_start3A_1185 = tpu.memref_slice %arg5[%dma_start3A_1175, %dma_start3A_1183, %dma_start3A_1184] : memref<2x16x1024xf32, #tpu.memory_space<vmem>> -> memref<1x16x1024xf32, #tpu.memory_space<vmem>>
        %dma_start3A_1186 = tpu.memref_squeeze %dma_start3A_1185 : memref<1x16x1024xf32, #tpu.memory_space<vmem>> -> memref<16x1024xf32, #tpu.memory_space<vmem>>
        %dma_start3A_1187 = arith.constant 0 : i32
        %dma_start3A_1188 = tpu.memref_slice %arg2[%sub3A_1171, %add3A_1174, %dma_start3A_1187] : memref<4x8192x1024xf32, #tpu.memory_space<hbm>> -> memref<1x16x1024xf32, #tpu.memory_space<hbm>>
        %dma_start3A_1189 = tpu.memref_squeeze %dma_start3A_1188 : memref<1x16x1024xf32, #tpu.memory_space<hbm>> -> memref<16x1024xf32, #tpu.memory_space<hbm>>
        tpu.enqueue_dma source(%dma_start3A_1189 : memref<16x1024xf32, #tpu.memory_space<hbm>>) target(%dma_start3A_1186 : memref<16x1024xf32, #tpu.memory_space<vmem>>) target_semaphore(%arg8 : memref<!tpu.dma_semaphore, #tpu.memory_space<semaphore_mem>>)
      } else {
      }
      %parallel_loop3A_964 = arith.constant 0 : i32
      %parallel_loop3A_965 = arith.constant 16384 : i32
      %parallel_loop3A_966 = arith.constant 16 : i32
      scf.for %parallel_loop3A_1143 = %parallel_loop3A_964 to %parallel_loop3A_965 step %parallel_loop3A_966  : i32 {
        %parallel_loop3A_1144 = arith.constant 1024 : i32
        %parallel_loop3A_1145 = arith.divsi %parallel_loop3A_1143, %parallel_loop3A_1144 : i32
        %parallel_loop3A_1146 = arith.constant 0 : i32
        %parallel_loop3A_1147 = arith.cmpi sgt, %parallel_loop3A_1143, %parallel_loop3A_1146 : i32
        %parallel_loop3A_1148 = arith.extui %parallel_loop3A_1147 : i1 to i32
        %parallel_loop3A_1149 = arith.constant 0 : i32
        %parallel_loop3A_1150 = arith.cmpi slt, %parallel_loop3A_1143, %parallel_loop3A_1149 : i32
        %parallel_loop3A_1151 = arith.extui %parallel_loop3A_1150 : i1 to i32
        %parallel_loop3A_1152 = arith.subi %parallel_loop3A_1148, %parallel_loop3A_1151 : i32
        %parallel_loop3A_1153 = arith.constant 0 : i32
        %parallel_loop3A_1154 = arith.cmpi sgt, %parallel_loop3A_1144, %parallel_loop3A_1153 : i32
        %parallel_loop3A_1155 = arith.extui %parallel_loop3A_1154 : i1 to i32
        %parallel_loop3A_1156 = arith.constant 0 : i32
        %parallel_loop3A_1157 = arith.cmpi slt, %parallel_loop3A_1144, %parallel_loop3A_1156 : i32
        %parallel_loop3A_1158 = arith.extui %parallel_loop3A_1157 : i1 to i32
        %parallel_loop3A_1159 = arith.subi %parallel_loop3A_1155, %parallel_loop3A_1158 : i32
        %parallel_loop3A_1160 = arith.cmpi ne, %parallel_loop3A_1152, %parallel_loop3A_1159 : i32
        %parallel_loop3A_1161 = arith.remsi %parallel_loop3A_1143, %parallel_loop3A_1144 : i32
        %parallel_loop3A_1162 = arith.constant 0 : i32
        %parallel_loop3A_1163 = arith.cmpi ne, %parallel_loop3A_1161, %parallel_loop3A_1162 : i32
        %parallel_loop3A_1164 = arith.andi %parallel_loop3A_1160, %parallel_loop3A_1163 : i1
        %parallel_loop3A_1165 = arith.constant 1 : i32
        %parallel_loop3A_1166 = arith.subi %parallel_loop3A_1145, %parallel_loop3A_1165 : i32
        %parallel_loop3A_1167 = arith.select %parallel_loop3A_1164, %parallel_loop3A_1166, %parallel_loop3A_1145 : i32
        %parallel_loop3A_1168 = arith.constant 1024 : i32
        %parallel_loop3A_1169 = arith.muli %parallel_loop3A_1167, %parallel_loop3A_1168 : i32
        %parallel_loop3A_1170 = arith.subi %parallel_loop3A_1143, %parallel_loop3A_1169 : i32
        %parallel_loop3A_1171 = arith.constant 1 : i32
        %parallel_loop3A_1172 = arith.index_cast %parallel_loop3A_1171 : i32 to index
        %parallel_loop3A_1173 = arith.index_cast %parallel_loop3A_1167 : i32 to index
        %parallel_loop3A_1174 = arith.index_cast %parallel_loop3A_1170 : i32 to index
        %parallel_loop3A_1175 = tpu.vector_load %arg6[%parallel_loop3A_1172, %parallel_loop3A_1173, %parallel_loop3A_1174] {strides = array<i32>} : memref<2x16x1024xf32, #tpu.memory_space<vmem>>, vector<1x1x16xf32>,
        %parallel_loop3A_1176 = vector.shape_cast %parallel_loop3A_1175 : vector<1x1x16xf32> to vector<16xf32>
        %parallel_loop3A_1177 = arith.constant 0 : i32
        %parallel_loop3A_1178 = arith.index_cast %parallel_loop3A_1177 : i32 to index
        %parallel_loop3A_1179 = arith.index_cast %parallel_loop3A_1167 : i32 to index
        %parallel_loop3A_1180 = arith.index_cast %parallel_loop3A_1170 : i32 to index
        %parallel_loop3A_1181 = tpu.vector_load %arg5[%parallel_loop3A_1178, %parallel_loop3A_1179, %parallel_loop3A_1180] {strides = array<i32>} : memref<2x16x1024xf32, #tpu.memory_space<vmem>>, vector<1x1x16xf32>,
        %parallel_loop3A_1182 = vector.shape_cast %parallel_loop3A_1181 : vector<1x1x16xf32> to vector<16xf32>
        %parallel_loop3A_1183 = vector.shape_cast %parallel_loop3A_1176 : vector<16xf32> to vector<1x1x16xf32>
        tpu.vector_store %arg5[%parallel_loop3A_1178, %parallel_loop3A_1179, %parallel_loop3A_1180], %parallel_loop3A_1183 {add = true, strides = array<i32>} : memref<2x16x1024xf32, #tpu.memory_space<vmem>>, vector<1x1x16xf32>,
      } {sc.loop_unroll_factor = 8 : i64, sc.parallel_access}
      %jit3A_967 = arith.constant 4 : i32
      %div3A_968 = arith.divsi %add3A_882, %jit3A_967 : i32
      %sign3A_969 = arith.constant 0 : i32
      %sign3A_970 = arith.cmpi sgt, %add3A_882, %sign3A_969 : i32
      %sign3A_971 = arith.extui %sign3A_970 : i1 to i32
      %sign3A_972 = arith.constant 0 : i32
      %sign3A_973 = arith.cmpi slt, %add3A_882, %sign3A_972 : i32
      %sign3A_974 = arith.extui %sign3A_973 : i1 to i32
      %sign3A_975 = arith.subi %sign3A_971, %sign3A_974 : i32
      %sign3A_976 = arith.constant 0 : i32
      %sign3A_977 = arith.cmpi sgt, %jit3A_967, %sign3A_976 : i32
      %sign3A_978 = arith.extui %sign3A_977 : i1 to i32
      %sign3A_979 = arith.constant 0 : i32
      %sign3A_980 = arith.cmpi slt, %jit3A_967, %sign3A_979 : i32
      %sign3A_981 = arith.extui %sign3A_980 : i1 to i32
      %sign3A_982 = arith.subi %sign3A_978, %sign3A_981 : i32
      %ne3A_983 = arith.cmpi ne, %sign3A_975, %sign3A_982 : i32
      %rem3A_984 = arith.remsi %add3A_882, %jit3A_967 : i32
      %ne3A_985 = arith.constant 0 : i32
      %ne3A_986 = arith.cmpi ne, %rem3A_984, %ne3A_985 : i32
      %and3A_987 = arith.andi %ne3A_983, %ne3A_986 : i1
      %sub3A_988 = arith.constant 1 : i32
      %sub3A_989 = arith.subi %div3A_968, %sub3A_988 : i32
      %select_n3A_990 = arith.select %and3A_987, %sub3A_989, %div3A_968 : i32
      %mul3A_991 = arith.constant 4 : i32
      %mul3A_992 = arith.muli %select_n3A_990, %mul3A_991 : i32
      %sub3A_993 = arith.subi %add3A_882, %mul3A_992 : i32
      %mul3A_994 = arith.constant 16 : i32
      %mul3A_995 = arith.muli %select_n3A_990, %mul3A_994 : i32
      %add3A_996 = arith.addi %mul3A_2, %mul3A_995 : i32
      %dma_start3A_997 = arith.constant 0 : i32
      %dma_start3A_998 = arith.constant 0 : i32
      %dma_start3A_999 = arith.constant 0 : i32
      %dma_start3A_1000 = tpu.memref_slice %arg5[%dma_start3A_997, %dma_start3A_998, %dma_start3A_999] : memref<2x16x1024xf32, #tpu.memory_space<vmem>> -> memref<1x16x1024xf32, #tpu.memory_space<vmem>>
      %dma_start3A_1001 = tpu.memref_squeeze %dma_start3A_1000 : memref<1x16x1024xf32, #tpu.memory_space<vmem>> -> memref<16x1024xf32, #tpu.memory_space<vmem>>
      %dma_start3A_1002 = arith.constant 0 : i32
      %dma_start3A_1003 = tpu.memref_slice %arg4[%sub3A_993, %add3A_996, %dma_start3A_1002] : memref<4x8192x1024xf32, #tpu.memory_space<hbm>> -> memref<1x16x1024xf32, #tpu.memory_space<hbm>>
      %dma_start3A_1004 = tpu.memref_squeeze %dma_start3A_1003 : memref<1x16x1024xf32, #tpu.memory_space<hbm>> -> memref<16x1024xf32, #tpu.memory_space<hbm>>
      %dma_start3A_1005 = arith.constant 0 : i32
      %dma_start3A_1006 = tpu.memref_slice %arg4[%sub3A_993, %add3A_996, %dma_start3A_1005] : memref<4x8192x1024xf32, #tpu.memory_space<hbm>> -> memref<1x16x1024xf32, #tpu.memory_space<hbm>>
      %dma_start3A_1007 = tpu.memref_squeeze %dma_start3A_1006 : memref<1x16x1024xf32, #tpu.memory_space<hbm>> -> memref<16x1024xf32, #tpu.memory_space<hbm>>
      %dma_start3A_1008 = arith.constant 0 : i32
      %dma_start3A_1009 = arith.constant 0 : i32
      %dma_start3A_1010 = tpu.memref_slice %arg5[%dma_start3A_997, %dma_start3A_1008, %dma_start3A_1009] : memref<2x16x1024xf32, #tpu.memory_space<vmem>> -> memref<1x16x1024xf32, #tpu.memory_space<vmem>>
      %dma_start3A_1011 = tpu.memref_squeeze %dma_start3A_1010 : memref<1x16x1024xf32, #tpu.memory_space<vmem>> -> memref<16x1024xf32, #tpu.memory_space<vmem>>
      tpu.enqueue_dma source(%dma_start3A_1011 : memref<16x1024xf32, #tpu.memory_space<vmem>>) target(%dma_start3A_1007 : memref<16x1024xf32, #tpu.memory_space<hbm>>) target_semaphore(%arg9 : memref<!tpu.dma_semaphore, #tpu.memory_space<semaphore_mem>>)
      %add3A_1012 = arith.constant 7 : i32
      %add3A_1013 = arith.addi %mul3A_61, %add3A_1012 : i32
      %jit3A_1014 = arith.constant 4 : i32
      %div3A_1015 = arith.divsi %add3A_1013, %jit3A_1014 : i32
      %sign3A_1016 = arith.constant 0 : i32
      %sign3A_1017 = arith.cmpi sgt, %add3A_1013, %sign3A_1016 : i32
      %sign3A_1018 = arith.extui %sign3A_1017 : i1 to i32
      %sign3A_1019 = arith.constant 0 : i32
      %sign3A_1020 = arith.cmpi slt, %add3A_1013, %sign3A_1019 : i32
      %sign3A_1021 = arith.extui %sign3A_1020 : i1 to i32
      %sign3A_1022 = arith.subi %sign3A_1018, %sign3A_1021 : i32
      %sign3A_1023 = arith.constant 0 : i32
      %sign3A_1024 = arith.cmpi sgt, %jit3A_1014, %sign3A_1023 : i32
      %sign3A_1025 = arith.extui %sign3A_1024 : i1 to i32
      %sign3A_1026 = arith.constant 0 : i32
      %sign3A_1027 = arith.cmpi slt, %jit3A_1014, %sign3A_1026 : i32
      %sign3A_1028 = arith.extui %sign3A_1027 : i1 to i32
      %sign3A_1029 = arith.subi %sign3A_1025, %sign3A_1028 : i32
      %ne3A_1030 = arith.cmpi ne, %sign3A_1022, %sign3A_1029 : i32
      %rem3A_1031 = arith.remsi %add3A_1013, %jit3A_1014 : i32
      %ne3A_1032 = arith.constant 0 : i32
      %ne3A_1033 = arith.cmpi ne, %rem3A_1031, %ne3A_1032 : i32
      %and3A_1034 = arith.andi %ne3A_1030, %ne3A_1033 : i1
      %sub3A_1035 = arith.constant 1 : i32
      %sub3A_1036 = arith.subi %div3A_1015, %sub3A_1035 : i32
      %select_n3A_1037 = arith.select %and3A_1034, %sub3A_1036, %div3A_1015 : i32
      %jit3A_1038 = arith.constant 4 : i32
      %div3A_1039 = arith.divsi %add3A_1013, %jit3A_1038 : i32
      %sign3A_1040 = arith.constant 0 : i32
      %sign3A_1041 = arith.cmpi sgt, %add3A_1013, %sign3A_1040 : i32
      %sign3A_1042 = arith.extui %sign3A_1041 : i1 to i32
      %sign3A_1043 = arith.constant 0 : i32
      %sign3A_1044 = arith.cmpi slt, %add3A_1013, %sign3A_1043 : i32
      %sign3A_1045 = arith.extui %sign3A_1044 : i1 to i32
      %sign3A_1046 = arith.subi %sign3A_1042, %sign3A_1045 : i32
      %sign3A_1047 = arith.constant 0 : i32
      %sign3A_1048 = arith.cmpi sgt, %jit3A_1038, %sign3A_1047 : i32
      %sign3A_1049 = arith.extui %sign3A_1048 : i1 to i32
      %sign3A_1050 = arith.constant 0 : i32
      %sign3A_1051 = arith.cmpi slt, %jit3A_1038, %sign3A_1050 : i32
      %sign3A_1052 = arith.extui %sign3A_1051 : i1 to i32
      %sign3A_1053 = arith.subi %sign3A_1049, %sign3A_1052 : i32
      %ne3A_1054 = arith.cmpi ne, %sign3A_1046, %sign3A_1053 : i32
      %rem3A_1055 = arith.remsi %add3A_1013, %jit3A_1038 : i32
      %ne3A_1056 = arith.constant 0 : i32
      %ne3A_1057 = arith.cmpi ne, %rem3A_1055, %ne3A_1056 : i32
      %and3A_1058 = arith.andi %ne3A_1054, %ne3A_1057 : i1
      %sub3A_1059 = arith.constant 1 : i32
      %sub3A_1060 = arith.subi %div3A_1039, %sub3A_1059 : i32
      %select_n3A_1061 = arith.select %and3A_1058, %sub3A_1060, %div3A_1039 : i32
      %mul3A_1062 = arith.constant 4 : i32
      %mul3A_1063 = arith.muli %select_n3A_1061, %mul3A_1062 : i32
      %sub3A_1064 = arith.subi %add3A_1013, %mul3A_1063 : i32
      %mul3A_1065 = arith.constant 16 : i32
      %mul3A_1066 = arith.muli %select_n3A_1061, %mul3A_1065 : i32
      %add3A_1067 = arith.addi %mul3A_2, %mul3A_1066 : i32
      %dma_wait3A_1068 = arith.constant 1 : i32
      %dma_wait3A_1069 = arith.constant 0 : i32
      %dma_wait3A_1070 = arith.constant 0 : i32
      %dma_wait3A_1071 = tpu.memref_slice %arg5[%dma_wait3A_1068, %dma_wait3A_1069, %dma_wait3A_1070] : memref<2x16x1024xf32, #tpu.memory_space<vmem>> -> memref<1x16x1024xf32, #tpu.memory_space<vmem>>
      %dma_wait3A_1072 = tpu.memref_squeeze %dma_wait3A_1071 : memref<1x16x1024xf32, #tpu.memory_space<vmem>> -> memref<16x1024xf32, #tpu.memory_space<vmem>>
      %dma_wait3A_1073 = arith.constant 0 : i32
      %dma_wait3A_1074 = tpu.memref_slice %arg2[%sub3A_1064, %add3A_1067, %dma_wait3A_1073] : memref<4x8192x1024xf32, #tpu.memory_space<hbm>> -> memref<1x16x1024xf32, #tpu.memory_space<hbm>>
      %dma_wait3A_1075 = tpu.memref_squeeze %dma_wait3A_1074 : memref<1x16x1024xf32, #tpu.memory_space<hbm>> -> memref<16x1024xf32, #tpu.memory_space<hbm>>
      %dma_wait3A_1076 = arith.constant 0 : i32
      %dma_wait3A_1077 = arith.constant 0 : i32
      %dma_wait3A_1078 = tpu.memref_slice %arg5[%dma_wait3A_1068, %dma_wait3A_1076, %dma_wait3A_1077] : memref<2x16x1024xf32, #tpu.memory_space<vmem>> -> memref<1x16x1024xf32, #tpu.memory_space<vmem>>
      %dma_wait3A_1079 = tpu.memref_squeeze %dma_wait3A_1078 : memref<1x16x1024xf32, #tpu.memory_space<vmem>> -> memref<16x1024xf32, #tpu.memory_space<vmem>>
      %dma_wait3A_1080 = arith.constant 0 : i32
      %dma_wait3A_1081 = tpu.memref_slice %arg2[%sub3A_1064, %add3A_1067, %dma_wait3A_1080] : memref<4x8192x1024xf32, #tpu.memory_space<hbm>> -> memref<1x16x1024xf32, #tpu.memory_space<hbm>>
      %dma_wait3A_1082 = tpu.memref_squeeze %dma_wait3A_1081 : memref<1x16x1024xf32, #tpu.memory_space<hbm>> -> memref<16x1024xf32, #tpu.memory_space<hbm>>
      tpu.wait_dma2 semaphore(%arg8 : memref<!tpu.dma_semaphore, #tpu.memory_space<semaphore_mem>>) src(%dma_wait3A_1082 : memref<16x1024xf32, #tpu.memory_space<hbm>>) dst(%dma_wait3A_1079 : memref<16x1024xf32, #tpu.memory_space<vmem>>)
      %ge3A_1083 = arith.constant 1 : i32
      %ge3A_1084 = arith.cmpi sge, %add3A_1013, %ge3A_1083 : i32
      %convert_element_type3A_1085 = arith.extui %ge3A_1084 : i1 to i32
      %cond3A_1086 = arith.constant 0 : i32
      %cond3A_1087 = arith.cmpi ne, %convert_element_type3A_1085, %cond3A_1086 : i32
      scf.if %cond3A_1087 {
        %sub3A_1143 = arith.constant 1 : i32
        %sub3A_1144 = arith.subi %add3A_1013, %sub3A_1143 : i32
        %jit3A_1145 = arith.constant 4 : i32
        %div3A_1146 = arith.divsi %sub3A_1144, %jit3A_1145 : i32
        %sign3A_1147 = arith.constant 0 : i32
        %sign3A_1148 = arith.cmpi sgt, %sub3A_1144, %sign3A_1147 : i32
        %sign3A_1149 = arith.extui %sign3A_1148 : i1 to i32
        %sign3A_1150 = arith.constant 0 : i32
        %sign3A_1151 = arith.cmpi slt, %sub3A_1144, %sign3A_1150 : i32
        %sign3A_1152 = arith.extui %sign3A_1151 : i1 to i32
        %sign3A_1153 = arith.subi %sign3A_1149, %sign3A_1152 : i32
        %sign3A_1154 = arith.constant 0 : i32
        %sign3A_1155 = arith.cmpi sgt, %jit3A_1145, %sign3A_1154 : i32
        %sign3A_1156 = arith.extui %sign3A_1155 : i1 to i32
        %sign3A_1157 = arith.constant 0 : i32
        %sign3A_1158 = arith.cmpi slt, %jit3A_1145, %sign3A_1157 : i32
        %sign3A_1159 = arith.extui %sign3A_1158 : i1 to i32
        %sign3A_1160 = arith.subi %sign3A_1156, %sign3A_1159 : i32
        %ne3A_1161 = arith.cmpi ne, %sign3A_1153, %sign3A_1160 : i32
        %rem3A_1162 = arith.remsi %sub3A_1144, %jit3A_1145 : i32
        %ne3A_1163 = arith.constant 0 : i32
        %ne3A_1164 = arith.cmpi ne, %rem3A_1162, %ne3A_1163 : i32
        %and3A_1165 = arith.andi %ne3A_1161, %ne3A_1164 : i1
        %sub3A_1166 = arith.constant 1 : i32
        %sub3A_1167 = arith.subi %div3A_1146, %sub3A_1166 : i32
        %select_n3A_1168 = arith.select %and3A_1165, %sub3A_1167, %div3A_1146 : i32
        %mul3A_1169 = arith.constant 4 : i32
        %mul3A_1170 = arith.muli %select_n3A_1168, %mul3A_1169 : i32
        %sub3A_1171 = arith.subi %sub3A_1144, %mul3A_1170 : i32
        %mul3A_1172 = arith.constant 16 : i32
        %mul3A_1173 = arith.muli %select_n3A_1168, %mul3A_1172 : i32
        %add3A_1174 = arith.addi %mul3A_2, %mul3A_1173 : i32
        %dma_wait3A_1175 = arith.constant 0 : i32
        %dma_wait3A_1176 = arith.constant 0 : i32
        %dma_wait3A_1177 = arith.constant 0 : i32
        %dma_wait3A_1178 = tpu.memref_slice %arg5[%dma_wait3A_1175, %dma_wait3A_1176, %dma_wait3A_1177] : memref<2x16x1024xf32, #tpu.memory_space<vmem>> -> memref<1x16x1024xf32, #tpu.memory_space<vmem>>
        %dma_wait3A_1179 = tpu.memref_squeeze %dma_wait3A_1178 : memref<1x16x1024xf32, #tpu.memory_space<vmem>> -> memref<16x1024xf32, #tpu.memory_space<vmem>>
        %dma_wait3A_1180 = arith.constant 0 : i32
        %dma_wait3A_1181 = tpu.memref_slice %arg4[%sub3A_1171, %add3A_1174, %dma_wait3A_1180] : memref<4x8192x1024xf32, #tpu.memory_space<hbm>> -> memref<1x16x1024xf32, #tpu.memory_space<hbm>>
        %dma_wait3A_1182 = tpu.memref_squeeze %dma_wait3A_1181 : memref<1x16x1024xf32, #tpu.memory_space<hbm>> -> memref<16x1024xf32, #tpu.memory_space<hbm>>
        %dma_wait3A_1183 = arith.constant 0 : i32
        %dma_wait3A_1184 = tpu.memref_slice %arg4[%sub3A_1171, %add3A_1174, %dma_wait3A_1183] : memref<4x8192x1024xf32, #tpu.memory_space<hbm>> -> memref<1x16x1024xf32, #tpu.memory_space<hbm>>
        %dma_wait3A_1185 = tpu.memref_squeeze %dma_wait3A_1184 : memref<1x16x1024xf32, #tpu.memory_space<hbm>> -> memref<16x1024xf32, #tpu.memory_space<hbm>>
        %dma_wait3A_1186 = arith.constant 0 : i32
        %dma_wait3A_1187 = arith.constant 0 : i32
        %dma_wait3A_1188 = tpu.memref_slice %arg5[%dma_wait3A_1175, %dma_wait3A_1186, %dma_wait3A_1187] : memref<2x16x1024xf32, #tpu.memory_space<vmem>> -> memref<1x16x1024xf32, #tpu.memory_space<vmem>>
        %dma_wait3A_1189 = tpu.memref_squeeze %dma_wait3A_1188 : memref<1x16x1024xf32, #tpu.memory_space<vmem>> -> memref<16x1024xf32, #tpu.memory_space<vmem>>
        tpu.wait_dma2 semaphore(%arg9 : memref<!tpu.dma_semaphore, #tpu.memory_space<semaphore_mem>>) src(%dma_wait3A_1189 : memref<16x1024xf32, #tpu.memory_space<vmem>>) dst(%dma_wait3A_1185 : memref<16x1024xf32, #tpu.memory_space<hbm>>)
      } else {
      }
      %add3A_1088 = arith.constant 1 : i32
      %add3A_1089 = arith.addi %add3A_1013, %add3A_1088 : i32
      %lt3A_1090 = arith.constant 64 : i32
      %lt3A_1091 = arith.cmpi slt, %add3A_1089, %lt3A_1090 : i32
      %convert_element_type3A_1092 = arith.extui %lt3A_1091 : i1 to i32
      %cond3A_1093 = arith.constant 0 : i32
      %cond3A_1094 = arith.cmpi ne, %convert_element_type3A_1092, %cond3A_1093 : i32
      scf.if %cond3A_1094 {
        %add3A_1143 = arith.constant 1 : i32
        %add3A_1144 = arith.addi %add3A_1013, %add3A_1143 : i32
        %jit3A_1145 = arith.constant 4 : i32
        %div3A_1146 = arith.divsi %add3A_1144, %jit3A_1145 : i32
        %sign3A_1147 = arith.constant 0 : i32
        %sign3A_1148 = arith.cmpi sgt, %add3A_1144, %sign3A_1147 : i32
        %sign3A_1149 = arith.extui %sign3A_1148 : i1 to i32
        %sign3A_1150 = arith.constant 0 : i32
        %sign3A_1151 = arith.cmpi slt, %add3A_1144, %sign3A_1150 : i32
        %sign3A_1152 = arith.extui %sign3A_1151 : i1 to i32
        %sign3A_1153 = arith.subi %sign3A_1149, %sign3A_1152 : i32
        %sign3A_1154 = arith.constant 0 : i32
        %sign3A_1155 = arith.cmpi sgt, %jit3A_1145, %sign3A_1154 : i32
        %sign3A_1156 = arith.extui %sign3A_1155 : i1 to i32
        %sign3A_1157 = arith.constant 0 : i32
        %sign3A_1158 = arith.cmpi slt, %jit3A_1145, %sign3A_1157 : i32
        %sign3A_1159 = arith.extui %sign3A_1158 : i1 to i32
        %sign3A_1160 = arith.subi %sign3A_1156, %sign3A_1159 : i32
        %ne3A_1161 = arith.cmpi ne, %sign3A_1153, %sign3A_1160 : i32
        %rem3A_1162 = arith.remsi %add3A_1144, %jit3A_1145 : i32
        %ne3A_1163 = arith.constant 0 : i32
        %ne3A_1164 = arith.cmpi ne, %rem3A_1162, %ne3A_1163 : i32
        %and3A_1165 = arith.andi %ne3A_1161, %ne3A_1164 : i1
        %sub3A_1166 = arith.constant 1 : i32
        %sub3A_1167 = arith.subi %div3A_1146, %sub3A_1166 : i32
        %select_n3A_1168 = arith.select %and3A_1165, %sub3A_1167, %div3A_1146 : i32
        %mul3A_1169 = arith.constant 4 : i32
        %mul3A_1170 = arith.muli %select_n3A_1168, %mul3A_1169 : i32
        %sub3A_1171 = arith.subi %add3A_1144, %mul3A_1170 : i32
        %mul3A_1172 = arith.constant 16 : i32
        %mul3A_1173 = arith.muli %select_n3A_1168, %mul3A_1172 : i32
        %add3A_1174 = arith.addi %mul3A_2, %mul3A_1173 : i32
        %dma_start3A_1175 = arith.constant 0 : i32
        %dma_start3A_1176 = arith.constant 0 : i32
        %dma_start3A_1177 = arith.constant 0 : i32
        %dma_start3A_1178 = tpu.memref_slice %arg5[%dma_start3A_1175, %dma_start3A_1176, %dma_start3A_1177] : memref<2x16x1024xf32, #tpu.memory_space<vmem>> -> memref<1x16x1024xf32, #tpu.memory_space<vmem>>
        %dma_start3A_1179 = tpu.memref_squeeze %dma_start3A_1178 : memref<1x16x1024xf32, #tpu.memory_space<vmem>> -> memref<16x1024xf32, #tpu.memory_space<vmem>>
        %dma_start3A_1180 = arith.constant 0 : i32
        %dma_start3A_1181 = tpu.memref_slice %arg2[%sub3A_1171, %add3A_1174, %dma_start3A_1180] : memref<4x8192x1024xf32, #tpu.memory_space<hbm>> -> memref<1x16x1024xf32, #tpu.memory_space<hbm>>
        %dma_start3A_1182 = tpu.memref_squeeze %dma_start3A_1181 : memref<1x16x1024xf32, #tpu.memory_space<hbm>> -> memref<16x1024xf32, #tpu.memory_space<hbm>>
        %dma_start3A_1183 = arith.constant 0 : i32
        %dma_start3A_1184 = arith.constant 0 : i32
        %dma_start3A_1185 = tpu.memref_slice %arg5[%dma_start3A_1175, %dma_start3A_1183, %dma_start3A_1184] : memref<2x16x1024xf32, #tpu.memory_space<vmem>> -> memref<1x16x1024xf32, #tpu.memory_space<vmem>>
        %dma_start3A_1186 = tpu.memref_squeeze %dma_start3A_1185 : memref<1x16x1024xf32, #tpu.memory_space<vmem>> -> memref<16x1024xf32, #tpu.memory_space<vmem>>
        %dma_start3A_1187 = arith.constant 0 : i32
        %dma_start3A_1188 = tpu.memref_slice %arg2[%sub3A_1171, %add3A_1174, %dma_start3A_1187] : memref<4x8192x1024xf32, #tpu.memory_space<hbm>> -> memref<1x16x1024xf32, #tpu.memory_space<hbm>>
        %dma_start3A_1189 = tpu.memref_squeeze %dma_start3A_1188 : memref<1x16x1024xf32, #tpu.memory_space<hbm>> -> memref<16x1024xf32, #tpu.memory_space<hbm>>
        tpu.enqueue_dma source(%dma_start3A_1189 : memref<16x1024xf32, #tpu.memory_space<hbm>>) target(%dma_start3A_1186 : memref<16x1024xf32, #tpu.memory_space<vmem>>) target_semaphore(%arg7 : memref<!tpu.dma_semaphore, #tpu.memory_space<semaphore_mem>>)
      } else {
      }
      %parallel_loop3A_1095 = arith.constant 0 : i32
      %parallel_loop3A_1096 = arith.constant 16384 : i32
      %parallel_loop3A_1097 = arith.constant 16 : i32
      scf.for %parallel_loop3A_1143 = %parallel_loop3A_1095 to %parallel_loop3A_1096 step %parallel_loop3A_1097  : i32 {
        %parallel_loop3A_1144 = arith.constant 1024 : i32
        %parallel_loop3A_1145 = arith.divsi %parallel_loop3A_1143, %parallel_loop3A_1144 : i32
        %parallel_loop3A_1146 = arith.constant 0 : i32
        %parallel_loop3A_1147 = arith.cmpi sgt, %parallel_loop3A_1143, %parallel_loop3A_1146 : i32
        %parallel_loop3A_1148 = arith.extui %parallel_loop3A_1147 : i1 to i32
        %parallel_loop3A_1149 = arith.constant 0 : i32
        %parallel_loop3A_1150 = arith.cmpi slt, %parallel_loop3A_1143, %parallel_loop3A_1149 : i32
        %parallel_loop3A_1151 = arith.extui %parallel_loop3A_1150 : i1 to i32
        %parallel_loop3A_1152 = arith.subi %parallel_loop3A_1148, %parallel_loop3A_1151 : i32
        %parallel_loop3A_1153 = arith.constant 0 : i32
        %parallel_loop3A_1154 = arith.cmpi sgt, %parallel_loop3A_1144, %parallel_loop3A_1153 : i32
        %parallel_loop3A_1155 = arith.extui %parallel_loop3A_1154 : i1 to i32
        %parallel_loop3A_1156 = arith.constant 0 : i32
        %parallel_loop3A_1157 = arith.cmpi slt, %parallel_loop3A_1144, %parallel_loop3A_1156 : i32
        %parallel_loop3A_1158 = arith.extui %parallel_loop3A_1157 : i1 to i32
        %parallel_loop3A_1159 = arith.subi %parallel_loop3A_1155, %parallel_loop3A_1158 : i32
        %parallel_loop3A_1160 = arith.cmpi ne, %parallel_loop3A_1152, %parallel_loop3A_1159 : i32
        %parallel_loop3A_1161 = arith.remsi %parallel_loop3A_1143, %parallel_loop3A_1144 : i32
        %parallel_loop3A_1162 = arith.constant 0 : i32
        %parallel_loop3A_1163 = arith.cmpi ne, %parallel_loop3A_1161, %parallel_loop3A_1162 : i32
        %parallel_loop3A_1164 = arith.andi %parallel_loop3A_1160, %parallel_loop3A_1163 : i1
        %parallel_loop3A_1165 = arith.constant 1 : i32
        %parallel_loop3A_1166 = arith.subi %parallel_loop3A_1145, %parallel_loop3A_1165 : i32
        %parallel_loop3A_1167 = arith.select %parallel_loop3A_1164, %parallel_loop3A_1166, %parallel_loop3A_1145 : i32
        %parallel_loop3A_1168 = arith.constant 1024 : i32
        %parallel_loop3A_1169 = arith.muli %parallel_loop3A_1167, %parallel_loop3A_1168 : i32
        %parallel_loop3A_1170 = arith.subi %parallel_loop3A_1143, %parallel_loop3A_1169 : i32
        %parallel_loop3A_1171 = arith.constant 1 : i32
        %parallel_loop3A_1172 = arith.index_cast %parallel_loop3A_1171 : i32 to index
        %parallel_loop3A_1173 = arith.index_cast %parallel_loop3A_1167 : i32 to index
        %parallel_loop3A_1174 = arith.index_cast %parallel_loop3A_1170 : i32 to index
        %parallel_loop3A_1175 = tpu.vector_load %arg6[%parallel_loop3A_1172, %parallel_loop3A_1173, %parallel_loop3A_1174] {strides = array<i32>} : memref<2x16x1024xf32, #tpu.memory_space<vmem>>, vector<1x1x16xf32>,
        %parallel_loop3A_1176 = vector.shape_cast %parallel_loop3A_1175 : vector<1x1x16xf32> to vector<16xf32>
        %parallel_loop3A_1177 = arith.constant 1 : i32
        %parallel_loop3A_1178 = arith.index_cast %parallel_loop3A_1177 : i32 to index
        %parallel_loop3A_1179 = arith.index_cast %parallel_loop3A_1167 : i32 to index
        %parallel_loop3A_1180 = arith.index_cast %parallel_loop3A_1170 : i32 to index
        %parallel_loop3A_1181 = tpu.vector_load %arg5[%parallel_loop3A_1178, %parallel_loop3A_1179, %parallel_loop3A_1180] {strides = array<i32>} : memref<2x16x1024xf32, #tpu.memory_space<vmem>>, vector<1x1x16xf32>,
        %parallel_loop3A_1182 = vector.shape_cast %parallel_loop3A_1181 : vector<1x1x16xf32> to vector<16xf32>
        %parallel_loop3A_1183 = vector.shape_cast %parallel_loop3A_1176 : vector<16xf32> to vector<1x1x16xf32>
        tpu.vector_store %arg5[%parallel_loop3A_1178, %parallel_loop3A_1179, %parallel_loop3A_1180], %parallel_loop3A_1183 {add = true, strides = array<i32>} : memref<2x16x1024xf32, #tpu.memory_space<vmem>>, vector<1x1x16xf32>,
      } {sc.loop_unroll_factor = 8 : i64, sc.parallel_access}
      %jit3A_1098 = arith.constant 4 : i32
      %div3A_1099 = arith.divsi %add3A_1013, %jit3A_1098 : i32
      %sign3A_1100 = arith.constant 0 : i32
      %sign3A_1101 = arith.cmpi sgt, %add3A_1013, %sign3A_1100 : i32
      %sign3A_1102 = arith.extui %sign3A_1101 : i1 to i32
      %sign3A_1103 = arith.constant 0 : i32
      %sign3A_1104 = arith.cmpi slt, %add3A_1013, %sign3A_1103 : i32
      %sign3A_1105 = arith.extui %sign3A_1104 : i1 to i32
      %sign3A_1106 = arith.subi %sign3A_1102, %sign3A_1105 : i32
      %sign3A_1107 = arith.constant 0 : i32
      %sign3A_1108 = arith.cmpi sgt, %jit3A_1098, %sign3A_1107 : i32
      %sign3A_1109 = arith.extui %sign3A_1108 : i1 to i32
      %sign3A_1110 = arith.constant 0 : i32
      %sign3A_1111 = arith.cmpi slt, %jit3A_1098, %sign3A_1110 : i32
      %sign3A_1112 = arith.extui %sign3A_1111 : i1 to i32
      %sign3A_1113 = arith.subi %sign3A_1109, %sign3A_1112 : i32
      %ne3A_1114 = arith.cmpi ne, %sign3A_1106, %sign3A_1113 : i32
      %rem3A_1115 = arith.remsi %add3A_1013, %jit3A_1098 : i32
      %ne3A_1116 = arith.constant 0 : i32
      %ne3A_1117 = arith.cmpi ne, %rem3A_1115, %ne3A_1116 : i32
      %and3A_1118 = arith.andi %ne3A_1114, %ne3A_1117 : i1
      %sub3A_1119 = arith.constant 1 : i32
      %sub3A_1120 = arith.subi %div3A_1099, %sub3A_1119 : i32
      %select_n3A_1121 = arith.select %and3A_1118, %sub3A_1120, %div3A_1099 : i32
      %mul3A_1122 = arith.constant 4 : i32
      %mul3A_1123 = arith.muli %select_n3A_1121, %mul3A_1122 : i32
      %sub3A_1124 = arith.subi %add3A_1013, %mul3A_1123 : i32
      %mul3A_1125 = arith.constant 16 : i32
      %mul3A_1126 = arith.muli %select_n3A_1121, %mul3A_1125 : i32
      %add3A_1127 = arith.addi %mul3A_2, %mul3A_1126 : i32
      %dma_start3A_1128 = arith.constant 1 : i32
      %dma_start3A_1129 = arith.constant 0 : i32
      %dma_start3A_1130 = arith.constant 0 : i32
      %dma_start3A_1131 = tpu.memref_slice %arg5[%dma_start3A_1128, %dma_start3A_1129, %dma_start3A_1130] : memref<2x16x1024xf32, #tpu.memory_space<vmem>> -> memref<1x16x1024xf32, #tpu.memory_space<vmem>>
      %dma_start3A_1132 = tpu.memref_squeeze %dma_start3A_1131 : memref<1x16x1024xf32, #tpu.memory_space<vmem>> -> memref<16x1024xf32, #tpu.memory_space<vmem>>
      %dma_start3A_1133 = arith.constant 0 : i32
      %dma_start3A_1134 = tpu.memref_slice %arg4[%sub3A_1124, %add3A_1127, %dma_start3A_1133] : memref<4x8192x1024xf32, #tpu.memory_space<hbm>> -> memref<1x16x1024xf32, #tpu.memory_space<hbm>>
      %dma_start3A_1135 = tpu.memref_squeeze %dma_start3A_1134 : memref<1x16x1024xf32, #tpu.memory_space<hbm>> -> memref<16x1024xf32, #tpu.memory_space<hbm>>
      %dma_start3A_1136 = arith.constant 0 : i32
      %dma_start3A_1137 = tpu.memref_slice %arg4[%sub3A_1124, %add3A_1127, %dma_start3A_1136] : memref<4x8192x1024xf32, #tpu.memory_space<hbm>> -> memref<1x16x1024xf32, #tpu.memory_space<hbm>>
      %dma_start3A_1138 = tpu.memref_squeeze %dma_start3A_1137 : memref<1x16x1024xf32, #tpu.memory_space<hbm>> -> memref<16x1024xf32, #tpu.memory_space<hbm>>
      %dma_start3A_1139 = arith.constant 0 : i32
      %dma_start3A_1140 = arith.constant 0 : i32
      %dma_start3A_1141 = tpu.memref_slice %arg5[%dma_start3A_1128, %dma_start3A_1139, %dma_start3A_1140] : memref<2x16x1024xf32, #tpu.memory_space<vmem>> -> memref<1x16x1024xf32, #tpu.memory_space<vmem>>
      %dma_start3A_1142 = tpu.memref_squeeze %dma_start3A_1141 : memref<1x16x1024xf32, #tpu.memory_space<vmem>> -> memref<16x1024xf32, #tpu.memory_space<vmem>>
      tpu.enqueue_dma source(%dma_start3A_1142 : memref<16x1024xf32, #tpu.memory_space<vmem>>) target(%dma_start3A_1138 : memref<16x1024xf32, #tpu.memory_space<hbm>>) target_semaphore(%arg10 : memref<!tpu.dma_semaphore, #tpu.memory_space<semaphore_mem>>)
    }
    %scan3A_39 = arith.constant 8 : i32
    %add3A_40 = arith.constant 240 : i32
    %add3A_41 = arith.addi %mul3A_2, %add3A_40 : i32
    %dma_wait3A = arith.constant 1 : i32
    %dma_wait3A_42 = arith.constant 3 : i32
    %dma_wait3A_43 = arith.constant 0 : i32
    %dma_wait3A_44 = arith.constant 0 : i32
    %dma_wait3A_45 = tpu.memref_slice %arg5[%dma_wait3A, %dma_wait3A_43, %dma_wait3A_44] : memref<2x16x1024xf32, #tpu.memory_space<vmem>> -> memref<1x16x1024xf32, #tpu.memory_space<vmem>>
    %dma_wait3A_46 = tpu.memref_squeeze %dma_wait3A_45 : memref<1x16x1024xf32, #tpu.memory_space<vmem>> -> memref<16x1024xf32, #tpu.memory_space<vmem>>
    %dma_wait3A_47 = arith.constant 0 : i32
    %dma_wait3A_48 = tpu.memref_slice %arg4[%dma_wait3A_42, %add3A_41, %dma_wait3A_47] : memref<4x8192x1024xf32, #tpu.memory_space<hbm>> -> memref<1x16x1024xf32, #tpu.memory_space<hbm>>
    %dma_wait3A_49 = tpu.memref_squeeze %dma_wait3A_48 : memref<1x16x1024xf32, #tpu.memory_space<hbm>> -> memref<16x1024xf32, #tpu.memory_space<hbm>>
    %dma_wait3A_50 = arith.constant 0 : i32
    %dma_wait3A_51 = tpu.memref_slice %arg4[%dma_wait3A_42, %add3A_41, %dma_wait3A_50] : memref<4x8192x1024xf32, #tpu.memory_space<hbm>> -> memref<1x16x1024xf32, #tpu.memory_space<hbm>>
    %dma_wait3A_52 = tpu.memref_squeeze %dma_wait3A_51 : memref<1x16x1024xf32, #tpu.memory_space<hbm>> -> memref<16x1024xf32, #tpu.memory_space<hbm>>
    %dma_wait3A_53 = arith.constant 0 : i32
    %dma_wait3A_54 = arith.constant 0 : i32
    %dma_wait3A_55 = tpu.memref_slice %arg5[%dma_wait3A, %dma_wait3A_53, %dma_wait3A_54] : memref<2x16x1024xf32, #tpu.memory_space<vmem>> -> memref<1x16x1024xf32, #tpu.memory_space<vmem>>
    %dma_wait3A_56 = tpu.memref_squeeze %dma_wait3A_55 : memref<1x16x1024xf32, #tpu.memory_space<vmem>> -> memref<16x1024xf32, #tpu.memory_space<vmem>>
    tpu.wait_dma2 semaphore(%arg10 : memref<!tpu.dma_semaphore, #tpu.memory_space<semaphore_mem>>) src(%dma_wait3A_56 : memref<16x1024xf32, #tpu.memory_space<vmem>>) dst(%dma_wait3A_52 : memref<16x1024xf32, #tpu.memory_space<hbm>>)
    return
  }
}

</mosaic_0001>

<sc_bundles>
// kernel: kernel.3.cloned.1.call-start
scs
__scs_entry_jumppad:
0x0: {  	(pc) =	sbr.rel $0x88, $3  }
0x1: {  	(tag) =	ssettag $0x0;
	lr =	simm.s32 $0x1  }
0x2: {  	[smem:$0x3F9F] =	sst lr;
	_ =	strace $0xD0000000  }
0x3: {  	_ = 	snop  }
0x4: {  	_ = 	snop  }
0x5: {  	_ = 	snop  }
0x6: {  	_ = 	snop  }
0x7: {  	_ = 	snop  }
__scs_overlays_trampoline_lowered:
0x8: {  	[smem:$0x3FAE] =	sst s0  }
0x9: {  	[smem:$0x3FAF] =	sst s1  }
0xa: {  	[smem:$0x3FB0] =	sst s2  }
0xb: {  	[smem:$0x3FB1] =	sst s3  }
0xc: {  	[smem:$0x3FB2] =	sst s4  }
0xd: {  	[smem:$0x3FB3] =	sst s5  }
0xe: {  	[smem:$0x3FB4] =	sst s6  }
0xf: {  	[smem:$0x3FB5] =	sst s7  }
0x10: {  	[smem:$0x3FB6] =	sst s8  }
0x11: {  	[smem:$0x3FB7] =	sst s9;
	s0 =	simm.s32 @!p0 $0x0  }
0x12: {  	s1 =	sld [smem:$0x3F9D];
	s0 =	simm.s32 @p0 $0x1  }
0x13: {  	[smem:$0x3FB8] =	sst s0;
	s0 =	simm.s32 @!p1 $0x0  }
0x14: {  	s2 =	sld [smem:$0x3F9C];
	s0 =	simm.s32 @p1 $0x1  }
0x15: {  	[smem:$0x3FB9] =	sst s0;
	s0 =	simm.s32 @!p2 $0x0  }
0x16: {  	s3 =	sld [smem:$0x3FDB];
	s0 =	simm.s32 @p2 $0x1  }
0x17: {  	s4 =	simm.s32 $0x1BF5;
	[smem:$0x3FBB] =	sst s0  }
0x18: {  	s0 =	sld [smem:$0x3F9E];
	_ =	swait.ge [sflag:s4], $0x0  }
0x19: {  	s7 =	sld [smem:$0x3F9F]  }
0x1a: {  	s8 =	sadd.s32 $0xFFFFE003, lr  }
0x1b: {  	s9 =	sadd.s32 $0xFFFFFEF7, lr;
	s5 =	simm.s32 $0xFFFFFFFF;
	p2 =	slt.u32 s8, $0xFFFFF086  }
0x1c: {  	p1 =	slt.u32 s9, $0xF7A;
	s5 =	simm.s32 @!p2 $0x0  }
0x1d: {  	s5 =	simm.s32 @p1 $0x1;
	p0 =	seq.s32 s7, s2  }
0x1e: {  	s7 =	smul.u32 @!p0 $0xF7A, s2;
	p2 =	seq.s32 @!p0 s5, $0x0  }
0x1f: {  	s9 =	smul.u32 $0xF7A, s1;
	s8 =	simm.s32 @!p0 $0x1BF5;
	p2 =	por !p2, p0  }
0x20: {  	[sflag:s8] =	ssyncset.s32 @!p0 $0xFFFFF086;
	s6 =	sadd.s32 @!p0 s3, s7;
	s7 =	simm.s32 @!p0 $0x108  }
0x21: {  	s3 =	sadd.s32 s3, s9;
	s6 =	sadd.s32 @!p0 $0x88, s6;
	s7 =	simm.s32 @p2 $0x1082  }
0x22: {  	[simem:s7], [sflag:s8] =	dma.local @!p0 [hbm:s6], $0xF7A  }
0x23: {  	s9 =	sor.u32 $0xD0000000, s2;
	s6 =	simm.s32 $0x108;
	_ =	swait.ge @!p0 [sflag:s8], $0x0  }
0x24: {  	s3 =	sadd.s32 $0x88, s3;
	s6 =	simm.s32 @!p1 $0x1082;
	[sflag:s4] =	ssyncset.s32 $0xFFFFF086  }
0x25: {  	[simem:s6], [sflag:s4] =	dma.local [hbm:s3], $0xF7A  }
0x26: {  	[smem:$0x3F9F] =	sst s1;
	(tag) =	ssettag s2;
	_ =	strace s9  }
0x27: {  	s1 =	sld [smem:$0x3FAF]  }
0x28: {  	s2 =	sld [smem:$0x3FB0]  }
0x29: {  	s4 =	sld [smem:$0x3FB2]  }
0x2a: {  	p0 =	seq.s32 s5, $0x0;
	s5 =	sld [smem:$0x3FB3]  }
0x2b: {  	s6 =	sld [smem:$0x3FB4]  }
0x2c: {  	s7 =	sld [smem:$0x3FB5]  }
0x2d: {  	s3 =	simm.s32 $0x108;
	s8 =	sld [smem:$0x3FB6]  }
0x2e: {  	s3 =	simm.s32 @!p0 $0x1082;
	s9 =	sld [smem:$0x3FB7]  }
0x2f: {  	lr =	sadd.s32 s0, s3;
	s0 =	sld [smem:$0x3FAE]  }
0x30: {  	s3 =	sld [smem:$0x3FB1]  }
0x31: {  	[smem:$0x3FBA] =	sst s10  }
0x32: {  	s10 =	sld [smem:$0x3FB8];
	_ =	sdelay $0x3  }
0x33: {  	p0 =	seq.s32 s10, $0x1;
	s10 =	sld [smem:$0x3FBA];
	_ =	sdelay $0x3  }
0x34: {  	[smem:$0x3FBA] =	sst s10  }
0x35: {  	s10 =	sld [smem:$0x3FB9];
	_ =	sdelay $0x3  }
0x36: {  	p1 =	seq.s32 s10, $0x1;
	s10 =	sld [smem:$0x3FBA];
	_ =	sdelay $0x3  }
0x37: {  	[smem:$0x3FBA] =	sst s10  }
0x38: {  	s10 =	sld [smem:$0x3FBB]  }
0x39: {  	_ = 	snop;
	(pc) =	sbr.ind lr, $3  }
0x3a: {  	_ = 	snop  }
0x3b: {  	_ = 	snop  }
0x3c: {  	p2 =	seq.s32 s10, $0x1;
	s10 =	sld [smem:$0x3FBA]  }
0x3d: {  	_ =	shalt  }
0x3e: {  	_ =	shalt  }
0x3f: {  	_ =	shalt  }
0x40: {  	_ =	shalt  }
0x41: {  	_ =	shalt  }
0x42: {  	_ =	shalt  }
0x43: {  	_ =	shalt  }
0x44: {  	_ =	shalt  }
0x45: {  	_ =	shalt  }
0x46: {  	_ =	shalt  }
0x47: {  	_ =	shalt  }
0x48: {  	_ =	shalt  }
0x49: {  	_ =	shalt  }
0x4a: {  	_ =	shalt  }
0x4b: {  	_ =	shalt  }
0x4c: {  	_ =	shalt  }
0x4d: {  	_ =	shalt  }
0x4e: {  	_ =	shalt  }
0x4f: {  	_ =	shalt  }
0x50: {  	_ =	shalt  }
0x51: {  	_ =	shalt  }
0x52: {  	_ =	shalt  }
0x53: {  	_ =	shalt  }
0x54: {  	_ =	shalt  }
0x55: {  	_ =	shalt  }
0x56: {  	_ =	shalt  }
0x57: {  	_ =	shalt  }
0x58: {  	_ =	shalt  }
0x59: {  	_ =	shalt  }
0x5a: {  	_ =	shalt  }
0x5b: {  	_ =	shalt  }
0x5c: {  	_ =	shalt  }
0x5d: {  	_ =	shalt  }
0x5e: {  	_ =	shalt  }
0x5f: {  	_ =	shalt  }
0x60: {  	_ =	shalt  }
0x61: {  	_ =	shalt  }
0x62: {  	_ =	shalt  }
0x63: {  	_ =	shalt  }
0x64: {  	_ =	shalt  }
0x65: {  	_ =	shalt  }
0x66: {  	_ =	shalt  }
0x67: {  	_ =	shalt  }
0x68: {  	_ =	shalt  }
0x69: {  	_ =	shalt  }
0x6a: {  	_ =	shalt  }
0x6b: {  	_ =	shalt  }
0x6c: {  	_ =	shalt  }
0x6d: {  	_ =	shalt  }
0x6e: {  	_ =	shalt  }
0x6f: {  	_ =	shalt  }
0x70: {  	_ =	shalt  }
0x71: {  	_ =	shalt  }
0x72: {  	_ =	shalt  }
0x73: {  	_ =	shalt  }
0x74: {  	_ =	shalt  }
0x75: {  	_ =	shalt  }
0x76: {  	_ =	shalt  }
0x77: {  	_ =	shalt  }
0x78: {  	_ =	shalt  }
0x79: {  	_ =	shalt  }
0x7a: {  	_ =	shalt  }
0x7b: {  	_ =	shalt  }
0x7c: {  	_ =	shalt  }
0x7d: {  	_ =	shalt  }
0x7e: {  	_ =	shalt  }
0x7f: {  	_ =	shalt  }
0x80: {  	_ =	shalt  }
0x81: {  	_ =	shalt  }
0x82: {  	_ =	shalt  }
0x83: {  	_ =	shalt  }
0x84: {  	_ =	shalt  }
0x85: {  	_ =	shalt  }
0x86: {  	_ =	shalt  }
0x87: {  	_ =	shalt  }
.Lfunc_end0:
.L_simem_size_0:
called_computation_lowered:
.L_overlay_start_0:
0x88: {  	s2 =	sld [smem:$0x3FD9]  }
0x89: {  	s3 =	sld [smem:$0x3FFE];
	_ =	sdelay $0x1  }
0x8a: {  	s1 =	srdreg.scid  }
0x8b: {  	s0 =	sand.u32 $0x1, s1  }
0x8c: {  	s18 =	sshll.u32 s0, $0xA;
	s2 =	sadd.s32 s3, s2  }
0x8d: {  	s2 =	sadd.s32 s2, s18  }
0x8e: {  	[smem:$0x3FC6] =	sst s2  }
0x8f: {  	_ = 	snop  }
0x90: {  	s2 =	sld [smem:$0x3FC9]  }
0x91: {  	s19 =	sld [smem:$0x3FC8]  }
0x92: {  	s4 =	sld [smem:$0x3FD0];
	(tm) =	ssettm $0x1  }
0x93: {  	s5 =	sld [smem:$0x3FFB];
	_ =	sdelay $0x3  }
0x94: {  	_ =	strace s5  }
0x95: {  	s5 =	sld [smem:$0x3FFC];
	_ =	sdelay $0x3  }
0x96: {  	_ =	strace s5  }
0x97: {  	s5 =	sld [smem:$0x3FFD];
	_ =	sdelay $0x3  }
0x98: {  	_ =	strace s5  }
0x99: {  	_ =	strace $0x8FFFFFFF  }
0x9a: {  	s20 =	sld [smem:$0x3FDB];
	_ =	sdelay $0x1  }
0x9b: {  	s6 =	simm.s32 $_scs_section_size  }
0x9c: {  	s7 =	simm.s32 $_size__tile_overlayer_lowered;
	s8 =	simm.s32 $_tile_overlayer_lowered  }
0x9d: {  	s23 =	simm.s32 $0x1BFF;
	s22 =	sshll.u32 s8, $0x1;
	s5 =	sadd.s32 s6, s20  }
0x9e: {  	s9 =	simm.s32 $0x0;
	s21 =	sshll.u32 s7, $0x1;
	s7 =	sadd.s32 s22, s5  }
0x9f: {  	[timem:s9], [sflag:s23] =	dma.local [hbm:s7], s21  }
0xa0: {  	_ =	swait.ge [sflag:s23], s21  }
0xa1: {  	s6 =	ssub.s32 $0x0, s21;
	[sflag:s23] =	ssyncset.done $0x0  }
0xa2: {  	[sflag:s23] =	ssyncadd.s32 s6;
	_ =	sdelay $0x1  }
0xa3: {  	s24 =	simm.s32 $0x1B8B  }
0xa4: {  	_ =	swait.ge [sflag:s24], $0x1  }
0xa5: {  	[sflag:s24] =	ssyncset.done $0x0  }
0xa6: {  	s25 =	simm.s32 $0x1B8E;
	[sflag:s24] =	ssyncadd.s32 $0xFFFFFFFF  }
0xa7: {  	s26 =	simm.s32 $execute0_lowered;
	[smem:$0x3FD2] =	sst s25  }
0xa8: {  	s6 =	sshll.u32 s26, $0x1;
	_ =	strace $0x80000046;
	[dreg:$0x1] =	wrdreg $0xFFFFFFFF  }
0xa9: {  	s28 =	simm.s32 $_size_execute0_lowered;
	s5 =	sadd.s32 s5, s6;
	[dreg:$0x0] =	wrdreg $0x0  }
0xaa: {  	s6 =	sshll.u32 s28, $0x1;
	[dreg:$0x2] =	wrdreg s5  }
0xab: {  	[dreg:$0x3] =	wrdreg s6  }
0xac: {  	[dreg:$0x4] =	wrdreg $0xC0  }
0xad: {  	_ =	task [dreg:s9], $0x5FFFF  }
0xae: {  	[dreg:$0x1] =	wrdreg $0xFFFFFFFF  }
0xaf: {  	[dreg:$0x0] =	wrdreg $0x60  }
0xb0: {  	[dreg:$0x2] =	wrdreg s2  }
0xb1: {  	[dreg:$0x3] =	wrdreg s19  }
0xb2: {  	[dreg:$0x4] =	wrdreg s4  }
0xb3: {  	[dreg:$0x5] =	wrdreg $0x9  }
0xb4: {  	_ =	task.clear_ibuf [dreg:s9], $0x6FFFF;
	_ =	strace $0x90000046  }
0xb5: {  	s29 =	simm.s32 $0x9;
	_ =	strace $0x80000048  }
0xb6: {  	_ =	swait.ge [sflag:s29], $0x1  }
0xb7: {  	[sflag:s29] =	ssyncadd.s32 $0xFFFFFFFF  }
0xb8: {  	_ =	strace $0x90000048  }
0xb9: {  	_ =	sfence  }
0xba: {  	s30 =	sld [smem:$0x0];
	_ =	sdelay $0x2  }
0xbb: {  	s31 =	sshll.u32 s1, $0xD;
	s1 =	sshrl.u32 s1, $0x2  }
0xbc: {  	s3 =	sand.u32 $0x4000, s31;
	s1 =	sadd.s32 s1, s30  }
0xbd: {  	s0 =	sor.u32 s3, s0;
	s1 =	sshll.u32 s1, $0x11  }
0xbe: {  	s0 =	sor.u32 s1, s0  }
0xbf: {  	s0 =	sadd.s32 $0x8F2B, s0  }
0xc0: {  	[sflag:s0] =	ssyncadd.remote.s32 $0x1  }
0xc1: {  	_ =	sfence.sel $0xFFFF  }
0xc2: {  	[dreg:$0x0] =	wrdreg $0xFFFFFFFF;
	(pc) =	sbr.abs _section_cstart, $3  }
0xc3: {  	[dreg:$0x1] =	wrdreg $0xFFFFFFFF  }
0xc4: {  	_ =	task.clear_ibuf [dreg:s9], $0x2FFFF;
	_ =	strace $0x9FFFFFFF  }
0xc5: {  	(tm) =	ssettm $0x7FFFFFFF  }
tec
execute0_lowered:
.L_overlay_start_1:
0x0: {  	(tag) =	ssettag $0x1  }
0x1: {  	s1 =	rddreg [dreg:$0x0]  }
0x2: {  	s0 =	rddreg [dreg:$0x1]  }
0x3: {  	s3 =	rddreg [dreg:$0x2]  }
0x4: {  	s2 =	srdreg.scid;
	s5 =	stileid.u32  }
0x5: {  	s4 =	simm.s32 $0x0;
	s14 =	simm.s32 $0xC000;
	s15 =	simm.s32 $0x5  }
0x6: {  	s16 =	simm.s32 $0x1;
	s17 =	simm.s32 $0x4000;
	s18 =	simm.s32 $0x2  }
0x7: {  	s19 =	simm.s32 $0x3;
	s20 =	simm.s32 $0x4;
	s2 =	sand.u32 $0x1, s2  }
0x8: {  	s21 =	simm.s32 $0x6;
	s5 =	sshll.u32 s5, $0x9;
	s6 =	sshll.u32 s2, $0x8  }
0x9: {  	[smem:$0x7FF] =	sst s4;
	s2 =	ssub.s32 $0x2, s2;
	s7 =	sor.u32 s6, s5  }
0xa: {  	_ =	strace $0x80000047;
	s29 =	sshrl.u32 s2, $0x1;
	s5 =	sshll.u32 s7, $0x7  }
0xb: {  	s2 =	ssub.s32 s2, s29;
	s9 =	sshll.u32 s7, $0xA;
	s8 =	sadd.s32 s0, s5  }
0xc: {  	s30 =	sadd.s32 s1, s5;
	s31 =	smax.u32 s2, $0x1;
	[dreg:$0x5] =	wrdreg s8  }
0xd: {  	s2 =	simm.s32 $0x0;
	s8 =	sadd.s32 $0x800, s0;
	[dreg:$0x4] =	wrdreg s30  }
0xe: {  	s10 =	sadd.s32 $0x1000, s30;
	[dreg:$0x6] =	wrdreg s31;
	s12 =	sadd.s32 s5, s8  }
.LBB2_1:
0xf: {  	[dreg:$0x7] =	wrdreg s2  }
0x10: {  	s0 =	rddreg [dreg:$0x4]  }
0x11: {  	[tilespmem:s4], [sflag:$0x1] =	stream.linear.gather [hbm4b:s0+s4], $0x4000, $0x38;
	[tilespmem:$0x10000] =	vst v63  }
0x12: {  	s30 =	rddreg [dreg:$0x5];
	s31 =	simm.s32 $0x8000;
	s23 =	simm.s32 $0x0  }
0x13: {  	[tilespmem:s31], [sflag:$0x5] =	stream.linear.gather [hbm4b:s30+s4], $0x4000, $0x38;
	[tilespmem:$0x10000] =	vst v63  }
.LBB2_2:
0x14: {  	s24 =	sshll.u32 s23, $0xC  }
0x15: {  	s30 =	sor.u32 s5, s24  }
0x16: {  	s0 =	sadd.s32 s30, s8  }
0x17: {  	[tilespmem:s14], [sflag:$0x6] =	stream.linear.gather [hbm4b:s0+s4], $0x4000, $0x38;
	[tilespmem:$0x10000] =	vst v63  }
0x18: {  	_ =	swait.ge [sflag:s15], $0x4000  }
0x19: {  	[sflag:s15] =	ssyncset.done $0x0  }
0x1a: {  	p0 =	seq.s32 s23, $0x0;
	[sflag:s15] =	ssyncadd.s32 $0xFFFFC000  }
0x1b: {  	s25 =	sshll.u32 s23, $0xF;
	s31 =	simm.s32 $0x0;
	_ =	swait.ge [sflag:s16], $0x4000  }
0x1c: {  	s22 =	simm.s32 $0x0;
	s7 =	simm.s32 $0x0;
	[sflag:s16] =	ssyncset.done $0x0  }
0x1d: {  	s2 =	sadd.s32 s9, s25;
	s0 =	simm.s32 @!p0 $0x4;
	[sflag:s16] =	ssyncadd.s32 $0xFFFFC000  }
0x1e: {  	s13 =	sand.u32 $0xFFFFE000, s31;
	s28 =	sshrl.u32 s2, $0x3;
	_ =	swait.ge @!p0 [sflag:s0], $0x4000  }
0x1f: {  	s2 =	sand.u32 $0x380, s22;
	s29 =	sor.u32 $0x100000, s28;
	[sflag:s0] =	ssyncset.done @!p0 $0x0  }
0x20: {  	s11 =	sadd.s32 s1, s29;
	[sflag:s0] =	ssyncadd.s32 @!p0 $0xFFFFC000;
	s0 =	sadd.s32 $0x0, s13  }
0x21: {  	[tilespmem:s17], [sflag:$0x2] =	stream.linear.gather [hbm4b:s11+s31], $0x4000, $0x38;
	[tilespmem:$0x10000] =	vst v63  }
0x22: {  	s26 =	sand.u32 $0xFFFFE000, s7;
	s0 =	sadd.s32 s2, s0  }
0x23: {  	s0 =	ssub.s32 s0, s26  }
0x24: {  	v0 =	vld [tilespmem:s0+$0x8070]  }
0x25: {  	v5 =	vld [tilespmem:s0+$0x8000]  }
0x26: {  	v6 =	vld [tilespmem:s0+$0x8010]  }
0x27: {  	v4 =	vld [tilespmem:s0+$0x8020]  }
0x28: {  	v2 =	vld [tilespmem:s0+$0x8030]  }
0x29: {  	v3 =	vld [tilespmem:s0+$0x8040]  }
0x2a: {  	v1 =	vld [tilespmem:s0+$0x8060]  }
0x2b: {  	[tilespmem:s0+$0x70] =	vst.add.f32.msk $0xffff, v0  }
0x2c: {  	v0 =	vld [tilespmem:s0+$0x8050]  }
0x2d: {  	[tilespmem:s0+$0x0] =	vst.add.f32.msk $0xffff, v5  }
0x2e: {  	s7 =	simm.s32 $0x80;
	s2 =	simm.s32 $0x0;
	s26 =	sshll.u32 s23, $0x3;
	[tilespmem:s0+$0x10] =	vst.add.f32.msk $0xffff, v6  }
.LBB2_3:
0x2f: {  	s13 =	sshll.u32 s7, $0x3;
	[tilespmem:s0+$0x20] =	vst.add.f32.msk $0xffff, v4;
	s31 =	sadd.s32 $0x400, s31  }
0x30: {  	s11 =	sand.u32 $0xFFFFE000, s7;
	s6 =	sshrl.u32 s7, $0x3;
	s2 =	sadd.s32 $0x80, s2;
	[tilespmem:s0+$0x30] =	vst.add.f32.msk $0xffff, v2  }
0x31: {  	s11 =	sadd.s32 s11, s31;
	s6 =	sand.u32 $0x380, s6;
	p0 =	slt.u32 s2, $0x3F80;
	[tilespmem:s0+$0x40] =	vst.add.f32.msk $0xffff, v3  }
0x32: {  	s6 =	sadd.s32 s6, s11;
	s11 =	sand.u32 $0xFFFFE000, s13;
	[tilespmem:s0+$0x50] =	vst.add.f32.msk $0xffff, v0  }
0x33: {  	[tilespmem:s0+$0x60] =	vst.add.f32.msk $0xffff, v1;
	s0 =	ssub.s32 s6, s11  }
0x34: {  	v0 =	vld [tilespmem:s0+$0x8070]  }
0x35: {  	v5 =	vld [tilespmem:s0+$0x8000]  }
0x36: {  	v6 =	vld [tilespmem:s0+$0x8010]  }
0x37: {  	v4 =	vld [tilespmem:s0+$0x8020]  }
0x38: {  	v2 =	vld [tilespmem:s0+$0x8030]  }
0x39: {  	[tilespmem:s0+$0x70] =	vst.add.f32.msk $0xffff, v0  }
.Ltmp0:
0x3a: {  	v3 =	vld [tilespmem:s0+$0x8040];
	(pc) =	sbr.rel @p0 .LBB2_3-.Ltmp0, $4  }
0x3b: {  	v0 =	vld [tilespmem:s0+$0x8050]  }
0x3c: {  	v1 =	vld [tilespmem:s0+$0x8060]  }
0x3d: {  	[tilespmem:s0+$0x0] =	vst.add.f32.msk $0xffff, v5  }
0x3e: {  	s7 =	sadd.s32 $0x80, s7;
	[tilespmem:s0+$0x10] =	vst.add.f32.msk $0xffff, v6  }
0x3f: {  	[tilespmem:s0+$0x20] =	vst.add.f32.msk $0xffff, v4  }
0x40: {  	[tilespmem:s0+$0x30] =	vst.add.f32.msk $0xffff, v2  }
0x41: {  	[tilespmem:s0+$0x40] =	vst.add.f32.msk $0xffff, v3  }
0x42: {  	[tilespmem:s0+$0x50] =	vst.add.f32.msk $0xffff, v0  }
0x43: {  	s7 =	sadd.s32 s3, s30;
	s31 =	simm.s32 $0x0;
	[tilespmem:s0+$0x60] =	vst.add.f32.msk $0xffff, v1  }
0x44: {  	[hbm4b:s7+s31] =	stream.linear.scatter [tilespmem:s31], [sflag:$0x3], $0x4000, $0x38;
	[tilespmem:$0x10000] =	vst v63  }
0x45: {  	s13 =	simm.s32 $0x0;
	s2 =	simm.s32 $0x0;
	_ =	swait.ge [sflag:s18], $0x4000  }
0x46: {  	s2 =	sand.u32 $0xFFFF8000, s2;
	s0 =	sand.u32 $0xFFFF8000, s13;
	[sflag:s18] =	ssyncset.done $0x0  }
0x47: {  	s30 =	sor.u32 $0x200000, s28;
	s0 =	ssub.s32 s0, s2;
	[sflag:s18] =	ssyncadd.s32 $0xFFFFC000  }
0x48: {  	s22 =	simm.s32 $0x0;
	s0 =	sshra.s32 s0, $0x2;
	_ =	swait.ge [sflag:s19], $0x4000  }
0x49: {  	s2 =	sand.u32 $0x380, s22;
	s6 =	sadd.s32 $0x8040, s0;
	[sflag:s19] =	ssyncset.done $0x0  }
0x4a: {  	s11 =	sadd.s32 s1, s30;
	s6 =	sadd.s32 s2, s6;
	[sflag:s19] =	ssyncadd.s32 $0xFFFFC000  }
0x4b: {  	[tilespmem:s31], [sflag:$0x1] =	stream.linear.gather [hbm4b:s11+s31], $0x4000, $0x38;
	[tilespmem:$0x10000] =	vst v63  }
0x4c: {  	v0 =	vld [tilespmem:s6+$0x30]  }
0x4d: {  	v6 =	vld [tilespmem:s6+$0xFFFFFFC0]  }
0x4e: {  	v2 =	vld [tilespmem:s6+$0xFFFFFFD0]  }
0x4f: {  	v3 =	vld [tilespmem:s6+$0xFFFFFFE0]  }
0x50: {  	v4 =	vld [tilespmem:s6+$0xFFFFFFF0]  }
0x51: {  	s0 =	sadd.s32 $0x0, s0;
	v5 =	vld [tilespmem:s6+$0x0]  }
0x52: {  	s0 =	sadd.s32 s2, s0;
	v1 =	vld [tilespmem:s6+$0x10]  }
0x53: {  	[tilespmem:s0+$0x4070] =	vst.add.f32.msk $0xffff, v0  }
0x54: {  	v0 =	vld [tilespmem:s6+$0x20]  }
0x55: {  	s13 =	simm.s32 $0x0;
	s7 =	simm.s32 $0x80;
	s2 =	simm.s32 $0x8040;
	[tilespmem:s0+$0x4000] =	vst.add.f32.msk $0xffff, v6  }
.LBB2_5:
0x56: {  	s6 =	sshll.u32 s7, $0x2;
	s11 =	sshll.u32 s7, $0x5;
	s13 =	sadd.s32 $0x80, s13;
	[tilespmem:s0+$0x4010] =	vst.add.f32.msk $0xffff, v2  }
0x57: {  	s6 =	sand.u32 $0xFFFF8000, s6;
	s11 =	sand.u32 $0xFFFF8000, s11;
	p0 =	slt.u32 s13, $0x3F80;
	[tilespmem:s0+$0x4020] =	vst.add.f32.msk $0xffff, v3  }
0x58: {  	s6 =	ssub.s32 s6, s11;
	[tilespmem:s0+$0x4030] =	vst.add.f32.msk $0xffff, v4  }
0x59: {  	s2 =	sadd.s32 $0x400, s2;
	s11 =	sshrl.u32 s7, $0x3;
	s6 =	sshra.s32 s6, $0x2;
	[tilespmem:s0+$0x4040] =	vst.add.f32.msk $0xffff, v5  }
0x5a: {  	s11 =	sand.u32 $0x380, s11;
	s22 =	sadd.s32 s6, s2;
	[tilespmem:s0+$0x4050] =	vst.add.f32.msk $0xffff, v1  }
0x5b: {  	s22 =	sadd.s32 s11, s22;
	[tilespmem:s0+$0x4060] =	vst.add.f32.msk $0xffff, v0  }
0x5c: {  	v0 =	vld [tilespmem:s22+$0x30]  }
0x5d: {  	v6 =	vld [tilespmem:s22+$0xFFFFFFC0]  }
0x5e: {  	s31 =	sadd.s32 $0x400, s31;
	v2 =	vld [tilespmem:s22+$0xFFFFFFD0]  }
0x5f: {  	s0 =	sadd.s32 s6, s31;
	v3 =	vld [tilespmem:s22+$0xFFFFFFE0]  }
0x60: {  	s0 =	sadd.s32 s11, s0;
	v4 =	vld [tilespmem:s22+$0xFFFFFFF0]  }
.Ltmp1:
0x61: {  	[tilespmem:s0+$0x4070] =	vst.add.f32.msk $0xffff, v0;
	(pc) =	sbr.rel @p0 .LBB2_5-.Ltmp1, $4  }
0x62: {  	v5 =	vld [tilespmem:s22+$0x0]  }
0x63: {  	v1 =	vld [tilespmem:s22+$0x10]  }
0x64: {  	v0 =	vld [tilespmem:s22+$0x20]  }
0x65: {  	s7 =	sadd.s32 $0x80, s7;
	[tilespmem:s0+$0x4000] =	vst.add.f32.msk $0xffff, v6  }
0x66: {  	[tilespmem:s0+$0x4010] =	vst.add.f32.msk $0xffff, v2  }
0x67: {  	[tilespmem:s0+$0x4020] =	vst.add.f32.msk $0xffff, v3  }
0x68: {  	[tilespmem:s0+$0x4030] =	vst.add.f32.msk $0xffff, v4  }
0x69: {  	[tilespmem:s0+$0x4040] =	vst.add.f32.msk $0xffff, v5  }
0x6a: {  	[tilespmem:s0+$0x4050] =	vst.add.f32.msk $0xffff, v1  }
0x6b: {  	s11 =	sadd.s32 s3, s29;
	s29 =	simm.s32 $0x0;
	[tilespmem:s0+$0x4060] =	vst.add.f32.msk $0xffff, v0  }
0x6c: {  	[hbm4b:s11+s29] =	stream.linear.scatter [tilespmem:s17], [sflag:$0x4], $0x4000, $0x38;
	[tilespmem:$0x10000] =	vst v63  }
0x6d: {  	_ =	swait.ge [sflag:s16], $0x4000  }
0x6e: {  	s28 =	sor.u32 $0x300000, s28;
	s2 =	simm.s32 $0x0;
	[sflag:s16] =	ssyncset.done $0x0  }
0x6f: {  	s6 =	simm.s32 $0x0;
	s22 =	sand.u32 $0xFFFFE000, s29;
	[sflag:s16] =	ssyncadd.s32 $0xFFFFC000  }
0x70: {  	s2 =	sand.u32 $0x380, s2;
	s0 =	sadd.s32 $0x0, s22;
	_ =	swait.ge [sflag:s20], $0x4000  }
0x71: {  	s31 =	sand.u32 $0xFFFFE000, s6;
	s0 =	sadd.s32 s2, s0;
	[sflag:s20] =	ssyncset.done $0x0  }
0x72: {  	s13 =	sadd.s32 s1, s28;
	s0 =	ssub.s32 s0, s31;
	[sflag:s20] =	ssyncadd.s32 $0xFFFFC000  }
0x73: {  	[tilespmem:s17], [sflag:$0x2] =	stream.linear.gather [hbm4b:s13+s29], $0x4000, $0x38;
	[tilespmem:$0x10000] =	vst v63  }
0x74: {  	v0 =	vld [tilespmem:s0+$0x8070]  }
0x75: {  	v5 =	vld [tilespmem:s0+$0x8000]  }
0x76: {  	v6 =	vld [tilespmem:s0+$0x8010]  }
0x77: {  	v4 =	vld [tilespmem:s0+$0x8020]  }
0x78: {  	v2 =	vld [tilespmem:s0+$0x8030]  }
0x79: {  	v3 =	vld [tilespmem:s0+$0x8040]  }
0x7a: {  	v1 =	vld [tilespmem:s0+$0x8060]  }
0x7b: {  	[tilespmem:s0+$0x70] =	vst.add.f32.msk $0xffff, v0  }
0x7c: {  	v0 =	vld [tilespmem:s0+$0x8050]  }
0x7d: {  	[tilespmem:s0+$0x0] =	vst.add.f32.msk $0xffff, v5  }
0x7e: {  	s7 =	simm.s32 $0x80;
	s2 =	simm.s32 $0x0;
	[tilespmem:s0+$0x10] =	vst.add.f32.msk $0xffff, v6  }
.LBB2_7:
0x7f: {  	s6 =	sshll.u32 s7, $0x3;
	[tilespmem:s0+$0x20] =	vst.add.f32.msk $0xffff, v4;
	s29 =	sadd.s32 $0x400, s29  }
0x80: {  	s11 =	sand.u32 $0xFFFFE000, s7;
	s13 =	sshrl.u32 s7, $0x3;
	s2 =	sadd.s32 $0x80, s2;
	[tilespmem:s0+$0x30] =	vst.add.f32.msk $0xffff, v2  }
0x81: {  	s11 =	sadd.s32 s11, s29;
	s13 =	sand.u32 $0x380, s13;
	p0 =	slt.u32 s2, $0x3F80;
	[tilespmem:s0+$0x40] =	vst.add.f32.msk $0xffff, v3  }
0x82: {  	s6 =	sand.u32 $0xFFFFE000, s6;
	s11 =	sadd.s32 s13, s11;
	[tilespmem:s0+$0x50] =	vst.add.f32.msk $0xffff, v0  }
0x83: {  	[tilespmem:s0+$0x60] =	vst.add.f32.msk $0xffff, v1;
	s0 =	ssub.s32 s11, s6  }
0x84: {  	v0 =	vld [tilespmem:s0+$0x8070]  }
0x85: {  	v5 =	vld [tilespmem:s0+$0x8000]  }
0x86: {  	v6 =	vld [tilespmem:s0+$0x8010]  }
0x87: {  	v4 =	vld [tilespmem:s0+$0x8020]  }
0x88: {  	v2 =	vld [tilespmem:s0+$0x8030]  }
0x89: {  	[tilespmem:s0+$0x70] =	vst.add.f32.msk $0xffff, v0  }
.Ltmp2:
0x8a: {  	v3 =	vld [tilespmem:s0+$0x8040];
	(pc) =	sbr.rel @p0 .LBB2_7-.Ltmp2, $4  }
0x8b: {  	v0 =	vld [tilespmem:s0+$0x8050]  }
0x8c: {  	v1 =	vld [tilespmem:s0+$0x8060]  }
0x8d: {  	[tilespmem:s0+$0x0] =	vst.add.f32.msk $0xffff, v5  }
0x8e: {  	s7 =	sadd.s32 $0x80, s7;
	[tilespmem:s0+$0x10] =	vst.add.f32.msk $0xffff, v6  }
0x8f: {  	[tilespmem:s0+$0x20] =	vst.add.f32.msk $0xffff, v4  }
0x90: {  	[tilespmem:s0+$0x30] =	vst.add.f32.msk $0xffff, v2  }
0x91: {  	[tilespmem:s0+$0x40] =	vst.add.f32.msk $0xffff, v3  }
0x92: {  	s7 =	sadd.s32 s3, s30;
	[tilespmem:s0+$0x50] =	vst.add.f32.msk $0xffff, v0  }
0x93: {  	s31 =	simm.s32 $0x0;
	s29 =	sor.u32 $0x4, s26;
	s13 =	simm.s32 $0x0;
	[tilespmem:s0+$0x60] =	vst.add.f32.msk $0xffff, v1  }
0x94: {  	[hbm4b:s7+s31] =	stream.linear.scatter [tilespmem:s31], [sflag:$0x3], $0x4000, $0x38;
	[tilespmem:$0x10000] =	vst v63  }
0x95: {  	s2 =	simm.s32 $0x0;
	s22 =	simm.s32 $0x0;
	_ =	swait.ge [sflag:s18], $0x4000  }
0x96: {  	s2 =	sand.u32 $0xFFFF8000, s2;
	s0 =	sand.u32 $0xFFFF8000, s13;
	[sflag:s18] =	ssyncset.done $0x0  }
0x97: {  	s30 =	sshll.u32 s29, $0x9;
	s0 =	ssub.s32 s0, s2;
	[sflag:s18] =	ssyncadd.s32 $0xFFFFC000  }
0x98: {  	s26 =	sadd.s32 s5, s30;
	s0 =	sshra.s32 s0, $0x2;
	_ =	swait.ge [sflag:s19], $0x4000  }
0x99: {  	s2 =	sand.u32 $0x380, s22;
	s6 =	sadd.s32 $0x8040, s0;
	[sflag:s19] =	ssyncset.done $0x0  }
0x9a: {  	s11 =	sadd.s32 s1, s26;
	s6 =	sadd.s32 s2, s6;
	[sflag:s19] =	ssyncadd.s32 $0xFFFFC000  }
0x9b: {  	[tilespmem:s31], [sflag:$0x1] =	stream.linear.gather [hbm4b:s11+s31], $0x4000, $0x38;
	[tilespmem:$0x10000] =	vst v63  }
0x9c: {  	v0 =	vld [tilespmem:s6+$0x30]  }
0x9d: {  	v6 =	vld [tilespmem:s6+$0xFFFFFFC0]  }
0x9e: {  	v2 =	vld [tilespmem:s6+$0xFFFFFFD0]  }
0x9f: {  	v3 =	vld [tilespmem:s6+$0xFFFFFFE0]  }
0xa0: {  	v4 =	vld [tilespmem:s6+$0xFFFFFFF0]  }
0xa1: {  	s0 =	sadd.s32 $0x0, s0;
	v5 =	vld [tilespmem:s6+$0x0]  }
0xa2: {  	s0 =	sadd.s32 s2, s0;
	v1 =	vld [tilespmem:s6+$0x10]  }
0xa3: {  	[tilespmem:s0+$0x4070] =	vst.add.f32.msk $0xffff, v0  }
0xa4: {  	v0 =	vld [tilespmem:s6+$0x20]  }
0xa5: {  	s13 =	simm.s32 $0x0;
	s7 =	simm.s32 $0x80;
	s2 =	simm.s32 $0x8040;
	[tilespmem:s0+$0x4000] =	vst.add.f32.msk $0xffff, v6  }
.LBB2_9:
0xa6: {  	s6 =	sshll.u32 s7, $0x2;
	s11 =	sshll.u32 s7, $0x5;
	s13 =	sadd.s32 $0x80, s13;
	[tilespmem:s0+$0x4010] =	vst.add.f32.msk $0xffff, v2  }
0xa7: {  	s6 =	sand.u32 $0xFFFF8000, s6;
	s11 =	sand.u32 $0xFFFF8000, s11;
	p0 =	slt.u32 s13, $0x3F80;
	[tilespmem:s0+$0x4020] =	vst.add.f32.msk $0xffff, v3  }
0xa8: {  	s6 =	ssub.s32 s6, s11;
	[tilespmem:s0+$0x4030] =	vst.add.f32.msk $0xffff, v4  }
0xa9: {  	s2 =	sadd.s32 $0x400, s2;
	s11 =	sshrl.u32 s7, $0x3;
	s6 =	sshra.s32 s6, $0x2;
	[tilespmem:s0+$0x4040] =	vst.add.f32.msk $0xffff, v5  }
0xaa: {  	s11 =	sand.u32 $0x380, s11;
	s22 =	sadd.s32 s6, s2;
	[tilespmem:s0+$0x4050] =	vst.add.f32.msk $0xffff, v1  }
0xab: {  	s22 =	sadd.s32 s11, s22;
	[tilespmem:s0+$0x4060] =	vst.add.f32.msk $0xffff, v0  }
0xac: {  	v0 =	vld [tilespmem:s22+$0x30]  }
0xad: {  	v6 =	vld [tilespmem:s22+$0xFFFFFFC0]  }
0xae: {  	s31 =	sadd.s32 $0x400, s31;
	v2 =	vld [tilespmem:s22+$0xFFFFFFD0]  }
0xaf: {  	s0 =	sadd.s32 s6, s31;
	v3 =	vld [tilespmem:s22+$0xFFFFFFE0]  }
0xb0: {  	s0 =	sadd.s32 s11, s0;
	v4 =	vld [tilespmem:s22+$0xFFFFFFF0]  }
.Ltmp3:
0xb1: {  	[tilespmem:s0+$0x4070] =	vst.add.f32.msk $0xffff, v0;
	(pc) =	sbr.rel @p0 .LBB2_9-.Ltmp3, $4  }
0xb2: {  	v5 =	vld [tilespmem:s22+$0x0]  }
0xb3: {  	v1 =	vld [tilespmem:s22+$0x10]  }
0xb4: {  	v0 =	vld [tilespmem:s22+$0x20]  }
0xb5: {  	s7 =	sadd.s32 $0x80, s7;
	[tilespmem:s0+$0x4000] =	vst.add.f32.msk $0xffff, v6  }
0xb6: {  	[tilespmem:s0+$0x4010] =	vst.add.f32.msk $0xffff, v2  }
0xb7: {  	[tilespmem:s0+$0x4020] =	vst.add.f32.msk $0xffff, v3  }
0xb8: {  	[tilespmem:s0+$0x4030] =	vst.add.f32.msk $0xffff, v4  }
0xb9: {  	[tilespmem:s0+$0x4040] =	vst.add.f32.msk $0xffff, v5  }
0xba: {  	[tilespmem:s0+$0x4050] =	vst.add.f32.msk $0xffff, v1  }
0xbb: {  	s7 =	sadd.s32 s3, s28;
	p0 =	sgt.u32 s29, $0x3B;
	[tilespmem:s0+$0x4060] =	vst.add.f32.msk $0xffff, v0  }
0xbc: {  	[hbm4b:s7+s4] =	stream.linear.scatter [tilespmem:s17], [sflag:$0x4], $0x4000, $0x38;
	[tilespmem:$0x10000] =	vst v63  }
0xbd: {  	s2 =	simm.s32 @!p0 $0x0;
	s6 =	simm.s32 @!p0 $0x8000;
	s0 =	sadd.s32 @!p0 s12, s30  }
0xbe: {  	[tilespmem:s6], [sflag:$0x5] =	stream.linear.gather @!p0 [hbm4b:s0+s2], $0x4000, $0x38;
	[tilespmem:$0x10000] =	vst v63  }
0xbf: {  	_ =	swait.ge [sflag:s21], $0x4000  }
0xc0: {  	[sflag:s21] =	ssyncset.done $0x0  }
0xc1: {  	[sflag:s21] =	ssyncadd.s32 $0xFFFFC000  }
0xc2: {  	_ =	swait.ge [sflag:s16], $0x4000  }
0xc3: {  	[sflag:s16] =	ssyncset.done $0x0  }
0xc4: {  	s11 =	sadd.s32 $0x804000, s25;
	[sflag:s16] =	ssyncadd.s32 $0xFFFFC000  }
0xc5: {  	s29 =	simm.s32 $0x0;
	s0 =	sor.u32 s9, s11;
	_ =	swait.ge [sflag:s20], $0x4000  }
0xc6: {  	s13 =	simm.s32 $0x0;
	s28 =	sshrl.u32 s0, $0x3;
	[sflag:s20] =	ssyncset.done $0x0  }
0xc7: {  	s22 =	simm.s32 $0x0;
	s0 =	sadd.s32 s1, s28;
	[sflag:s20] =	ssyncadd.s32 $0xFFFFC000  }
0xc8: {  	[tilespmem:s17], [sflag:$0x2] =	stream.linear.gather [hbm4b:s0+s29], $0x4000, $0x38;
	[tilespmem:$0x10000] =	vst v63  }
0xc9: {  	s2 =	sand.u32 $0xFFFF8000, s22;
	s0 =	sand.u32 $0xFFFF8000, s13  }
0xca: {  	s0 =	ssub.s32 s0, s2  }
0xcb: {  	s30 =	simm.s32 $0x0;
	s0 =	sshra.s32 s0, $0x2  }
0xcc: {  	s2 =	sand.u32 $0x380, s30;
	s31 =	sadd.s32 $0xC040, s0  }
0xcd: {  	s6 =	sadd.s32 s2, s31  }
0xce: {  	v0 =	vld [tilespmem:s6+$0x30]  }
0xcf: {  	v6 =	vld [tilespmem:s6+$0xFFFFFFC0]  }
0xd0: {  	v2 =	vld [tilespmem:s6+$0xFFFFFFD0]  }
0xd1: {  	v3 =	vld [tilespmem:s6+$0xFFFFFFE0]  }
0xd2: {  	v4 =	vld [tilespmem:s6+$0xFFFFFFF0]  }
0xd3: {  	s0 =	sadd.s32 $0x0, s0;
	v5 =	vld [tilespmem:s6+$0x0]  }
0xd4: {  	s0 =	sadd.s32 s2, s0;
	v1 =	vld [tilespmem:s6+$0x10]  }
0xd5: {  	[tilespmem:s0+$0x70] =	vst.add.f32.msk $0xffff, v0  }
0xd6: {  	v0 =	vld [tilespmem:s6+$0x20]  }
0xd7: {  	s7 =	simm.s32 $0x80;
	s13 =	simm.s32 $0x0;
	s2 =	simm.s32 $0xC040;
	[tilespmem:s0+$0x0] =	vst.add.f32.msk $0xffff, v6  }
.LBB2_11:
0xd8: {  	s6 =	sshll.u32 s7, $0x2;
	s11 =	sshll.u32 s7, $0x5;
	s13 =	sadd.s32 $0x80, s13;
	[tilespmem:s0+$0x10] =	vst.add.f32.msk $0xffff, v2  }
0xd9: {  	s6 =	sand.u32 $0xFFFF8000, s6;
	s11 =	sand.u32 $0xFFFF8000, s11;
	p0 =	slt.u32 s13, $0x3F80;
	[tilespmem:s0+$0x20] =	vst.add.f32.msk $0xffff, v3  }
0xda: {  	s6 =	ssub.s32 s6, s11;
	[tilespmem:s0+$0x30] =	vst.add.f32.msk $0xffff, v4  }
0xdb: {  	s2 =	sadd.s32 $0x400, s2;
	s11 =	sshrl.u32 s7, $0x3;
	s6 =	sshra.s32 s6, $0x2;
	[tilespmem:s0+$0x40] =	vst.add.f32.msk $0xffff, v5  }
0xdc: {  	s11 =	sand.u32 $0x380, s11;
	s22 =	sadd.s32 s6, s2;
	[tilespmem:s0+$0x50] =	vst.add.f32.msk $0xffff, v1  }
0xdd: {  	s22 =	sadd.s32 s11, s22;
	[tilespmem:s0+$0x60] =	vst.add.f32.msk $0xffff, v0  }
0xde: {  	v0 =	vld [tilespmem:s22+$0x30]  }
0xdf: {  	v6 =	vld [tilespmem:s22+$0xFFFFFFC0]  }
0xe0: {  	s29 =	sadd.s32 $0x400, s29;
	v2 =	vld [tilespmem:s22+$0xFFFFFFD0]  }
0xe1: {  	s0 =	sadd.s32 s6, s29;
	v3 =	vld [tilespmem:s22+$0xFFFFFFE0]  }
0xe2: {  	s0 =	sadd.s32 s11, s0;
	v4 =	vld [tilespmem:s22+$0xFFFFFFF0]  }
.Ltmp4:
0xe3: {  	[tilespmem:s0+$0x70] =	vst.add.f32.msk $0xffff, v0;
	(pc) =	sbr.rel @p0 .LBB2_11-.Ltmp4, $4  }
0xe4: {  	v5 =	vld [tilespmem:s22+$0x0]  }
0xe5: {  	v1 =	vld [tilespmem:s22+$0x10]  }
0xe6: {  	v0 =	vld [tilespmem:s22+$0x20]  }
0xe7: {  	s7 =	sadd.s32 $0x80, s7;
	[tilespmem:s0+$0x0] =	vst.add.f32.msk $0xffff, v6  }
0xe8: {  	[tilespmem:s0+$0x10] =	vst.add.f32.msk $0xffff, v2  }
0xe9: {  	[tilespmem:s0+$0x20] =	vst.add.f32.msk $0xffff, v3  }
0xea: {  	[tilespmem:s0+$0x30] =	vst.add.f32.msk $0xffff, v4  }
0xeb: {  	[tilespmem:s0+$0x40] =	vst.add.f32.msk $0xffff, v5  }
0xec: {  	[tilespmem:s0+$0x50] =	vst.add.f32.msk $0xffff, v1  }
0xed: {  	s22 =	sadd.s32 s3, s26;
	s29 =	simm.s32 $0x0;
	[tilespmem:s0+$0x60] =	vst.add.f32.msk $0xffff, v0  }
0xee: {  	[hbm4b:s22+s29] =	stream.linear.scatter [tilespmem:s29], [sflag:$0x3], $0x4000, $0x38;
	[tilespmem:$0x10000] =	vst v63  }
0xef: {  	_ =	swait.ge [sflag:s18], $0x4000  }
0xf0: {  	[sflag:s18] =	ssyncset.done $0x0  }
0xf1: {  	s26 =	sadd.s32 $0x1004000, s25;
	[sflag:s18] =	ssyncadd.s32 $0xFFFFC000  }
0xf2: {  	s0 =	sor.u32 s9, s26;
	_ =	swait.ge [sflag:s19], $0x4000  }
0xf3: {  	s2 =	simm.s32 $0x0;
	s26 =	sshrl.u32 s0, $0x3;
	[sflag:s19] =	ssyncset.done $0x0  }
0xf4: {  	s30 =	sand.u32 $0xFFFFE000, s29;
	s0 =	sadd.s32 s1, s26;
	[sflag:s19] =	ssyncadd.s32 $0xFFFFC000  }
0xf5: {  	[tilespmem:s29], [sflag:$0x1] =	stream.linear.gather [hbm4b:s0+s29], $0x4000, $0x38;
	[tilespmem:$0x10000] =	vst v63  }
0xf6: {  	s6 =	simm.s32 $0x0;
	s2 =	sand.u32 $0xFFFFE000, s2;
	s0 =	sadd.s32 $0x0, s30  }
0xf7: {  	s31 =	sand.u32 $0x380, s6;
	s0 =	ssub.s32 s0, s2  }
0xf8: {  	s0 =	sadd.s32 s0, s31  }
0xf9: {  	v0 =	vld [tilespmem:s0+$0xC070]  }
0xfa: {  	v5 =	vld [tilespmem:s0+$0xC000]  }
0xfb: {  	v6 =	vld [tilespmem:s0+$0xC010]  }
0xfc: {  	v4 =	vld [tilespmem:s0+$0xC020]  }
0xfd: {  	v2 =	vld [tilespmem:s0+$0xC030]  }
0xfe: {  	v3 =	vld [tilespmem:s0+$0xC040]  }
0xff: {  	v1 =	vld [tilespmem:s0+$0xC060]  }
0x100: {  	[tilespmem:s0+$0x4070] =	vst.add.f32.msk $0xffff, v0  }
0x101: {  	v0 =	vld [tilespmem:s0+$0xC050]  }
0x102: {  	[tilespmem:s0+$0x4000] =	vst.add.f32.msk $0xffff, v5  }
0x103: {  	s7 =	simm.s32 $0x80;
	s2 =	simm.s32 $0x0;
	[tilespmem:s0+$0x4010] =	vst.add.f32.msk $0xffff, v6  }
.LBB2_13:
0x104: {  	s6 =	sshrl.u32 s7, $0x3;
	[tilespmem:s0+$0x4020] =	vst.add.f32.msk $0xffff, v4;
	s29 =	sadd.s32 $0x400, s29  }
0x105: {  	s11 =	sand.u32 $0xFFFFE000, s7;
	s13 =	sshll.u32 s7, $0x3;
	s2 =	sadd.s32 $0x80, s2;
	[tilespmem:s0+$0x4030] =	vst.add.f32.msk $0xffff, v2  }
0x106: {  	s11 =	sadd.s32 s11, s29;
	s13 =	sand.u32 $0xFFFFE000, s13;
	p0 =	slt.u32 s2, $0x3F80;
	[tilespmem:s0+$0x4040] =	vst.add.f32.msk $0xffff, v3  }
0x107: {  	s6 =	sand.u32 $0x380, s6;
	s11 =	ssub.s32 s11, s13;
	[tilespmem:s0+$0x4050] =	vst.add.f32.msk $0xffff, v0  }
0x108: {  	[tilespmem:s0+$0x4060] =	vst.add.f32.msk $0xffff, v1;
	s0 =	sadd.s32 s11, s6  }
0x109: {  	v0 =	vld [tilespmem:s0+$0xC070]  }
0x10a: {  	v5 =	vld [tilespmem:s0+$0xC000]  }
0x10b: {  	v6 =	vld [tilespmem:s0+$0xC010]  }
0x10c: {  	v4 =	vld [tilespmem:s0+$0xC020]  }
0x10d: {  	v2 =	vld [tilespmem:s0+$0xC030]  }
0x10e: {  	[tilespmem:s0+$0x4070] =	vst.add.f32.msk $0xffff, v0  }
.Ltmp5:
0x10f: {  	v3 =	vld [tilespmem:s0+$0xC040];
	(pc) =	sbr.rel @p0 .LBB2_13-.Ltmp5, $4  }
0x110: {  	v0 =	vld [tilespmem:s0+$0xC050]  }
0x111: {  	v1 =	vld [tilespmem:s0+$0xC060]  }
0x112: {  	[tilespmem:s0+$0x4000] =	vst.add.f32.msk $0xffff, v5  }
0x113: {  	s7 =	sadd.s32 $0x80, s7;
	[tilespmem:s0+$0x4010] =	vst.add.f32.msk $0xffff, v6  }
0x114: {  	[tilespmem:s0+$0x4020] =	vst.add.f32.msk $0xffff, v4  }
0x115: {  	[tilespmem:s0+$0x4030] =	vst.add.f32.msk $0xffff, v2  }
0x116: {  	[tilespmem:s0+$0x4040] =	vst.add.f32.msk $0xffff, v3  }
0x117: {  	[tilespmem:s0+$0x4050] =	vst.add.f32.msk $0xffff, v0  }
0x118: {  	s22 =	sadd.s32 s3, s28;
	s28 =	simm.s32 $0x0;
	[tilespmem:s0+$0x4060] =	vst.add.f32.msk $0xffff, v1  }
0x119: {  	[hbm4b:s22+s28] =	stream.linear.scatter [tilespmem:s17], [sflag:$0x4], $0x4000, $0x38;
	[tilespmem:$0x10000] =	vst v63  }
0x11a: {  	_ =	swait.ge [sflag:s16], $0x4000  }
0x11b: {  	[sflag:s16] =	ssyncset.done $0x0  }
0x11c: {  	s29 =	sadd.s32 $0x1804000, s25;
	[sflag:s16] =	ssyncadd.s32 $0xFFFFC000  }
0x11d: {  	s0 =	sor.u32 s9, s29;
	_ =	swait.ge [sflag:s20], $0x4000  }
0x11e: {  	s30 =	simm.s32 $0x0;
	s25 =	sshrl.u32 s0, $0x3;
	[sflag:s20] =	ssyncset.done $0x0  }
0x11f: {  	s2 =	simm.s32 $0x0;
	s0 =	sadd.s32 s1, s25;
	[sflag:s20] =	ssyncadd.s32 $0xFFFFC000  }
0x120: {  	[tilespmem:s17], [sflag:$0x2] =	stream.linear.gather [hbm4b:s0+s28], $0x4000, $0x38;
	[tilespmem:$0x10000] =	vst v63  }
0x121: {  	s2 =	sand.u32 $0xFFFF8000, s2;
	s0 =	sand.u32 $0xFFFF8000, s30  }
0x122: {  	s0 =	ssub.s32 s0, s2  }
0x123: {  	s31 =	simm.s32 $0x0;
	s0 =	sshra.s32 s0, $0x2  }
0x124: {  	s2 =	sand.u32 $0x380, s31;
	s6 =	sadd.s32 $0xC040, s0  }
0x125: {  	s6 =	sadd.s32 s2, s6  }
0x126: {  	v0 =	vld [tilespmem:s6+$0x30]  }
0x127: {  	v6 =	vld [tilespmem:s6+$0xFFFFFFC0]  }
0x128: {  	v2 =	vld [tilespmem:s6+$0xFFFFFFD0]  }
0x129: {  	v3 =	vld [tilespmem:s6+$0xFFFFFFE0]  }
0x12a: {  	v4 =	vld [tilespmem:s6+$0xFFFFFFF0]  }
0x12b: {  	s0 =	sadd.s32 $0x0, s0;
	v5 =	vld [tilespmem:s6+$0x0]  }
0x12c: {  	s0 =	sadd.s32 s2, s0;
	v1 =	vld [tilespmem:s6+$0x10]  }
0x12d: {  	[tilespmem:s0+$0x70] =	vst.add.f32.msk $0xffff, v0  }
0x12e: {  	v0 =	vld [tilespmem:s6+$0x20]  }
0x12f: {  	s13 =	simm.s32 $0x0;
	s7 =	simm.s32 $0x80;
	s2 =	simm.s32 $0xC040;
	[tilespmem:s0+$0x0] =	vst.add.f32.msk $0xffff, v6  }
.LBB2_15:
0x130: {  	s6 =	sshll.u32 s7, $0x2;
	s11 =	sshll.u32 s7, $0x5;
	s13 =	sadd.s32 $0x80, s13;
	[tilespmem:s0+$0x10] =	vst.add.f32.msk $0xffff, v2  }
0x131: {  	s6 =	sand.u32 $0xFFFF8000, s6;
	s11 =	sand.u32 $0xFFFF8000, s11;
	p0 =	slt.u32 s13, $0x3F80;
	[tilespmem:s0+$0x20] =	vst.add.f32.msk $0xffff, v3  }
0x132: {  	s6 =	ssub.s32 s6, s11;
	[tilespmem:s0+$0x30] =	vst.add.f32.msk $0xffff, v4  }
0x133: {  	s2 =	sadd.s32 $0x400, s2;
	s11 =	sshrl.u32 s7, $0x3;
	s6 =	sshra.s32 s6, $0x2;
	[tilespmem:s0+$0x40] =	vst.add.f32.msk $0xffff, v5  }
0x134: {  	s11 =	sand.u32 $0x380, s11;
	s22 =	sadd.s32 s6, s2;
	[tilespmem:s0+$0x50] =	vst.add.f32.msk $0xffff, v1  }
0x135: {  	s22 =	sadd.s32 s11, s22;
	[tilespmem:s0+$0x60] =	vst.add.f32.msk $0xffff, v0  }
0x136: {  	v0 =	vld [tilespmem:s22+$0x30]  }
0x137: {  	v6 =	vld [tilespmem:s22+$0xFFFFFFC0]  }
0x138: {  	s28 =	sadd.s32 $0x400, s28;
	v2 =	vld [tilespmem:s22+$0xFFFFFFD0]  }
0x139: {  	s0 =	sadd.s32 s6, s28;
	v3 =	vld [tilespmem:s22+$0xFFFFFFE0]  }
0x13a: {  	s0 =	sadd.s32 s11, s0;
	v4 =	vld [tilespmem:s22+$0xFFFFFFF0]  }
.Ltmp6:
0x13b: {  	[tilespmem:s0+$0x70] =	vst.add.f32.msk $0xffff, v0;
	(pc) =	sbr.rel @p0 .LBB2_15-.Ltmp6, $4  }
0x13c: {  	v5 =	vld [tilespmem:s22+$0x0]  }
0x13d: {  	v1 =	vld [tilespmem:s22+$0x10]  }
0x13e: {  	v0 =	vld [tilespmem:s22+$0x20]  }
0x13f: {  	s7 =	sadd.s32 $0x80, s7;
	[tilespmem:s0+$0x0] =	vst.add.f32.msk $0xffff, v6  }
0x140: {  	[tilespmem:s0+$0x10] =	vst.add.f32.msk $0xffff, v2  }
0x141: {  	[tilespmem:s0+$0x20] =	vst.add.f32.msk $0xffff, v3  }
0x142: {  	[tilespmem:s0+$0x30] =	vst.add.f32.msk $0xffff, v4  }
0x143: {  	[tilespmem:s0+$0x40] =	vst.add.f32.msk $0xffff, v5  }
0x144: {  	[tilespmem:s0+$0x50] =	vst.add.f32.msk $0xffff, v1  }
0x145: {  	s28 =	sadd.s32 s3, s26;
	[tilespmem:s0+$0x60] =	vst.add.f32.msk $0xffff, v0  }
0x146: {  	[hbm4b:s28+s4] =	stream.linear.scatter [tilespmem:s4], [sflag:$0x3], $0x4000, $0x38;
	[tilespmem:$0x10000] =	vst v63  }
0x147: {  	_ =	swait.ge [sflag:s18], $0x4000  }
0x148: {  	[sflag:s18] =	ssyncset.done $0x0  }
0x149: {  	[sflag:s18] =	ssyncadd.s32 $0xFFFFC000  }
0x14a: {  	p0 =	seq.s32 s23, $0x7;
	s30 =	simm.s32 $0x0;
	_ =	swait.ge [sflag:s19], $0x4000  }
0x14b: {  	s0 =	sadd.s32 @!p0 s24, s10;
	s24 =	simm.s32 $0x0;
	[sflag:s19] =	ssyncset.done $0x0  }
0x14c: {  	s2 =	simm.s32 @!p0 $0x0;
	s29 =	sand.u32 $0xFFFFE000, s24;
	[sflag:s19] =	ssyncadd.s32 $0xFFFFC000  }
0x14d: {  	[tilespmem:s2], [sflag:$0x1] =	stream.linear.gather @!p0 [hbm4b:s0+s2], $0x4000, $0x38;
	[tilespmem:$0x10000] =	vst v63  }
0x14e: {  	s6 =	simm.s32 $0x0;
	s0 =	sadd.s32 $0x0, s29;
	s2 =	sand.u32 $0xFFFFE000, s30  }
0x14f: {  	s31 =	sand.u32 $0x380, s6;
	s0 =	ssub.s32 s0, s2  }
0x150: {  	s0 =	sadd.s32 s0, s31  }
0x151: {  	v0 =	vld [tilespmem:s0+$0xC070]  }
0x152: {  	v5 =	vld [tilespmem:s0+$0xC000]  }
0x153: {  	v6 =	vld [tilespmem:s0+$0xC010]  }
0x154: {  	v4 =	vld [tilespmem:s0+$0xC020]  }
0x155: {  	v2 =	vld [tilespmem:s0+$0xC030]  }
0x156: {  	v3 =	vld [tilespmem:s0+$0xC040]  }
0x157: {  	v1 =	vld [tilespmem:s0+$0xC060]  }
0x158: {  	[tilespmem:s0+$0x4070] =	vst.add.f32.msk $0xffff, v0  }
0x159: {  	v0 =	vld [tilespmem:s0+$0xC050]  }
0x15a: {  	[tilespmem:s0+$0x4000] =	vst.add.f32.msk $0xffff, v5  }
0x15b: {  	s7 =	simm.s32 $0x80;
	s2 =	simm.s32 $0x0;
	[tilespmem:s0+$0x4010] =	vst.add.f32.msk $0xffff, v6  }
.LBB2_17:
0x15c: {  	s6 =	sshrl.u32 s7, $0x3;
	[tilespmem:s0+$0x4020] =	vst.add.f32.msk $0xffff, v4;
	s24 =	sadd.s32 $0x400, s24  }
0x15d: {  	s11 =	sand.u32 $0xFFFFE000, s7;
	s13 =	sshll.u32 s7, $0x3;
	s2 =	sadd.s32 $0x80, s2;
	[tilespmem:s0+$0x4030] =	vst.add.f32.msk $0xffff, v2  }
0x15e: {  	s11 =	sadd.s32 s11, s24;
	s13 =	sand.u32 $0xFFFFE000, s13;
	p0 =	slt.u32 s2, $0x3F80;
	[tilespmem:s0+$0x4040] =	vst.add.f32.msk $0xffff, v3  }
0x15f: {  	s6 =	sand.u32 $0x380, s6;
	s11 =	ssub.s32 s11, s13;
	[tilespmem:s0+$0x4050] =	vst.add.f32.msk $0xffff, v0  }
0x160: {  	[tilespmem:s0+$0x4060] =	vst.add.f32.msk $0xffff, v1;
	s0 =	sadd.s32 s11, s6  }
0x161: {  	v0 =	vld [tilespmem:s0+$0xC070]  }
0x162: {  	v5 =	vld [tilespmem:s0+$0xC000]  }
0x163: {  	v6 =	vld [tilespmem:s0+$0xC010]  }
0x164: {  	v4 =	vld [tilespmem:s0+$0xC020]  }
0x165: {  	v2 =	vld [tilespmem:s0+$0xC030]  }
0x166: {  	[tilespmem:s0+$0x4070] =	vst.add.f32.msk $0xffff, v0  }
.Ltmp7:
0x167: {  	v3 =	vld [tilespmem:s0+$0xC040];
	(pc) =	sbr.rel @p0 .LBB2_17-.Ltmp7, $4  }
0x168: {  	v0 =	vld [tilespmem:s0+$0xC050]  }
0x169: {  	v1 =	vld [tilespmem:s0+$0xC060]  }
0x16a: {  	[tilespmem:s0+$0x4000] =	vst.add.f32.msk $0xffff, v5  }
0x16b: {  	s7 =	sadd.s32 $0x80, s7;
	[tilespmem:s0+$0x4010] =	vst.add.f32.msk $0xffff, v6  }
0x16c: {  	s23 =	sadd.s32 $0x1, s23  }
0x16d: {  	[tilespmem:s0+$0x4020] =	vst.add.f32.msk $0xffff, v4;
	p0 =	sne.s32 s23, $0x8  }
.Ltmp8:
0x16e: {  	[tilespmem:s0+$0x4030] =	vst.add.f32.msk $0xffff, v2;
	(pc) =	sbr.rel @p0 .LBB2_2-.Ltmp8, $4  }
0x16f: {  	[tilespmem:s0+$0x4040] =	vst.add.f32.msk $0xffff, v3  }
0x170: {  	[tilespmem:s0+$0x4050] =	vst.add.f32.msk $0xffff, v0  }
0x171: {  	s31 =	sadd.s32 s3, s25;
	[tilespmem:s0+$0x4060] =	vst.add.f32.msk $0xffff, v1  }
0x172: {  	[hbm4b:s31+s4] =	stream.linear.scatter [tilespmem:s17], [sflag:$0x4], $0x4000, $0x38;
	[tilespmem:$0x10000] =	vst v63  }
0x173: {  	_ =	swait.ge [sflag:s20], $0x4000  }
0x174: {  	s2 =	rddreg [dreg:$0x7]  }
0x175: {  	s0 =	rddreg [dreg:$0x6];
	s2 =	sadd.s32 $0x1, s2  }
0x176: {  	p0 =	sne.s32 s2, s0  }
.Ltmp9:
0x177: {  	_ = 	snop;
	(pc) =	sbr.rel @p0 .LBB2_1-.Ltmp9, $3  }
0x178: {  	_ =	sdelay $0x1  }
0x179: {  	[sflag:s20] =	ssyncset.done $0x0  }
0x17a: {  	[sflag:s20] =	ssyncadd.s32 $0xFFFFC000  }
0x17b: {  	_ =	sfence.sel $0x180000  }
0x17c: {  	[bflag:$0x0] =	sbarrier.arrive $0xFFFF  }
0x17d: {  	_ =	strace $0x90000047  }
0x17e: {  	s0 =	stileid.u32;
	[bflag:$0x2] =	sbarrier.arrive $0xFFFF  }
0x17f: {  	p0 =	sne.s32 s0, $0x0;
	s0 =	rddreg [dreg:$0x3]  }
0x180: {  	s0 =	sadd.s32 @!p0 $0x100000, s0  }
0x181: {  	[sflag:s0] =	ssyncadd.tile.s32 @!p0 $0x1;
	_ =	shalt  }
.Lfunc_end2:
_tile_overlayer_lowered:
.L_overlay_start_2:
0x182: {  	(tag) =	ssettag $0x2  }
0x183: {  	s0 =	rddreg [dreg:$0x0];
	s2 =	stileid.u32  }
0x184: {  	s1 =	rddreg [dreg:$0x1];
	p0 =	sne.s32 s2, $0x0  }
0x185: {  	s3 =	rddreg [dreg:$0x2];
	[bflag:$0x3] =	sbarrier.arrive $0xFFFF;
	s2 =	simm.s32 @!p0 $0x1C07  }
0x186: {  	[timem:s3], [sflag:s2] =	dma.local @!p0 [hbm:s0], s1  }
0x187: {  	s0 =	simm.s32 @!p0 $0x7  }
0x188: {  	_ =	swait.ge @!p0 [sflag:s0], s1  }
0x189: {  	s1 =	ssub.s32 @!p0 $0x0, s1;
	[sflag:s0] =	ssyncset.done @!p0 $0x0  }
0x18a: {  	[sflag:s0] =	ssyncadd.s32 @!p0 s1  }
0x18b: {  	[bflag:$0x3] =	sbarrier.arrive $0xFFFF  }
0x18c: {  	_ =	shalt  }

</sc_bundles>
